<compile_context>
chip_gen: v7x
topology: tpu7x:2x2x1
jax: 0.10.2.dev20260603
libtpu: 0.0.44.dev20260713+nightly
codegen_flags: <defaults>
</compile_context>

<pallas_src>
import jax
import jax.numpy as jnp
from jax import lax
from jax.experimental import pallas as pl
from jax.experimental.pallas import tpu as pltpu
from jax.experimental.pallas import tpu_sc as plsc

NC = 2
NS = 16
NW = NC * NS
L = 16

ROWS, COLS, D = 16384, 200, 5
PER_W = ROWS // NW
IB = 128
JB = 40
NJB = COLS // JB
NSTEP = (PER_W // IB) * NJB


def _body(xt_hbm, w_hbm, out_hbm, x_t0, x_t1, w_t, o_t0, o_t1,
          sx0, sx1, so0, so1):
    wid = lax.axis_index("s") * NC + lax.axis_index("c")
    i0w = wid * PER_W
    cvecs = [jnp.full((L,), c, jnp.int32) for c in range(D)]
    x_bufs = (x_t0, x_t1)
    o_bufs = (o_t0, o_t1)
    sx = (sx0, sx1)
    so = (so0, so1)

    def x_cp(step, p):
        ib = step // NJB
        jb = step % NJB
        return pltpu.make_async_copy(
            xt_hbm.at[pl.ds(jb * JB, JB), pl.ds(i0w + ib * IB, IB)],
            x_bufs[p], sx[p])

    def o_cp(step, c, p):
        ib = step // NJB
        jb = step % NJB
        return pltpu.make_async_copy(
            o_bufs[p].at[c],
            out_hbm.at[pl.ds(c * COLS + jb * JB, JB),
                       pl.ds(i0w + ib * IB, IB)],
            so[p])

    x_cp(0, 0).start()
    x_cp(1, 1).start()
    pltpu.sync_copy(w_hbm, w_t)

    def pair(s, _):
        for p in range(2):
            step = s * 2 + p
            x_t = x_bufs[p]
            o_t = o_bufs[p]
            x_cp(step, p).wait()

            @pl.when(step >= 2)
            def _drain():
                for c in range(D):
                    o_cp(step, c, p).wait()

            @plsc.parallel_loop(0, JB, unroll=1)
            def _grp(jrel):
                for g in range(IB // L):
                    xv = x_t[jrel, pl.ds(g * L, L)]
                    for c in range(D):
                        vals = plsc.load_gather(w_t, [cvecs[c], xv])
                        o_t[c, jrel, pl.ds(g * L, L)] = vals

            for c in range(D):
                o_cp(step, c, p).start()

            @pl.when(step + 2 < NSTEP)
            def _next_x():
                x_cp(step + 2, p).start()
        return 0

    lax.fori_loop(0, NSTEP // 2, pair, 0, unroll=False)
    for c in range(D):
        o_cp(NSTEP - 2, c, 0).wait()
        o_cp(NSTEP - 1, c, 1).wait()


@jax.jit
def kernel(x, weight):
    xt = x.astype(jnp.int32).T
    wt = weight.astype(jnp.float32).T
    mesh = plsc.VectorSubcoreMesh(core_axis_name="c", subcore_axis_name="s")
    run = pl.kernel(
        _body,
        out_type=jax.ShapeDtypeStruct((D * COLS, ROWS), jnp.float32),
        mesh=mesh,
        scratch_types=[
            pltpu.VMEM((JB, IB), jnp.int32),
            pltpu.VMEM((JB, IB), jnp.int32),
            pltpu.VMEM((D, 14), jnp.float32),
            pltpu.VMEM((D, JB, IB), jnp.float32),
            pltpu.VMEM((D, JB, IB), jnp.float32),
            pltpu.SemaphoreType.DMA,
            pltpu.SemaphoreType.DMA,
            pltpu.SemaphoreType.DMA,
            pltpu.SemaphoreType.DMA,
        ],
        compiler_params=pltpu.CompilerParams(
            needs_layout_passes=False, use_tc_tiling_on_sc=True),
    )
    out = run(xt, wt)
    return out.reshape(D, COLS, ROWS).transpose(2, 1, 0)

# --- scband reference (transcript-rebuilt; emitter-appended) ---
"""Pipeline reference for scband-sparse-embedding-16638703304867 (READ-ONLY COPY).

The authoritative reference and input builder live on the scoring server;
editing this copy changes nothing except your own understanding.
"""

import jax, jax.numpy as jnp
import numpy as np

DIGIT_EMBED_SCALE = 10
DIGIT_DIM = 0
EQ_DIM = 1
SPECIAL_DIM = 2

def _build_weight():
    w = np.zeros((14, 5), dtype=np.float32)
    for i in range(1, 10):
        w[i, DIGIT_DIM] = float(i * DIGIT_EMBED_SCALE)
    w[10, EQ_DIM] = 1.0
    w[10, SPECIAL_DIM] = 1.0
    w[11, SPECIAL_DIM] = 1.0
    w[13, SPECIAL_DIM] = 1.0
    return jnp.asarray(w)

def setup_inputs(seed: int = 0) -> dict:
    key = jax.random.key(seed)
    x = jax.random.randint(key, (16384, 200), 0, 14, dtype=jnp.int64 if jax.config.jax_enable_x64 else jnp.int32)
    weight = _build_weight()
    return {"x": x, "weight": weight}

def reference(x, weight):
    # Faithful translation of SparseEmbedding.forward: weight[x]
    return jnp.take(weight, x, axis=0)

if __name__ == "__main__":
    import jax
    _d = setup_inputs()
    print(jax.jit(kernel)(*tuple(_d.values())))

</pallas_src>

<mosaic_0001>
#map = affine_map<(d0, d1) -> (0, 0)>
module attributes {stable_mosaic.version = 14 : i64} {
  func.func @_body(%arg0: i32, %arg1: i32, %arg2: memref<200x16384xi32, #tpu.memory_space<hbm>>, %arg3: memref<5x14xf32, #tpu.memory_space<hbm>>, %arg4: memref<1000x16384xf32, #tpu.memory_space<hbm>>, %arg5: memref<40x128xi32, #tpu.memory_space<vmem>>, %arg6: memref<40x128xi32, #tpu.memory_space<vmem>>, %arg7: memref<5x14xf32, #tpu.memory_space<vmem>>, %arg8: memref<5x40x128xf32, #tpu.memory_space<vmem>>, %arg9: memref<5x40x128xf32, #tpu.memory_space<vmem>>, %arg10: memref<!tpu.dma_semaphore, #tpu.memory_space<semaphore_mem>>, %arg11: memref<!tpu.dma_semaphore, #tpu.memory_space<semaphore_mem>>, %arg12: memref<!tpu.dma_semaphore, #tpu.memory_space<semaphore_mem>>, %arg13: memref<!tpu.dma_semaphore, #tpu.memory_space<semaphore_mem>>) attributes {dimension_semantics = [#tpu.dimension_semantics<core_parallel>, #tpu.dimension_semantics<subcore_parallel>], iteration_bounds = array<i64: 2, 16>, scalar_prefetch = 0 : i64, scratch_operands = 9 : i64, tpu.core_type = #tpu.core_type<sc_vector_subcore>, window_params = [{transform_indices = #map}, {transform_indices = #map}, {transform_indices = #map}]} {
    %mul3A = arith.constant 2 : i32
    %mul3A_0 = arith.muli %arg1, %mul3A : i32
    %add3A = arith.addi %mul3A_0, %arg0 : i32
    %mul3A_1 = arith.constant 512 : i32
    %mul3A_2 = arith.muli %add3A, %mul3A_1 : i32
    %broadcast_in_dim3A = arith.constant 0 : i32
    %broadcast_in_dim3A_3 = vector.broadcast %broadcast_in_dim3A : i32 to vector<16xi32>
    %broadcast_in_dim3A_4 = arith.constant 1 : i32
    %broadcast_in_dim3A_5 = vector.broadcast %broadcast_in_dim3A_4 : i32 to vector<16xi32>
    %broadcast_in_dim3A_6 = arith.constant 2 : i32
    %broadcast_in_dim3A_7 = vector.broadcast %broadcast_in_dim3A_6 : i32 to vector<16xi32>
    %broadcast_in_dim3A_8 = arith.constant 3 : i32
    %broadcast_in_dim3A_9 = vector.broadcast %broadcast_in_dim3A_8 : i32 to vector<16xi32>
    %broadcast_in_dim3A_10 = arith.constant 4 : i32
    %broadcast_in_dim3A_11 = vector.broadcast %broadcast_in_dim3A_10 : i32 to vector<16xi32>
    %add3A_12 = arith.constant 0 : i32
    %add3A_13 = arith.addi %mul3A_2, %add3A_12 : i32
    %dma_start3A = arith.constant 0 : i32
    %dma_start3A_14 = tpu.memref_slice %arg2[%dma_start3A, %add3A_13] : memref<200x16384xi32, #tpu.memory_space<hbm>> -> memref<40x128xi32, #tpu.memory_space<hbm>>
    %dma_start3A_15 = arith.constant 0 : i32
    %dma_start3A_16 = tpu.memref_slice %arg2[%dma_start3A_15, %add3A_13] : memref<200x16384xi32, #tpu.memory_space<hbm>> -> memref<40x128xi32, #tpu.memory_space<hbm>>
    tpu.enqueue_dma source(%dma_start3A_16 : memref<40x128xi32, #tpu.memory_space<hbm>>) target(%arg5 : memref<40x128xi32, #tpu.memory_space<vmem>>) target_semaphore(%arg10 : memref<!tpu.dma_semaphore, #tpu.memory_space<semaphore_mem>>)
    %add3A_17 = arith.constant 0 : i32
    %add3A_18 = arith.addi %mul3A_2, %add3A_17 : i32
    %dma_start3A_19 = arith.constant 40 : i32
    %dma_start3A_20 = tpu.memref_slice %arg2[%dma_start3A_19, %add3A_18] : memref<200x16384xi32, #tpu.memory_space<hbm>> -> memref<40x128xi32, #tpu.memory_space<hbm>>
    %dma_start3A_21 = arith.constant 40 : i32
    %dma_start3A_22 = tpu.memref_slice %arg2[%dma_start3A_21, %add3A_18] : memref<200x16384xi32, #tpu.memory_space<hbm>> -> memref<40x128xi32, #tpu.memory_space<hbm>>
    tpu.enqueue_dma source(%dma_start3A_22 : memref<40x128xi32, #tpu.memory_space<hbm>>) target(%arg6 : memref<40x128xi32, #tpu.memory_space<vmem>>) target_semaphore(%arg11 : memref<!tpu.dma_semaphore, #tpu.memory_space<semaphore_mem>>)
    "tpu.region"() ({
      %run_scoped3A = tpu.sem_alloc : memref<!tpu.dma_semaphore, #tpu.memory_space<semaphore_mem>>
      tpu.enqueue_dma source(%arg3 : memref<5x14xf32, #tpu.memory_space<hbm>>) target(%arg7 : memref<5x14xf32, #tpu.memory_space<vmem>>) target_semaphore(%run_scoped3A : memref<!tpu.dma_semaphore, #tpu.memory_space<semaphore_mem>>)
      tpu.wait_dma2 semaphore(%run_scoped3A : memref<!tpu.dma_semaphore, #tpu.memory_space<semaphore_mem>>) src(%arg3 : memref<5x14xf32, #tpu.memory_space<hbm>>) dst(%arg7 : memref<5x14xf32, #tpu.memory_space<vmem>>)
      tpu.yield
    }) : () -> ()
    %scan3A = arith.constant 0 : i32
    %scan3A_23 = arith.constant 0 : i32
    %scan3A_24 = arith.constant 10 : i32
    %scan3A_25 = arith.addi %scan3A_23, %scan3A_24 : i32
    %scan3A_26 = arith.constant 1 : i32
    %scan3A_27 = scf.for %scan3A_178 = %scan3A_23 to %scan3A_25 step %scan3A_26 iter_args(%scan3A_179 = %scan3A) -> (i32)  : i32 {
      %mul3A_180 = arith.constant 2 : i32
      %mul3A_181 = arith.muli %scan3A_178, %mul3A_180 : i32
      %add3A_182 = arith.constant 0 : i32
      %add3A_183 = arith.addi %mul3A_181, %add3A_182 : i32
      %jit3A = arith.constant 5 : i32
      %div3A = arith.divsi %add3A_183, %jit3A : i32
      %sign3A = arith.constant 0 : i32
      %sign3A_184 = arith.cmpi sgt, %add3A_183, %sign3A : i32
      %sign3A_185 = arith.extui %sign3A_184 : i1 to i32
      %sign3A_186 = arith.constant 0 : i32
      %sign3A_187 = arith.cmpi slt, %add3A_183, %sign3A_186 : i32
      %sign3A_188 = arith.extui %sign3A_187 : i1 to i32
      %sign3A_189 = arith.subi %sign3A_185, %sign3A_188 : i32
      %sign3A_190 = arith.constant 0 : i32
      %sign3A_191 = arith.cmpi sgt, %jit3A, %sign3A_190 : i32
      %sign3A_192 = arith.extui %sign3A_191 : i1 to i32
      %sign3A_193 = arith.constant 0 : i32
      %sign3A_194 = arith.cmpi slt, %jit3A, %sign3A_193 : i32
      %sign3A_195 = arith.extui %sign3A_194 : i1 to i32
      %sign3A_196 = arith.subi %sign3A_192, %sign3A_195 : i32
      %ne3A = arith.cmpi ne, %sign3A_189, %sign3A_196 : i32
      %rem3A = arith.remsi %add3A_183, %jit3A : i32
      %ne3A_197 = arith.constant 0 : i32
      %ne3A_198 = arith.cmpi ne, %rem3A, %ne3A_197 : i32
      %and3A = arith.andi %ne3A, %ne3A_198 : i1
      %sub3A = arith.constant 1 : i32
      %sub3A_199 = arith.subi %div3A, %sub3A : i32
      %select_n3A = arith.select %and3A, %sub3A_199, %div3A : i32
      %jit3A_200 = arith.constant 5 : i32
      %eq3A = arith.constant 0 : i32
      %eq3A_201 = arith.cmpi eq, %jit3A_200, %eq3A : i32
      %jit3A_202 = arith.constant 1 : i32
      %select_n3A_203 = arith.select %eq3A_201, %jit3A_202, %jit3A_200 : i32
      %rem3A_204 = arith.remsi %add3A_183, %select_n3A_203 : i32
      %ne3A_205 = arith.constant 0 : i32
      %ne3A_206 = arith.cmpi ne, %rem3A_204, %ne3A_205 : i32
      %lt3A = arith.constant 0 : i32
      %lt3A_207 = arith.cmpi slt, %rem3A_204, %lt3A : i32
      %lt3A_208 = arith.constant 0 : i32
      %lt3A_209 = arith.cmpi slt, %select_n3A_203, %lt3A_208 : i32
      %ne3A_210 = arith.xori %lt3A_207, %lt3A_209 : i1
      %and3A_211 = arith.andi %ne3A_210, %ne3A_206 : i1
      %add3A_212 = arith.addi %rem3A_204, %select_n3A_203 : i32
      %select_n3A_213 = arith.select %and3A_211, %add3A_212, %rem3A_204 : i32
      %mul3A_214 = arith.constant 40 : i32
      %mul3A_215 = arith.muli %select_n3A_213, %mul3A_214 : i32
      %mul3A_216 = arith.constant 128 : i32
      %mul3A_217 = arith.muli %select_n3A, %mul3A_216 : i32
      %add3A_218 = arith.addi %mul3A_2, %mul3A_217 : i32
      %dma_wait3A_219 = tpu.memref_slice %arg2[%mul3A_215, %add3A_218] : memref<200x16384xi32, #tpu.memory_space<hbm>> -> memref<40x128xi32, #tpu.memory_space<hbm>>
      %dma_wait3A_220 = tpu.memref_slice %arg2[%mul3A_215, %add3A_218] : memref<200x16384xi32, #tpu.memory_space<hbm>> -> memref<40x128xi32, #tpu.memory_space<hbm>>
      tpu.wait_dma2 semaphore(%arg10 : memref<!tpu.dma_semaphore, #tpu.memory_space<semaphore_mem>>) src(%dma_wait3A_220 : memref<40x128xi32, #tpu.memory_space<hbm>>) dst(%arg5 : memref<40x128xi32, #tpu.memory_space<vmem>>)
      %ge3A = arith.constant 2 : i32
      %ge3A_221 = arith.cmpi sge, %add3A_183, %ge3A : i32
      %convert_element_type3A = arith.extui %ge3A_221 : i1 to i32
      %cond3A = arith.constant 0 : i32
      %cond3A_222 = arith.cmpi ne, %convert_element_type3A, %cond3A : i32
      scf.if %cond3A_222 {
        %jit3A_879 = arith.constant 5 : i32
        %div3A_880 = arith.divsi %add3A_183, %jit3A_879 : i32
        %sign3A_881 = arith.constant 0 : i32
        %sign3A_882 = arith.cmpi sgt, %add3A_183, %sign3A_881 : i32
        %sign3A_883 = arith.extui %sign3A_882 : i1 to i32
        %sign3A_884 = arith.constant 0 : i32
        %sign3A_885 = arith.cmpi slt, %add3A_183, %sign3A_884 : i32
        %sign3A_886 = arith.extui %sign3A_885 : i1 to i32
        %sign3A_887 = arith.subi %sign3A_883, %sign3A_886 : i32
        %sign3A_888 = arith.constant 0 : i32
        %sign3A_889 = arith.cmpi sgt, %jit3A_879, %sign3A_888 : i32
        %sign3A_890 = arith.extui %sign3A_889 : i1 to i32
        %sign3A_891 = arith.constant 0 : i32
        %sign3A_892 = arith.cmpi slt, %jit3A_879, %sign3A_891 : i32
        %sign3A_893 = arith.extui %sign3A_892 : i1 to i32
        %sign3A_894 = arith.subi %sign3A_890, %sign3A_893 : i32
        %ne3A_895 = arith.cmpi ne, %sign3A_887, %sign3A_894 : i32
        %rem3A_896 = arith.remsi %add3A_183, %jit3A_879 : i32
        %ne3A_897 = arith.constant 0 : i32
        %ne3A_898 = arith.cmpi ne, %rem3A_896, %ne3A_897 : i32
        %and3A_899 = arith.andi %ne3A_895, %ne3A_898 : i1
        %sub3A_900 = arith.constant 1 : i32
        %sub3A_901 = arith.subi %div3A_880, %sub3A_900 : i32
        %select_n3A_902 = arith.select %and3A_899, %sub3A_901, %div3A_880 : i32
        %jit3A_903 = arith.constant 5 : i32
        %eq3A_904 = arith.constant 0 : i32
        %eq3A_905 = arith.cmpi eq, %jit3A_903, %eq3A_904 : i32
        %jit3A_906 = arith.constant 1 : i32
        %select_n3A_907 = arith.select %eq3A_905, %jit3A_906, %jit3A_903 : i32
        %rem3A_908 = arith.remsi %add3A_183, %select_n3A_907 : i32
        %ne3A_909 = arith.constant 0 : i32
        %ne3A_910 = arith.cmpi ne, %rem3A_908, %ne3A_909 : i32
        %lt3A_911 = arith.constant 0 : i32
        %lt3A_912 = arith.cmpi slt, %rem3A_908, %lt3A_911 : i32
        %lt3A_913 = arith.constant 0 : i32
        %lt3A_914 = arith.cmpi slt, %select_n3A_907, %lt3A_913 : i32
        %ne3A_915 = arith.xori %lt3A_912, %lt3A_914 : i1
        %and3A_916 = arith.andi %ne3A_915, %ne3A_910 : i1
        %add3A_917 = arith.addi %rem3A_908, %select_n3A_907 : i32
        %select_n3A_918 = arith.select %and3A_916, %add3A_917, %rem3A_908 : i32
        %mul3A_919 = arith.constant 40 : i32
        %mul3A_920 = arith.muli %select_n3A_918, %mul3A_919 : i32
        %add3A_921 = arith.constant 0 : i32
        %add3A_922 = arith.addi %add3A_921, %mul3A_920 : i32
        %mul3A_923 = arith.constant 128 : i32
        %mul3A_924 = arith.muli %select_n3A_902, %mul3A_923 : i32
        %add3A_925 = arith.addi %mul3A_2, %mul3A_924 : i32
        %dma_wait3A_926 = arith.constant 0 : i32
        %dma_wait3A_927 = arith.constant 0 : i32
        %dma_wait3A_928 = arith.constant 0 : i32
        %dma_wait3A_929 = tpu.memref_slice %arg8[%dma_wait3A_926, %dma_wait3A_927, %dma_wait3A_928] : memref<5x40x128xf32, #tpu.memory_space<vmem>> -> memref<1x40x128xf32, #tpu.memory_space<vmem>>
        %dma_wait3A_930 = tpu.memref_squeeze %dma_wait3A_929 : memref<1x40x128xf32, #tpu.memory_space<vmem>> -> memref<40x128xf32, #tpu.memory_space<vmem>>
        %dma_wait3A_931 = tpu.memref_slice %arg4[%add3A_922, %add3A_925] : memref<1000x16384xf32, #tpu.memory_space<hbm>> -> memref<40x128xf32, #tpu.memory_space<hbm>>
        %dma_wait3A_932 = tpu.memref_slice %arg4[%add3A_922, %add3A_925] : memref<1000x16384xf32, #tpu.memory_space<hbm>> -> memref<40x128xf32, #tpu.memory_space<hbm>>
        %dma_wait3A_933 = arith.constant 0 : i32
        %dma_wait3A_934 = arith.constant 0 : i32
        %dma_wait3A_935 = tpu.memref_slice %arg8[%dma_wait3A_926, %dma_wait3A_933, %dma_wait3A_934] : memref<5x40x128xf32, #tpu.memory_space<vmem>> -> memref<1x40x128xf32, #tpu.memory_space<vmem>>
        %dma_wait3A_936 = tpu.memref_squeeze %dma_wait3A_935 : memref<1x40x128xf32, #tpu.memory_space<vmem>> -> memref<40x128xf32, #tpu.memory_space<vmem>>
        tpu.wait_dma2 semaphore(%arg12 : memref<!tpu.dma_semaphore, #tpu.memory_space<semaphore_mem>>) src(%dma_wait3A_936 : memref<40x128xf32, #tpu.memory_space<vmem>>) dst(%dma_wait3A_932 : memref<40x128xf32, #tpu.memory_space<hbm>>)
        %jit3A_937 = arith.constant 5 : i32
        %div3A_938 = arith.divsi %add3A_183, %jit3A_937 : i32
        %sign3A_939 = arith.constant 0 : i32
        %sign3A_940 = arith.cmpi sgt, %add3A_183, %sign3A_939 : i32
        %sign3A_941 = arith.extui %sign3A_940 : i1 to i32
        %sign3A_942 = arith.constant 0 : i32
        %sign3A_943 = arith.cmpi slt, %add3A_183, %sign3A_942 : i32
        %sign3A_944 = arith.extui %sign3A_943 : i1 to i32
        %sign3A_945 = arith.subi %sign3A_941, %sign3A_944 : i32
        %sign3A_946 = arith.constant 0 : i32
        %sign3A_947 = arith.cmpi sgt, %jit3A_937, %sign3A_946 : i32
        %sign3A_948 = arith.extui %sign3A_947 : i1 to i32
        %sign3A_949 = arith.constant 0 : i32
        %sign3A_950 = arith.cmpi slt, %jit3A_937, %sign3A_949 : i32
        %sign3A_951 = arith.extui %sign3A_950 : i1 to i32
        %sign3A_952 = arith.subi %sign3A_948, %sign3A_951 : i32
        %ne3A_953 = arith.cmpi ne, %sign3A_945, %sign3A_952 : i32
        %rem3A_954 = arith.remsi %add3A_183, %jit3A_937 : i32
        %ne3A_955 = arith.constant 0 : i32
        %ne3A_956 = arith.cmpi ne, %rem3A_954, %ne3A_955 : i32
        %and3A_957 = arith.andi %ne3A_953, %ne3A_956 : i1
        %sub3A_958 = arith.constant 1 : i32
        %sub3A_959 = arith.subi %div3A_938, %sub3A_958 : i32
        %select_n3A_960 = arith.select %and3A_957, %sub3A_959, %div3A_938 : i32
        %jit3A_961 = arith.constant 5 : i32
        %eq3A_962 = arith.constant 0 : i32
        %eq3A_963 = arith.cmpi eq, %jit3A_961, %eq3A_962 : i32
        %jit3A_964 = arith.constant 1 : i32
        %select_n3A_965 = arith.select %eq3A_963, %jit3A_964, %jit3A_961 : i32
        %rem3A_966 = arith.remsi %add3A_183, %select_n3A_965 : i32
        %ne3A_967 = arith.constant 0 : i32
        %ne3A_968 = arith.cmpi ne, %rem3A_966, %ne3A_967 : i32
        %lt3A_969 = arith.constant 0 : i32
        %lt3A_970 = arith.cmpi slt, %rem3A_966, %lt3A_969 : i32
        %lt3A_971 = arith.constant 0 : i32
        %lt3A_972 = arith.cmpi slt, %select_n3A_965, %lt3A_971 : i32
        %ne3A_973 = arith.xori %lt3A_970, %lt3A_972 : i1
        %and3A_974 = arith.andi %ne3A_973, %ne3A_968 : i1
        %add3A_975 = arith.addi %rem3A_966, %select_n3A_965 : i32
        %select_n3A_976 = arith.select %and3A_974, %add3A_975, %rem3A_966 : i32
        %mul3A_977 = arith.constant 40 : i32
        %mul3A_978 = arith.muli %select_n3A_976, %mul3A_977 : i32
        %add3A_979 = arith.constant 200 : i32
        %add3A_980 = arith.addi %add3A_979, %mul3A_978 : i32
        %mul3A_981 = arith.constant 128 : i32
        %mul3A_982 = arith.muli %select_n3A_960, %mul3A_981 : i32
        %add3A_983 = arith.addi %mul3A_2, %mul3A_982 : i32
        %dma_wait3A_984 = arith.constant 1 : i32
        %dma_wait3A_985 = arith.constant 0 : i32
        %dma_wait3A_986 = arith.constant 0 : i32
        %dma_wait3A_987 = tpu.memref_slice %arg8[%dma_wait3A_984, %dma_wait3A_985, %dma_wait3A_986] : memref<5x40x128xf32, #tpu.memory_space<vmem>> -> memref<1x40x128xf32, #tpu.memory_space<vmem>>
        %dma_wait3A_988 = tpu.memref_squeeze %dma_wait3A_987 : memref<1x40x128xf32, #tpu.memory_space<vmem>> -> memref<40x128xf32, #tpu.memory_space<vmem>>
        %dma_wait3A_989 = tpu.memref_slice %arg4[%add3A_980, %add3A_983] : memref<1000x16384xf32, #tpu.memory_space<hbm>> -> memref<40x128xf32, #tpu.memory_space<hbm>>
        %dma_wait3A_990 = tpu.memref_slice %arg4[%add3A_980, %add3A_983] : memref<1000x16384xf32, #tpu.memory_space<hbm>> -> memref<40x128xf32, #tpu.memory_space<hbm>>
        %dma_wait3A_991 = arith.constant 0 : i32
        %dma_wait3A_992 = arith.constant 0 : i32
        %dma_wait3A_993 = tpu.memref_slice %arg8[%dma_wait3A_984, %dma_wait3A_991, %dma_wait3A_992] : memref<5x40x128xf32, #tpu.memory_space<vmem>> -> memref<1x40x128xf32, #tpu.memory_space<vmem>>
        %dma_wait3A_994 = tpu.memref_squeeze %dma_wait3A_993 : memref<1x40x128xf32, #tpu.memory_space<vmem>> -> memref<40x128xf32, #tpu.memory_space<vmem>>
        tpu.wait_dma2 semaphore(%arg12 : memref<!tpu.dma_semaphore, #tpu.memory_space<semaphore_mem>>) src(%dma_wait3A_994 : memref<40x128xf32, #tpu.memory_space<vmem>>) dst(%dma_wait3A_990 : memref<40x128xf32, #tpu.memory_space<hbm>>)
        %jit3A_995 = arith.constant 5 : i32
        %div3A_996 = arith.divsi %add3A_183, %jit3A_995 : i32
        %sign3A_997 = arith.constant 0 : i32
        %sign3A_998 = arith.cmpi sgt, %add3A_183, %sign3A_997 : i32
        %sign3A_999 = arith.extui %sign3A_998 : i1 to i32
        %sign3A_1000 = arith.constant 0 : i32
        %sign3A_1001 = arith.cmpi slt, %add3A_183, %sign3A_1000 : i32
        %sign3A_1002 = arith.extui %sign3A_1001 : i1 to i32
        %sign3A_1003 = arith.subi %sign3A_999, %sign3A_1002 : i32
        %sign3A_1004 = arith.constant 0 : i32
        %sign3A_1005 = arith.cmpi sgt, %jit3A_995, %sign3A_1004 : i32
        %sign3A_1006 = arith.extui %sign3A_1005 : i1 to i32
        %sign3A_1007 = arith.constant 0 : i32
        %sign3A_1008 = arith.cmpi slt, %jit3A_995, %sign3A_1007 : i32
        %sign3A_1009 = arith.extui %sign3A_1008 : i1 to i32
        %sign3A_1010 = arith.subi %sign3A_1006, %sign3A_1009 : i32
        %ne3A_1011 = arith.cmpi ne, %sign3A_1003, %sign3A_1010 : i32
        %rem3A_1012 = arith.remsi %add3A_183, %jit3A_995 : i32
        %ne3A_1013 = arith.constant 0 : i32
        %ne3A_1014 = arith.cmpi ne, %rem3A_1012, %ne3A_1013 : i32
        %and3A_1015 = arith.andi %ne3A_1011, %ne3A_1014 : i1
        %sub3A_1016 = arith.constant 1 : i32
        %sub3A_1017 = arith.subi %div3A_996, %sub3A_1016 : i32
        %select_n3A_1018 = arith.select %and3A_1015, %sub3A_1017, %div3A_996 : i32
        %jit3A_1019 = arith.constant 5 : i32
        %eq3A_1020 = arith.constant 0 : i32
        %eq3A_1021 = arith.cmpi eq, %jit3A_1019, %eq3A_1020 : i32
        %jit3A_1022 = arith.constant 1 : i32
        %select_n3A_1023 = arith.select %eq3A_1021, %jit3A_1022, %jit3A_1019 : i32
        %rem3A_1024 = arith.remsi %add3A_183, %select_n3A_1023 : i32
        %ne3A_1025 = arith.constant 0 : i32
        %ne3A_1026 = arith.cmpi ne, %rem3A_1024, %ne3A_1025 : i32
        %lt3A_1027 = arith.constant 0 : i32
        %lt3A_1028 = arith.cmpi slt, %rem3A_1024, %lt3A_1027 : i32
        %lt3A_1029 = arith.constant 0 : i32
        %lt3A_1030 = arith.cmpi slt, %select_n3A_1023, %lt3A_1029 : i32
        %ne3A_1031 = arith.xori %lt3A_1028, %lt3A_1030 : i1
        %and3A_1032 = arith.andi %ne3A_1031, %ne3A_1026 : i1
        %add3A_1033 = arith.addi %rem3A_1024, %select_n3A_1023 : i32
        %select_n3A_1034 = arith.select %and3A_1032, %add3A_1033, %rem3A_1024 : i32
        %mul3A_1035 = arith.constant 40 : i32
        %mul3A_1036 = arith.muli %select_n3A_1034, %mul3A_1035 : i32
        %add3A_1037 = arith.constant 400 : i32
        %add3A_1038 = arith.addi %add3A_1037, %mul3A_1036 : i32
        %mul3A_1039 = arith.constant 128 : i32
        %mul3A_1040 = arith.muli %select_n3A_1018, %mul3A_1039 : i32
        %add3A_1041 = arith.addi %mul3A_2, %mul3A_1040 : i32
        %dma_wait3A_1042 = arith.constant 2 : i32
        %dma_wait3A_1043 = arith.constant 0 : i32
        %dma_wait3A_1044 = arith.constant 0 : i32
        %dma_wait3A_1045 = tpu.memref_slice %arg8[%dma_wait3A_1042, %dma_wait3A_1043, %dma_wait3A_1044] : memref<5x40x128xf32, #tpu.memory_space<vmem>> -> memref<1x40x128xf32, #tpu.memory_space<vmem>>
        %dma_wait3A_1046 = tpu.memref_squeeze %dma_wait3A_1045 : memref<1x40x128xf32, #tpu.memory_space<vmem>> -> memref<40x128xf32, #tpu.memory_space<vmem>>
        %dma_wait3A_1047 = tpu.memref_slice %arg4[%add3A_1038, %add3A_1041] : memref<1000x16384xf32, #tpu.memory_space<hbm>> -> memref<40x128xf32, #tpu.memory_space<hbm>>
        %dma_wait3A_1048 = tpu.memref_slice %arg4[%add3A_1038, %add3A_1041] : memref<1000x16384xf32, #tpu.memory_space<hbm>> -> memref<40x128xf32, #tpu.memory_space<hbm>>
        %dma_wait3A_1049 = arith.constant 0 : i32
        %dma_wait3A_1050 = arith.constant 0 : i32
        %dma_wait3A_1051 = tpu.memref_slice %arg8[%dma_wait3A_1042, %dma_wait3A_1049, %dma_wait3A_1050] : memref<5x40x128xf32, #tpu.memory_space<vmem>> -> memref<1x40x128xf32, #tpu.memory_space<vmem>>
        %dma_wait3A_1052 = tpu.memref_squeeze %dma_wait3A_1051 : memref<1x40x128xf32, #tpu.memory_space<vmem>> -> memref<40x128xf32, #tpu.memory_space<vmem>>
        tpu.wait_dma2 semaphore(%arg12 : memref<!tpu.dma_semaphore, #tpu.memory_space<semaphore_mem>>) src(%dma_wait3A_1052 : memref<40x128xf32, #tpu.memory_space<vmem>>) dst(%dma_wait3A_1048 : memref<40x128xf32, #tpu.memory_space<hbm>>)
        %jit3A_1053 = arith.constant 5 : i32
        %div3A_1054 = arith.divsi %add3A_183, %jit3A_1053 : i32
        %sign3A_1055 = arith.constant 0 : i32
        %sign3A_1056 = arith.cmpi sgt, %add3A_183, %sign3A_1055 : i32
        %sign3A_1057 = arith.extui %sign3A_1056 : i1 to i32
        %sign3A_1058 = arith.constant 0 : i32
        %sign3A_1059 = arith.cmpi slt, %add3A_183, %sign3A_1058 : i32
        %sign3A_1060 = arith.extui %sign3A_1059 : i1 to i32
        %sign3A_1061 = arith.subi %sign3A_1057, %sign3A_1060 : i32
        %sign3A_1062 = arith.constant 0 : i32
        %sign3A_1063 = arith.cmpi sgt, %jit3A_1053, %sign3A_1062 : i32
        %sign3A_1064 = arith.extui %sign3A_1063 : i1 to i32
        %sign3A_1065 = arith.constant 0 : i32
        %sign3A_1066 = arith.cmpi slt, %jit3A_1053, %sign3A_1065 : i32
        %sign3A_1067 = arith.extui %sign3A_1066 : i1 to i32
        %sign3A_1068 = arith.subi %sign3A_1064, %sign3A_1067 : i32
        %ne3A_1069 = arith.cmpi ne, %sign3A_1061, %sign3A_1068 : i32
        %rem3A_1070 = arith.remsi %add3A_183, %jit3A_1053 : i32
        %ne3A_1071 = arith.constant 0 : i32
        %ne3A_1072 = arith.cmpi ne, %rem3A_1070, %ne3A_1071 : i32
        %and3A_1073 = arith.andi %ne3A_1069, %ne3A_1072 : i1
        %sub3A_1074 = arith.constant 1 : i32
        %sub3A_1075 = arith.subi %div3A_1054, %sub3A_1074 : i32
        %select_n3A_1076 = arith.select %and3A_1073, %sub3A_1075, %div3A_1054 : i32
        %jit3A_1077 = arith.constant 5 : i32
        %eq3A_1078 = arith.constant 0 : i32
        %eq3A_1079 = arith.cmpi eq, %jit3A_1077, %eq3A_1078 : i32
        %jit3A_1080 = arith.constant 1 : i32
        %select_n3A_1081 = arith.select %eq3A_1079, %jit3A_1080, %jit3A_1077 : i32
        %rem3A_1082 = arith.remsi %add3A_183, %select_n3A_1081 : i32
        %ne3A_1083 = arith.constant 0 : i32
        %ne3A_1084 = arith.cmpi ne, %rem3A_1082, %ne3A_1083 : i32
        %lt3A_1085 = arith.constant 0 : i32
        %lt3A_1086 = arith.cmpi slt, %rem3A_1082, %lt3A_1085 : i32
        %lt3A_1087 = arith.constant 0 : i32
        %lt3A_1088 = arith.cmpi slt, %select_n3A_1081, %lt3A_1087 : i32
        %ne3A_1089 = arith.xori %lt3A_1086, %lt3A_1088 : i1
        %and3A_1090 = arith.andi %ne3A_1089, %ne3A_1084 : i1
        %add3A_1091 = arith.addi %rem3A_1082, %select_n3A_1081 : i32
        %select_n3A_1092 = arith.select %and3A_1090, %add3A_1091, %rem3A_1082 : i32
        %mul3A_1093 = arith.constant 40 : i32
        %mul3A_1094 = arith.muli %select_n3A_1092, %mul3A_1093 : i32
        %add3A_1095 = arith.constant 600 : i32
        %add3A_1096 = arith.addi %add3A_1095, %mul3A_1094 : i32
        %mul3A_1097 = arith.constant 128 : i32
        %mul3A_1098 = arith.muli %select_n3A_1076, %mul3A_1097 : i32
        %add3A_1099 = arith.addi %mul3A_2, %mul3A_1098 : i32
        %dma_wait3A_1100 = arith.constant 3 : i32
        %dma_wait3A_1101 = arith.constant 0 : i32
        %dma_wait3A_1102 = arith.constant 0 : i32
        %dma_wait3A_1103 = tpu.memref_slice %arg8[%dma_wait3A_1100, %dma_wait3A_1101, %dma_wait3A_1102] : memref<5x40x128xf32, #tpu.memory_space<vmem>> -> memref<1x40x128xf32, #tpu.memory_space<vmem>>
        %dma_wait3A_1104 = tpu.memref_squeeze %dma_wait3A_1103 : memref<1x40x128xf32, #tpu.memory_space<vmem>> -> memref<40x128xf32, #tpu.memory_space<vmem>>
        %dma_wait3A_1105 = tpu.memref_slice %arg4[%add3A_1096, %add3A_1099] : memref<1000x16384xf32, #tpu.memory_space<hbm>> -> memref<40x128xf32, #tpu.memory_space<hbm>>
        %dma_wait3A_1106 = tpu.memref_slice %arg4[%add3A_1096, %add3A_1099] : memref<1000x16384xf32, #tpu.memory_space<hbm>> -> memref<40x128xf32, #tpu.memory_space<hbm>>
        %dma_wait3A_1107 = arith.constant 0 : i32
        %dma_wait3A_1108 = arith.constant 0 : i32
        %dma_wait3A_1109 = tpu.memref_slice %arg8[%dma_wait3A_1100, %dma_wait3A_1107, %dma_wait3A_1108] : memref<5x40x128xf32, #tpu.memory_space<vmem>> -> memref<1x40x128xf32, #tpu.memory_space<vmem>>
        %dma_wait3A_1110 = tpu.memref_squeeze %dma_wait3A_1109 : memref<1x40x128xf32, #tpu.memory_space<vmem>> -> memref<40x128xf32, #tpu.memory_space<vmem>>
        tpu.wait_dma2 semaphore(%arg12 : memref<!tpu.dma_semaphore, #tpu.memory_space<semaphore_mem>>) src(%dma_wait3A_1110 : memref<40x128xf32, #tpu.memory_space<vmem>>) dst(%dma_wait3A_1106 : memref<40x128xf32, #tpu.memory_space<hbm>>)
        %jit3A_1111 = arith.constant 5 : i32
        %div3A_1112 = arith.divsi %add3A_183, %jit3A_1111 : i32
        %sign3A_1113 = arith.constant 0 : i32
        %sign3A_1114 = arith.cmpi sgt, %add3A_183, %sign3A_1113 : i32
        %sign3A_1115 = arith.extui %sign3A_1114 : i1 to i32
        %sign3A_1116 = arith.constant 0 : i32
        %sign3A_1117 = arith.cmpi slt, %add3A_183, %sign3A_1116 : i32
        %sign3A_1118 = arith.extui %sign3A_1117 : i1 to i32
        %sign3A_1119 = arith.subi %sign3A_1115, %sign3A_1118 : i32
        %sign3A_1120 = arith.constant 0 : i32
        %sign3A_1121 = arith.cmpi sgt, %jit3A_1111, %sign3A_1120 : i32
        %sign3A_1122 = arith.extui %sign3A_1121 : i1 to i32
        %sign3A_1123 = arith.constant 0 : i32
        %sign3A_1124 = arith.cmpi slt, %jit3A_1111, %sign3A_1123 : i32
        %sign3A_1125 = arith.extui %sign3A_1124 : i1 to i32
        %sign3A_1126 = arith.subi %sign3A_1122, %sign3A_1125 : i32
        %ne3A_1127 = arith.cmpi ne, %sign3A_1119, %sign3A_1126 : i32
        %rem3A_1128 = arith.remsi %add3A_183, %jit3A_1111 : i32
        %ne3A_1129 = arith.constant 0 : i32
        %ne3A_1130 = arith.cmpi ne, %rem3A_1128, %ne3A_1129 : i32
        %and3A_1131 = arith.andi %ne3A_1127, %ne3A_1130 : i1
        %sub3A_1132 = arith.constant 1 : i32
        %sub3A_1133 = arith.subi %div3A_1112, %sub3A_1132 : i32
        %select_n3A_1134 = arith.select %and3A_1131, %sub3A_1133, %div3A_1112 : i32
        %jit3A_1135 = arith.constant 5 : i32
        %eq3A_1136 = arith.constant 0 : i32
        %eq3A_1137 = arith.cmpi eq, %jit3A_1135, %eq3A_1136 : i32
        %jit3A_1138 = arith.constant 1 : i32
        %select_n3A_1139 = arith.select %eq3A_1137, %jit3A_1138, %jit3A_1135 : i32
        %rem3A_1140 = arith.remsi %add3A_183, %select_n3A_1139 : i32
        %ne3A_1141 = arith.constant 0 : i32
        %ne3A_1142 = arith.cmpi ne, %rem3A_1140, %ne3A_1141 : i32
        %lt3A_1143 = arith.constant 0 : i32
        %lt3A_1144 = arith.cmpi slt, %rem3A_1140, %lt3A_1143 : i32
        %lt3A_1145 = arith.constant 0 : i32
        %lt3A_1146 = arith.cmpi slt, %select_n3A_1139, %lt3A_1145 : i32
        %ne3A_1147 = arith.xori %lt3A_1144, %lt3A_1146 : i1
        %and3A_1148 = arith.andi %ne3A_1147, %ne3A_1142 : i1
        %add3A_1149 = arith.addi %rem3A_1140, %select_n3A_1139 : i32
        %select_n3A_1150 = arith.select %and3A_1148, %add3A_1149, %rem3A_1140 : i32
        %mul3A_1151 = arith.constant 40 : i32
        %mul3A_1152 = arith.muli %select_n3A_1150, %mul3A_1151 : i32
        %add3A_1153 = arith.constant 800 : i32
        %add3A_1154 = arith.addi %add3A_1153, %mul3A_1152 : i32
        %mul3A_1155 = arith.constant 128 : i32
        %mul3A_1156 = arith.muli %select_n3A_1134, %mul3A_1155 : i32
        %add3A_1157 = arith.addi %mul3A_2, %mul3A_1156 : i32
        %dma_wait3A_1158 = arith.constant 4 : i32
        %dma_wait3A_1159 = arith.constant 0 : i32
        %dma_wait3A_1160 = arith.constant 0 : i32
        %dma_wait3A_1161 = tpu.memref_slice %arg8[%dma_wait3A_1158, %dma_wait3A_1159, %dma_wait3A_1160] : memref<5x40x128xf32, #tpu.memory_space<vmem>> -> memref<1x40x128xf32, #tpu.memory_space<vmem>>
        %dma_wait3A_1162 = tpu.memref_squeeze %dma_wait3A_1161 : memref<1x40x128xf32, #tpu.memory_space<vmem>> -> memref<40x128xf32, #tpu.memory_space<vmem>>
        %dma_wait3A_1163 = tpu.memref_slice %arg4[%add3A_1154, %add3A_1157] : memref<1000x16384xf32, #tpu.memory_space<hbm>> -> memref<40x128xf32, #tpu.memory_space<hbm>>
        %dma_wait3A_1164 = tpu.memref_slice %arg4[%add3A_1154, %add3A_1157] : memref<1000x16384xf32, #tpu.memory_space<hbm>> -> memref<40x128xf32, #tpu.memory_space<hbm>>
        %dma_wait3A_1165 = arith.constant 0 : i32
        %dma_wait3A_1166 = arith.constant 0 : i32
        %dma_wait3A_1167 = tpu.memref_slice %arg8[%dma_wait3A_1158, %dma_wait3A_1165, %dma_wait3A_1166] : memref<5x40x128xf32, #tpu.memory_space<vmem>> -> memref<1x40x128xf32, #tpu.memory_space<vmem>>
        %dma_wait3A_1168 = tpu.memref_squeeze %dma_wait3A_1167 : memref<1x40x128xf32, #tpu.memory_space<vmem>> -> memref<40x128xf32, #tpu.memory_space<vmem>>
        tpu.wait_dma2 semaphore(%arg12 : memref<!tpu.dma_semaphore, #tpu.memory_space<semaphore_mem>>) src(%dma_wait3A_1168 : memref<40x128xf32, #tpu.memory_space<vmem>>) dst(%dma_wait3A_1164 : memref<40x128xf32, #tpu.memory_space<hbm>>)
      } else {
      }
      %parallel_loop3A = arith.constant 0 : i32
      %parallel_loop3A_223 = arith.constant 40 : i32
      %parallel_loop3A_224 = arith.constant 1 : i32
      scf.for %parallel_loop3A_879 = %parallel_loop3A to %parallel_loop3A_223 step %parallel_loop3A_224  : i32 {
        %parallel_loop3A_880 = arith.index_cast %parallel_loop3A_879 : i32 to index
        %parallel_loop3A_881 = arith.constant 0 : index
        %parallel_loop3A_882 = tpu.vector_load %arg5[%parallel_loop3A_880, %parallel_loop3A_881] {strides = array<i32>} : memref<40x128xi32, #tpu.memory_space<vmem>>, vector<16xi32>,
        %parallel_loop3A_883 = tpu.vector_load_idx %arg7[%broadcast_in_dim3A_3, %parallel_loop3A_882] : memref<5x14xf32, #tpu.memory_space<vmem>>[vector<16xi32>, vector<16xi32>], vector<16xf32>,
        %parallel_loop3A_884 = arith.constant 0 : i32
        %parallel_loop3A_885 = arith.index_cast %parallel_loop3A_884 : i32 to index
        %parallel_loop3A_886 = arith.index_cast %parallel_loop3A_879 : i32 to index
        %parallel_loop3A_887 = arith.constant 0 : index
        %parallel_loop3A_888 = tpu.vector_load %arg8[%parallel_loop3A_885, %parallel_loop3A_886, %parallel_loop3A_887] {strides = array<i32>} : memref<5x40x128xf32, #tpu.memory_space<vmem>>, vector<16xf32>,
        tpu.vector_store %arg8[%parallel_loop3A_885, %parallel_loop3A_886, %parallel_loop3A_887], %parallel_loop3A_883 {strides = array<i32>} : memref<5x40x128xf32, #tpu.memory_space<vmem>>, vector<16xf32>,
        %parallel_loop3A_889 = tpu.vector_load_idx %arg7[%broadcast_in_dim3A_5, %parallel_loop3A_882] : memref<5x14xf32, #tpu.memory_space<vmem>>[vector<16xi32>, vector<16xi32>], vector<16xf32>,
        %parallel_loop3A_890 = arith.constant 1 : i32
        %parallel_loop3A_891 = arith.index_cast %parallel_loop3A_890 : i32 to index
        %parallel_loop3A_892 = arith.index_cast %parallel_loop3A_879 : i32 to index
        %parallel_loop3A_893 = arith.constant 0 : index
        %parallel_loop3A_894 = tpu.vector_load %arg8[%parallel_loop3A_891, %parallel_loop3A_892, %parallel_loop3A_893] {strides = array<i32>} : memref<5x40x128xf32, #tpu.memory_space<vmem>>, vector<16xf32>,
        tpu.vector_store %arg8[%parallel_loop3A_891, %parallel_loop3A_892, %parallel_loop3A_893], %parallel_loop3A_889 {strides = array<i32>} : memref<5x40x128xf32, #tpu.memory_space<vmem>>, vector<16xf32>,
        %parallel_loop3A_895 = tpu.vector_load_idx %arg7[%broadcast_in_dim3A_7, %parallel_loop3A_882] : memref<5x14xf32, #tpu.memory_space<vmem>>[vector<16xi32>, vector<16xi32>], vector<16xf32>,
        %parallel_loop3A_896 = arith.constant 2 : i32
        %parallel_loop3A_897 = arith.index_cast %parallel_loop3A_896 : i32 to index
        %parallel_loop3A_898 = arith.index_cast %parallel_loop3A_879 : i32 to index
        %parallel_loop3A_899 = arith.constant 0 : index
        %parallel_loop3A_900 = tpu.vector_load %arg8[%parallel_loop3A_897, %parallel_loop3A_898, %parallel_loop3A_899] {strides = array<i32>} : memref<5x40x128xf32, #tpu.memory_space<vmem>>, vector<16xf32>,
        tpu.vector_store %arg8[%parallel_loop3A_897, %parallel_loop3A_898, %parallel_loop3A_899], %parallel_loop3A_895 {strides = array<i32>} : memref<5x40x128xf32, #tpu.memory_space<vmem>>, vector<16xf32>,
        %parallel_loop3A_901 = tpu.vector_load_idx %arg7[%broadcast_in_dim3A_9, %parallel_loop3A_882] : memref<5x14xf32, #tpu.memory_space<vmem>>[vector<16xi32>, vector<16xi32>], vector<16xf32>,
        %parallel_loop3A_902 = arith.constant 3 : i32
        %parallel_loop3A_903 = arith.index_cast %parallel_loop3A_902 : i32 to index
        %parallel_loop3A_904 = arith.index_cast %parallel_loop3A_879 : i32 to index
        %parallel_loop3A_905 = arith.constant 0 : index
        %parallel_loop3A_906 = tpu.vector_load %arg8[%parallel_loop3A_903, %parallel_loop3A_904, %parallel_loop3A_905] {strides = array<i32>} : memref<5x40x128xf32, #tpu.memory_space<vmem>>, vector<16xf32>,
        tpu.vector_store %arg8[%parallel_loop3A_903, %parallel_loop3A_904, %parallel_loop3A_905], %parallel_loop3A_901 {strides = array<i32>} : memref<5x40x128xf32, #tpu.memory_space<vmem>>, vector<16xf32>,
        %parallel_loop3A_907 = tpu.vector_load_idx %arg7[%broadcast_in_dim3A_11, %parallel_loop3A_882] : memref<5x14xf32, #tpu.memory_space<vmem>>[vector<16xi32>, vector<16xi32>], vector<16xf32>,
        %parallel_loop3A_908 = arith.constant 4 : i32
        %parallel_loop3A_909 = arith.index_cast %parallel_loop3A_908 : i32 to index
        %parallel_loop3A_910 = arith.index_cast %parallel_loop3A_879 : i32 to index
        %parallel_loop3A_911 = arith.constant 0 : index
        %parallel_loop3A_912 = tpu.vector_load %arg8[%parallel_loop3A_909, %parallel_loop3A_910, %parallel_loop3A_911] {strides = array<i32>} : memref<5x40x128xf32, #tpu.memory_space<vmem>>, vector<16xf32>,
        tpu.vector_store %arg8[%parallel_loop3A_909, %parallel_loop3A_910, %parallel_loop3A_911], %parallel_loop3A_907 {strides = array<i32>} : memref<5x40x128xf32, #tpu.memory_space<vmem>>, vector<16xf32>,
        %parallel_loop3A_913 = arith.index_cast %parallel_loop3A_879 : i32 to index
        %parallel_loop3A_914 = arith.constant 16 : index
        %parallel_loop3A_915 = tpu.vector_load %arg5[%parallel_loop3A_913, %parallel_loop3A_914] {strides = array<i32>} : memref<40x128xi32, #tpu.memory_space<vmem>>, vector<16xi32>,
        %parallel_loop3A_916 = tpu.vector_load_idx %arg7[%broadcast_in_dim3A_3, %parallel_loop3A_915] : memref<5x14xf32, #tpu.memory_space<vmem>>[vector<16xi32>, vector<16xi32>], vector<16xf32>,
        %parallel_loop3A_917 = arith.constant 0 : i32
        %parallel_loop3A_918 = arith.index_cast %parallel_loop3A_917 : i32 to index
        %parallel_loop3A_919 = arith.index_cast %parallel_loop3A_879 : i32 to index
        %parallel_loop3A_920 = arith.constant 16 : index
        %parallel_loop3A_921 = tpu.vector_load %arg8[%parallel_loop3A_918, %parallel_loop3A_919, %parallel_loop3A_920] {strides = array<i32>} : memref<5x40x128xf32, #tpu.memory_space<vmem>>, vector<16xf32>,
        tpu.vector_store %arg8[%parallel_loop3A_918, %parallel_loop3A_919, %parallel_loop3A_920], %parallel_loop3A_916 {strides = array<i32>} : memref<5x40x128xf32, #tpu.memory_space<vmem>>, vector<16xf32>,
        %parallel_loop3A_922 = tpu.vector_load_idx %arg7[%broadcast_in_dim3A_5, %parallel_loop3A_915] : memref<5x14xf32, #tpu.memory_space<vmem>>[vector<16xi32>, vector<16xi32>], vector<16xf32>,
        %parallel_loop3A_923 = arith.constant 1 : i32
        %parallel_loop3A_924 = arith.index_cast %parallel_loop3A_923 : i32 to index
        %parallel_loop3A_925 = arith.index_cast %parallel_loop3A_879 : i32 to index
        %parallel_loop3A_926 = arith.constant 16 : index
        %parallel_loop3A_927 = tpu.vector_load %arg8[%parallel_loop3A_924, %parallel_loop3A_925, %parallel_loop3A_926] {strides = array<i32>} : memref<5x40x128xf32, #tpu.memory_space<vmem>>, vector<16xf32>,
        tpu.vector_store %arg8[%parallel_loop3A_924, %parallel_loop3A_925, %parallel_loop3A_926], %parallel_loop3A_922 {strides = array<i32>} : memref<5x40x128xf32, #tpu.memory_space<vmem>>, vector<16xf32>,
        %parallel_loop3A_928 = tpu.vector_load_idx %arg7[%broadcast_in_dim3A_7, %parallel_loop3A_915] : memref<5x14xf32, #tpu.memory_space<vmem>>[vector<16xi32>, vector<16xi32>], vector<16xf32>,
        %parallel_loop3A_929 = arith.constant 2 : i32
        %parallel_loop3A_930 = arith.index_cast %parallel_loop3A_929 : i32 to index
        %parallel_loop3A_931 = arith.index_cast %parallel_loop3A_879 : i32 to index
        %parallel_loop3A_932 = arith.constant 16 : index
        %parallel_loop3A_933 = tpu.vector_load %arg8[%parallel_loop3A_930, %parallel_loop3A_931, %parallel_loop3A_932] {strides = array<i32>} : memref<5x40x128xf32, #tpu.memory_space<vmem>>, vector<16xf32>,
        tpu.vector_store %arg8[%parallel_loop3A_930, %parallel_loop3A_931, %parallel_loop3A_932], %parallel_loop3A_928 {strides = array<i32>} : memref<5x40x128xf32, #tpu.memory_space<vmem>>, vector<16xf32>,
        %parallel_loop3A_934 = tpu.vector_load_idx %arg7[%broadcast_in_dim3A_9, %parallel_loop3A_915] : memref<5x14xf32, #tpu.memory_space<vmem>>[vector<16xi32>, vector<16xi32>], vector<16xf32>,
        %parallel_loop3A_935 = arith.constant 3 : i32
        %parallel_loop3A_936 = arith.index_cast %parallel_loop3A_935 : i32 to index
        %parallel_loop3A_937 = arith.index_cast %parallel_loop3A_879 : i32 to index
        %parallel_loop3A_938 = arith.constant 16 : index
        %parallel_loop3A_939 = tpu.vector_load %arg8[%parallel_loop3A_936, %parallel_loop3A_937, %parallel_loop3A_938] {strides = array<i32>} : memref<5x40x128xf32, #tpu.memory_space<vmem>>, vector<16xf32>,
        tpu.vector_store %arg8[%parallel_loop3A_936, %parallel_loop3A_937, %parallel_loop3A_938], %parallel_loop3A_934 {strides = array<i32>} : memref<5x40x128xf32, #tpu.memory_space<vmem>>, vector<16xf32>,
        %parallel_loop3A_940 = tpu.vector_load_idx %arg7[%broadcast_in_dim3A_11, %parallel_loop3A_915] : memref<5x14xf32, #tpu.memory_space<vmem>>[vector<16xi32>, vector<16xi32>], vector<16xf32>,
        %parallel_loop3A_941 = arith.constant 4 : i32
        %parallel_loop3A_942 = arith.index_cast %parallel_loop3A_941 : i32 to index
        %parallel_loop3A_943 = arith.index_cast %parallel_loop3A_879 : i32 to index
        %parallel_loop3A_944 = arith.constant 16 : index
        %parallel_loop3A_945 = tpu.vector_load %arg8[%parallel_loop3A_942, %parallel_loop3A_943, %parallel_loop3A_944] {strides = array<i32>} : memref<5x40x128xf32, #tpu.memory_space<vmem>>, vector<16xf32>,
        tpu.vector_store %arg8[%parallel_loop3A_942, %parallel_loop3A_943, %parallel_loop3A_944], %parallel_loop3A_940 {strides = array<i32>} : memref<5x40x128xf32, #tpu.memory_space<vmem>>, vector<16xf32>,
        %parallel_loop3A_946 = arith.index_cast %parallel_loop3A_879 : i32 to index
        %parallel_loop3A_947 = arith.constant 32 : index
        %parallel_loop3A_948 = tpu.vector_load %arg5[%parallel_loop3A_946, %parallel_loop3A_947] {strides = array<i32>} : memref<40x128xi32, #tpu.memory_space<vmem>>, vector<16xi32>,
        %parallel_loop3A_949 = tpu.vector_load_idx %arg7[%broadcast_in_dim3A_3, %parallel_loop3A_948] : memref<5x14xf32, #tpu.memory_space<vmem>>[vector<16xi32>, vector<16xi32>], vector<16xf32>,
        %parallel_loop3A_950 = arith.constant 0 : i32
        %parallel_loop3A_951 = arith.index_cast %parallel_loop3A_950 : i32 to index
        %parallel_loop3A_952 = arith.index_cast %parallel_loop3A_879 : i32 to index
        %parallel_loop3A_953 = arith.constant 32 : index
        %parallel_loop3A_954 = tpu.vector_load %arg8[%parallel_loop3A_951, %parallel_loop3A_952, %parallel_loop3A_953] {strides = array<i32>} : memref<5x40x128xf32, #tpu.memory_space<vmem>>, vector<16xf32>,
        tpu.vector_store %arg8[%parallel_loop3A_951, %parallel_loop3A_952, %parallel_loop3A_953], %parallel_loop3A_949 {strides = array<i32>} : memref<5x40x128xf32, #tpu.memory_space<vmem>>, vector<16xf32>,
        %parallel_loop3A_955 = tpu.vector_load_idx %arg7[%broadcast_in_dim3A_5, %parallel_loop3A_948] : memref<5x14xf32, #tpu.memory_space<vmem>>[vector<16xi32>, vector<16xi32>], vector<16xf32>,
        %parallel_loop3A_956 = arith.constant 1 : i32
        %parallel_loop3A_957 = arith.index_cast %parallel_loop3A_956 : i32 to index
        %parallel_loop3A_958 = arith.index_cast %parallel_loop3A_879 : i32 to index
        %parallel_loop3A_959 = arith.constant 32 : index
        %parallel_loop3A_960 = tpu.vector_load %arg8[%parallel_loop3A_957, %parallel_loop3A_958, %parallel_loop3A_959] {strides = array<i32>} : memref<5x40x128xf32, #tpu.memory_space<vmem>>, vector<16xf32>,
        tpu.vector_store %arg8[%parallel_loop3A_957, %parallel_loop3A_958, %parallel_loop3A_959], %parallel_loop3A_955 {strides = array<i32>} : memref<5x40x128xf32, #tpu.memory_space<vmem>>, vector<16xf32>,
        %parallel_loop3A_961 = tpu.vector_load_idx %arg7[%broadcast_in_dim3A_7, %parallel_loop3A_948] : memref<5x14xf32, #tpu.memory_space<vmem>>[vector<16xi32>, vector<16xi32>], vector<16xf32>,
        %parallel_loop3A_962 = arith.constant 2 : i32
        %parallel_loop3A_963 = arith.index_cast %parallel_loop3A_962 : i32 to index
        %parallel_loop3A_964 = arith.index_cast %parallel_loop3A_879 : i32 to index
        %parallel_loop3A_965 = arith.constant 32 : index
        %parallel_loop3A_966 = tpu.vector_load %arg8[%parallel_loop3A_963, %parallel_loop3A_964, %parallel_loop3A_965] {strides = array<i32>} : memref<5x40x128xf32, #tpu.memory_space<vmem>>, vector<16xf32>,
        tpu.vector_store %arg8[%parallel_loop3A_963, %parallel_loop3A_964, %parallel_loop3A_965], %parallel_loop3A_961 {strides = array<i32>} : memref<5x40x128xf32, #tpu.memory_space<vmem>>, vector<16xf32>,
        %parallel_loop3A_967 = tpu.vector_load_idx %arg7[%broadcast_in_dim3A_9, %parallel_loop3A_948] : memref<5x14xf32, #tpu.memory_space<vmem>>[vector<16xi32>, vector<16xi32>], vector<16xf32>,
        %parallel_loop3A_968 = arith.constant 3 : i32
        %parallel_loop3A_969 = arith.index_cast %parallel_loop3A_968 : i32 to index
        %parallel_loop3A_970 = arith.index_cast %parallel_loop3A_879 : i32 to index
        %parallel_loop3A_971 = arith.constant 32 : index
        %parallel_loop3A_972 = tpu.vector_load %arg8[%parallel_loop3A_969, %parallel_loop3A_970, %parallel_loop3A_971] {strides = array<i32>} : memref<5x40x128xf32, #tpu.memory_space<vmem>>, vector<16xf32>,
        tpu.vector_store %arg8[%parallel_loop3A_969, %parallel_loop3A_970, %parallel_loop3A_971], %parallel_loop3A_967 {strides = array<i32>} : memref<5x40x128xf32, #tpu.memory_space<vmem>>, vector<16xf32>,
        %parallel_loop3A_973 = tpu.vector_load_idx %arg7[%broadcast_in_dim3A_11, %parallel_loop3A_948] : memref<5x14xf32, #tpu.memory_space<vmem>>[vector<16xi32>, vector<16xi32>], vector<16xf32>,
        %parallel_loop3A_974 = arith.constant 4 : i32
        %parallel_loop3A_975 = arith.index_cast %parallel_loop3A_974 : i32 to index
        %parallel_loop3A_976 = arith.index_cast %parallel_loop3A_879 : i32 to index
        %parallel_loop3A_977 = arith.constant 32 : index
        %parallel_loop3A_978 = tpu.vector_load %arg8[%parallel_loop3A_975, %parallel_loop3A_976, %parallel_loop3A_977] {strides = array<i32>} : memref<5x40x128xf32, #tpu.memory_space<vmem>>, vector<16xf32>,
        tpu.vector_store %arg8[%parallel_loop3A_975, %parallel_loop3A_976, %parallel_loop3A_977], %parallel_loop3A_973 {strides = array<i32>} : memref<5x40x128xf32, #tpu.memory_space<vmem>>, vector<16xf32>,
        %parallel_loop3A_979 = arith.index_cast %parallel_loop3A_879 : i32 to index
        %parallel_loop3A_980 = arith.constant 48 : index
        %parallel_loop3A_981 = tpu.vector_load %arg5[%parallel_loop3A_979, %parallel_loop3A_980] {strides = array<i32>} : memref<40x128xi32, #tpu.memory_space<vmem>>, vector<16xi32>,
        %parallel_loop3A_982 = tpu.vector_load_idx %arg7[%broadcast_in_dim3A_3, %parallel_loop3A_981] : memref<5x14xf32, #tpu.memory_space<vmem>>[vector<16xi32>, vector<16xi32>], vector<16xf32>,
        %parallel_loop3A_983 = arith.constant 0 : i32
        %parallel_loop3A_984 = arith.index_cast %parallel_loop3A_983 : i32 to index
        %parallel_loop3A_985 = arith.index_cast %parallel_loop3A_879 : i32 to index
        %parallel_loop3A_986 = arith.constant 48 : index
        %parallel_loop3A_987 = tpu.vector_load %arg8[%parallel_loop3A_984, %parallel_loop3A_985, %parallel_loop3A_986] {strides = array<i32>} : memref<5x40x128xf32, #tpu.memory_space<vmem>>, vector<16xf32>,
        tpu.vector_store %arg8[%parallel_loop3A_984, %parallel_loop3A_985, %parallel_loop3A_986], %parallel_loop3A_982 {strides = array<i32>} : memref<5x40x128xf32, #tpu.memory_space<vmem>>, vector<16xf32>,
        %parallel_loop3A_988 = tpu.vector_load_idx %arg7[%broadcast_in_dim3A_5, %parallel_loop3A_981] : memref<5x14xf32, #tpu.memory_space<vmem>>[vector<16xi32>, vector<16xi32>], vector<16xf32>,
        %parallel_loop3A_989 = arith.constant 1 : i32
        %parallel_loop3A_990 = arith.index_cast %parallel_loop3A_989 : i32 to index
        %parallel_loop3A_991 = arith.index_cast %parallel_loop3A_879 : i32 to index
        %parallel_loop3A_992 = arith.constant 48 : index
        %parallel_loop3A_993 = tpu.vector_load %arg8[%parallel_loop3A_990, %parallel_loop3A_991, %parallel_loop3A_992] {strides = array<i32>} : memref<5x40x128xf32, #tpu.memory_space<vmem>>, vector<16xf32>,
        tpu.vector_store %arg8[%parallel_loop3A_990, %parallel_loop3A_991, %parallel_loop3A_992], %parallel_loop3A_988 {strides = array<i32>} : memref<5x40x128xf32, #tpu.memory_space<vmem>>, vector<16xf32>,
        %parallel_loop3A_994 = tpu.vector_load_idx %arg7[%broadcast_in_dim3A_7, %parallel_loop3A_981] : memref<5x14xf32, #tpu.memory_space<vmem>>[vector<16xi32>, vector<16xi32>], vector<16xf32>,
        %parallel_loop3A_995 = arith.constant 2 : i32
        %parallel_loop3A_996 = arith.index_cast %parallel_loop3A_995 : i32 to index
        %parallel_loop3A_997 = arith.index_cast %parallel_loop3A_879 : i32 to index
        %parallel_loop3A_998 = arith.constant 48 : index
        %parallel_loop3A_999 = tpu.vector_load %arg8[%parallel_loop3A_996, %parallel_loop3A_997, %parallel_loop3A_998] {strides = array<i32>} : memref<5x40x128xf32, #tpu.memory_space<vmem>>, vector<16xf32>,
        tpu.vector_store %arg8[%parallel_loop3A_996, %parallel_loop3A_997, %parallel_loop3A_998], %parallel_loop3A_994 {strides = array<i32>} : memref<5x40x128xf32, #tpu.memory_space<vmem>>, vector<16xf32>,
        %parallel_loop3A_1000 = tpu.vector_load_idx %arg7[%broadcast_in_dim3A_9, %parallel_loop3A_981] : memref<5x14xf32, #tpu.memory_space<vmem>>[vector<16xi32>, vector<16xi32>], vector<16xf32>,
        %parallel_loop3A_1001 = arith.constant 3 : i32
        %parallel_loop3A_1002 = arith.index_cast %parallel_loop3A_1001 : i32 to index
        %parallel_loop3A_1003 = arith.index_cast %parallel_loop3A_879 : i32 to index
        %parallel_loop3A_1004 = arith.constant 48 : index
        %parallel_loop3A_1005 = tpu.vector_load %arg8[%parallel_loop3A_1002, %parallel_loop3A_1003, %parallel_loop3A_1004] {strides = array<i32>} : memref<5x40x128xf32, #tpu.memory_space<vmem>>, vector<16xf32>,
        tpu.vector_store %arg8[%parallel_loop3A_1002, %parallel_loop3A_1003, %parallel_loop3A_1004], %parallel_loop3A_1000 {strides = array<i32>} : memref<5x40x128xf32, #tpu.memory_space<vmem>>, vector<16xf32>,
        %parallel_loop3A_1006 = tpu.vector_load_idx %arg7[%broadcast_in_dim3A_11, %parallel_loop3A_981] : memref<5x14xf32, #tpu.memory_space<vmem>>[vector<16xi32>, vector<16xi32>], vector<16xf32>,
        %parallel_loop3A_1007 = arith.constant 4 : i32
        %parallel_loop3A_1008 = arith.index_cast %parallel_loop3A_1007 : i32 to index
        %parallel_loop3A_1009 = arith.index_cast %parallel_loop3A_879 : i32 to index
        %parallel_loop3A_1010 = arith.constant 48 : index
        %parallel_loop3A_1011 = tpu.vector_load %arg8[%parallel_loop3A_1008, %parallel_loop3A_1009, %parallel_loop3A_1010] {strides = array<i32>} : memref<5x40x128xf32, #tpu.memory_space<vmem>>, vector<16xf32>,
        tpu.vector_store %arg8[%parallel_loop3A_1008, %parallel_loop3A_1009, %parallel_loop3A_1010], %parallel_loop3A_1006 {strides = array<i32>} : memref<5x40x128xf32, #tpu.memory_space<vmem>>, vector<16xf32>,
        %parallel_loop3A_1012 = arith.index_cast %parallel_loop3A_879 : i32 to index
        %parallel_loop3A_1013 = arith.constant 64 : index
        %parallel_loop3A_1014 = tpu.vector_load %arg5[%parallel_loop3A_1012, %parallel_loop3A_1013] {strides = array<i32>} : memref<40x128xi32, #tpu.memory_space<vmem>>, vector<16xi32>,
        %parallel_loop3A_1015 = tpu.vector_load_idx %arg7[%broadcast_in_dim3A_3, %parallel_loop3A_1014] : memref<5x14xf32, #tpu.memory_space<vmem>>[vector<16xi32>, vector<16xi32>], vector<16xf32>,
        %parallel_loop3A_1016 = arith.constant 0 : i32
        %parallel_loop3A_1017 = arith.index_cast %parallel_loop3A_1016 : i32 to index
        %parallel_loop3A_1018 = arith.index_cast %parallel_loop3A_879 : i32 to index
        %parallel_loop3A_1019 = arith.constant 64 : index
        %parallel_loop3A_1020 = tpu.vector_load %arg8[%parallel_loop3A_1017, %parallel_loop3A_1018, %parallel_loop3A_1019] {strides = array<i32>} : memref<5x40x128xf32, #tpu.memory_space<vmem>>, vector<16xf32>,
        tpu.vector_store %arg8[%parallel_loop3A_1017, %parallel_loop3A_1018, %parallel_loop3A_1019], %parallel_loop3A_1015 {strides = array<i32>} : memref<5x40x128xf32, #tpu.memory_space<vmem>>, vector<16xf32>,
        %parallel_loop3A_1021 = tpu.vector_load_idx %arg7[%broadcast_in_dim3A_5, %parallel_loop3A_1014] : memref<5x14xf32, #tpu.memory_space<vmem>>[vector<16xi32>, vector<16xi32>], vector<16xf32>,
        %parallel_loop3A_1022 = arith.constant 1 : i32
        %parallel_loop3A_1023 = arith.index_cast %parallel_loop3A_1022 : i32 to index
        %parallel_loop3A_1024 = arith.index_cast %parallel_loop3A_879 : i32 to index
        %parallel_loop3A_1025 = arith.constant 64 : index
        %parallel_loop3A_1026 = tpu.vector_load %arg8[%parallel_loop3A_1023, %parallel_loop3A_1024, %parallel_loop3A_1025] {strides = array<i32>} : memref<5x40x128xf32, #tpu.memory_space<vmem>>, vector<16xf32>,
        tpu.vector_store %arg8[%parallel_loop3A_1023, %parallel_loop3A_1024, %parallel_loop3A_1025], %parallel_loop3A_1021 {strides = array<i32>} : memref<5x40x128xf32, #tpu.memory_space<vmem>>, vector<16xf32>,
        %parallel_loop3A_1027 = tpu.vector_load_idx %arg7[%broadcast_in_dim3A_7, %parallel_loop3A_1014] : memref<5x14xf32, #tpu.memory_space<vmem>>[vector<16xi32>, vector<16xi32>], vector<16xf32>,
        %parallel_loop3A_1028 = arith.constant 2 : i32
        %parallel_loop3A_1029 = arith.index_cast %parallel_loop3A_1028 : i32 to index
        %parallel_loop3A_1030 = arith.index_cast %parallel_loop3A_879 : i32 to index
        %parallel_loop3A_1031 = arith.constant 64 : index
        %parallel_loop3A_1032 = tpu.vector_load %arg8[%parallel_loop3A_1029, %parallel_loop3A_1030, %parallel_loop3A_1031] {strides = array<i32>} : memref<5x40x128xf32, #tpu.memory_space<vmem>>, vector<16xf32>,
        tpu.vector_store %arg8[%parallel_loop3A_1029, %parallel_loop3A_1030, %parallel_loop3A_1031], %parallel_loop3A_1027 {strides = array<i32>} : memref<5x40x128xf32, #tpu.memory_space<vmem>>, vector<16xf32>,
        %parallel_loop3A_1033 = tpu.vector_load_idx %arg7[%broadcast_in_dim3A_9, %parallel_loop3A_1014] : memref<5x14xf32, #tpu.memory_space<vmem>>[vector<16xi32>, vector<16xi32>], vector<16xf32>,
        %parallel_loop3A_1034 = arith.constant 3 : i32
        %parallel_loop3A_1035 = arith.index_cast %parallel_loop3A_1034 : i32 to index
        %parallel_loop3A_1036 = arith.index_cast %parallel_loop3A_879 : i32 to index
        %parallel_loop3A_1037 = arith.constant 64 : index
        %parallel_loop3A_1038 = tpu.vector_load %arg8[%parallel_loop3A_1035, %parallel_loop3A_1036, %parallel_loop3A_1037] {strides = array<i32>} : memref<5x40x128xf32, #tpu.memory_space<vmem>>, vector<16xf32>,
        tpu.vector_store %arg8[%parallel_loop3A_1035, %parallel_loop3A_1036, %parallel_loop3A_1037], %parallel_loop3A_1033 {strides = array<i32>} : memref<5x40x128xf32, #tpu.memory_space<vmem>>, vector<16xf32>,
        %parallel_loop3A_1039 = tpu.vector_load_idx %arg7[%broadcast_in_dim3A_11, %parallel_loop3A_1014] : memref<5x14xf32, #tpu.memory_space<vmem>>[vector<16xi32>, vector<16xi32>], vector<16xf32>,
        %parallel_loop3A_1040 = arith.constant 4 : i32
        %parallel_loop3A_1041 = arith.index_cast %parallel_loop3A_1040 : i32 to index
        %parallel_loop3A_1042 = arith.index_cast %parallel_loop3A_879 : i32 to index
        %parallel_loop3A_1043 = arith.constant 64 : index
        %parallel_loop3A_1044 = tpu.vector_load %arg8[%parallel_loop3A_1041, %parallel_loop3A_1042, %parallel_loop3A_1043] {strides = array<i32>} : memref<5x40x128xf32, #tpu.memory_space<vmem>>, vector<16xf32>,
        tpu.vector_store %arg8[%parallel_loop3A_1041, %parallel_loop3A_1042, %parallel_loop3A_1043], %parallel_loop3A_1039 {strides = array<i32>} : memref<5x40x128xf32, #tpu.memory_space<vmem>>, vector<16xf32>,
        %parallel_loop3A_1045 = arith.index_cast %parallel_loop3A_879 : i32 to index
        %parallel_loop3A_1046 = arith.constant 80 : index
        %parallel_loop3A_1047 = tpu.vector_load %arg5[%parallel_loop3A_1045, %parallel_loop3A_1046] {strides = array<i32>} : memref<40x128xi32, #tpu.memory_space<vmem>>, vector<16xi32>,
        %parallel_loop3A_1048 = tpu.vector_load_idx %arg7[%broadcast_in_dim3A_3, %parallel_loop3A_1047] : memref<5x14xf32, #tpu.memory_space<vmem>>[vector<16xi32>, vector<16xi32>], vector<16xf32>,
        %parallel_loop3A_1049 = arith.constant 0 : i32
        %parallel_loop3A_1050 = arith.index_cast %parallel_loop3A_1049 : i32 to index
        %parallel_loop3A_1051 = arith.index_cast %parallel_loop3A_879 : i32 to index
        %parallel_loop3A_1052 = arith.constant 80 : index
        %parallel_loop3A_1053 = tpu.vector_load %arg8[%parallel_loop3A_1050, %parallel_loop3A_1051, %parallel_loop3A_1052] {strides = array<i32>} : memref<5x40x128xf32, #tpu.memory_space<vmem>>, vector<16xf32>,
        tpu.vector_store %arg8[%parallel_loop3A_1050, %parallel_loop3A_1051, %parallel_loop3A_1052], %parallel_loop3A_1048 {strides = array<i32>} : memref<5x40x128xf32, #tpu.memory_space<vmem>>, vector<16xf32>,
        %parallel_loop3A_1054 = tpu.vector_load_idx %arg7[%broadcast_in_dim3A_5, %parallel_loop3A_1047] : memref<5x14xf32, #tpu.memory_space<vmem>>[vector<16xi32>, vector<16xi32>], vector<16xf32>,
        %parallel_loop3A_1055 = arith.constant 1 : i32
        %parallel_loop3A_1056 = arith.index_cast %parallel_loop3A_1055 : i32 to index
        %parallel_loop3A_1057 = arith.index_cast %parallel_loop3A_879 : i32 to index
        %parallel_loop3A_1058 = arith.constant 80 : index
        %parallel_loop3A_1059 = tpu.vector_load %arg8[%parallel_loop3A_1056, %parallel_loop3A_1057, %parallel_loop3A_1058] {strides = array<i32>} : memref<5x40x128xf32, #tpu.memory_space<vmem>>, vector<16xf32>,
        tpu.vector_store %arg8[%parallel_loop3A_1056, %parallel_loop3A_1057, %parallel_loop3A_1058], %parallel_loop3A_1054 {strides = array<i32>} : memref<5x40x128xf32, #tpu.memory_space<vmem>>, vector<16xf32>,
        %parallel_loop3A_1060 = tpu.vector_load_idx %arg7[%broadcast_in_dim3A_7, %parallel_loop3A_1047] : memref<5x14xf32, #tpu.memory_space<vmem>>[vector<16xi32>, vector<16xi32>], vector<16xf32>,
        %parallel_loop3A_1061 = arith.constant 2 : i32
        %parallel_loop3A_1062 = arith.index_cast %parallel_loop3A_1061 : i32 to index
        %parallel_loop3A_1063 = arith.index_cast %parallel_loop3A_879 : i32 to index
        %parallel_loop3A_1064 = arith.constant 80 : index
        %parallel_loop3A_1065 = tpu.vector_load %arg8[%parallel_loop3A_1062, %parallel_loop3A_1063, %parallel_loop3A_1064] {strides = array<i32>} : memref<5x40x128xf32, #tpu.memory_space<vmem>>, vector<16xf32>,
        tpu.vector_store %arg8[%parallel_loop3A_1062, %parallel_loop3A_1063, %parallel_loop3A_1064], %parallel_loop3A_1060 {strides = array<i32>} : memref<5x40x128xf32, #tpu.memory_space<vmem>>, vector<16xf32>,
        %parallel_loop3A_1066 = tpu.vector_load_idx %arg7[%broadcast_in_dim3A_9, %parallel_loop3A_1047] : memref<5x14xf32, #tpu.memory_space<vmem>>[vector<16xi32>, vector<16xi32>], vector<16xf32>,
        %parallel_loop3A_1067 = arith.constant 3 : i32
        %parallel_loop3A_1068 = arith.index_cast %parallel_loop3A_1067 : i32 to index
        %parallel_loop3A_1069 = arith.index_cast %parallel_loop3A_879 : i32 to index
        %parallel_loop3A_1070 = arith.constant 80 : index
        %parallel_loop3A_1071 = tpu.vector_load %arg8[%parallel_loop3A_1068, %parallel_loop3A_1069, %parallel_loop3A_1070] {strides = array<i32>} : memref<5x40x128xf32, #tpu.memory_space<vmem>>, vector<16xf32>,
        tpu.vector_store %arg8[%parallel_loop3A_1068, %parallel_loop3A_1069, %parallel_loop3A_1070], %parallel_loop3A_1066 {strides = array<i32>} : memref<5x40x128xf32, #tpu.memory_space<vmem>>, vector<16xf32>,
        %parallel_loop3A_1072 = tpu.vector_load_idx %arg7[%broadcast_in_dim3A_11, %parallel_loop3A_1047] : memref<5x14xf32, #tpu.memory_space<vmem>>[vector<16xi32>, vector<16xi32>], vector<16xf32>,
        %parallel_loop3A_1073 = arith.constant 4 : i32
        %parallel_loop3A_1074 = arith.index_cast %parallel_loop3A_1073 : i32 to index
        %parallel_loop3A_1075 = arith.index_cast %parallel_loop3A_879 : i32 to index
        %parallel_loop3A_1076 = arith.constant 80 : index
        %parallel_loop3A_1077 = tpu.vector_load %arg8[%parallel_loop3A_1074, %parallel_loop3A_1075, %parallel_loop3A_1076] {strides = array<i32>} : memref<5x40x128xf32, #tpu.memory_space<vmem>>, vector<16xf32>,
        tpu.vector_store %arg8[%parallel_loop3A_1074, %parallel_loop3A_1075, %parallel_loop3A_1076], %parallel_loop3A_1072 {strides = array<i32>} : memref<5x40x128xf32, #tpu.memory_space<vmem>>, vector<16xf32>,
        %parallel_loop3A_1078 = arith.index_cast %parallel_loop3A_879 : i32 to index
        %parallel_loop3A_1079 = arith.constant 96 : index
        %parallel_loop3A_1080 = tpu.vector_load %arg5[%parallel_loop3A_1078, %parallel_loop3A_1079] {strides = array<i32>} : memref<40x128xi32, #tpu.memory_space<vmem>>, vector<16xi32>,
        %parallel_loop3A_1081 = tpu.vector_load_idx %arg7[%broadcast_in_dim3A_3, %parallel_loop3A_1080] : memref<5x14xf32, #tpu.memory_space<vmem>>[vector<16xi32>, vector<16xi32>], vector<16xf32>,
        %parallel_loop3A_1082 = arith.constant 0 : i32
        %parallel_loop3A_1083 = arith.index_cast %parallel_loop3A_1082 : i32 to index
        %parallel_loop3A_1084 = arith.index_cast %parallel_loop3A_879 : i32 to index
        %parallel_loop3A_1085 = arith.constant 96 : index
        %parallel_loop3A_1086 = tpu.vector_load %arg8[%parallel_loop3A_1083, %parallel_loop3A_1084, %parallel_loop3A_1085] {strides = array<i32>} : memref<5x40x128xf32, #tpu.memory_space<vmem>>, vector<16xf32>,
        tpu.vector_store %arg8[%parallel_loop3A_1083, %parallel_loop3A_1084, %parallel_loop3A_1085], %parallel_loop3A_1081 {strides = array<i32>} : memref<5x40x128xf32, #tpu.memory_space<vmem>>, vector<16xf32>,
        %parallel_loop3A_1087 = tpu.vector_load_idx %arg7[%broadcast_in_dim3A_5, %parallel_loop3A_1080] : memref<5x14xf32, #tpu.memory_space<vmem>>[vector<16xi32>, vector<16xi32>], vector<16xf32>,
        %parallel_loop3A_1088 = arith.constant 1 : i32
        %parallel_loop3A_1089 = arith.index_cast %parallel_loop3A_1088 : i32 to index
        %parallel_loop3A_1090 = arith.index_cast %parallel_loop3A_879 : i32 to index
        %parallel_loop3A_1091 = arith.constant 96 : index
        %parallel_loop3A_1092 = tpu.vector_load %arg8[%parallel_loop3A_1089, %parallel_loop3A_1090, %parallel_loop3A_1091] {strides = array<i32>} : memref<5x40x128xf32, #tpu.memory_space<vmem>>, vector<16xf32>,
        tpu.vector_store %arg8[%parallel_loop3A_1089, %parallel_loop3A_1090, %parallel_loop3A_1091], %parallel_loop3A_1087 {strides = array<i32>} : memref<5x40x128xf32, #tpu.memory_space<vmem>>, vector<16xf32>,
        %parallel_loop3A_1093 = tpu.vector_load_idx %arg7[%broadcast_in_dim3A_7, %parallel_loop3A_1080] : memref<5x14xf32, #tpu.memory_space<vmem>>[vector<16xi32>, vector<16xi32>], vector<16xf32>,
        %parallel_loop3A_1094 = arith.constant 2 : i32
        %parallel_loop3A_1095 = arith.index_cast %parallel_loop3A_1094 : i32 to index
        %parallel_loop3A_1096 = arith.index_cast %parallel_loop3A_879 : i32 to index
        %parallel_loop3A_1097 = arith.constant 96 : index
        %parallel_loop3A_1098 = tpu.vector_load %arg8[%parallel_loop3A_1095, %parallel_loop3A_1096, %parallel_loop3A_1097] {strides = array<i32>} : memref<5x40x128xf32, #tpu.memory_space<vmem>>, vector<16xf32>,
        tpu.vector_store %arg8[%parallel_loop3A_1095, %parallel_loop3A_1096, %parallel_loop3A_1097], %parallel_loop3A_1093 {strides = array<i32>} : memref<5x40x128xf32, #tpu.memory_space<vmem>>, vector<16xf32>,
        %parallel_loop3A_1099 = tpu.vector_load_idx %arg7[%broadcast_in_dim3A_9, %parallel_loop3A_1080] : memref<5x14xf32, #tpu.memory_space<vmem>>[vector<16xi32>, vector<16xi32>], vector<16xf32>,
        %parallel_loop3A_1100 = arith.constant 3 : i32
        %parallel_loop3A_1101 = arith.index_cast %parallel_loop3A_1100 : i32 to index
        %parallel_loop3A_1102 = arith.index_cast %parallel_loop3A_879 : i32 to index
        %parallel_loop3A_1103 = arith.constant 96 : index
        %parallel_loop3A_1104 = tpu.vector_load %arg8[%parallel_loop3A_1101, %parallel_loop3A_1102, %parallel_loop3A_1103] {strides = array<i32>} : memref<5x40x128xf32, #tpu.memory_space<vmem>>, vector<16xf32>,
        tpu.vector_store %arg8[%parallel_loop3A_1101, %parallel_loop3A_1102, %parallel_loop3A_1103], %parallel_loop3A_1099 {strides = array<i32>} : memref<5x40x128xf32, #tpu.memory_space<vmem>>, vector<16xf32>,
        %parallel_loop3A_1105 = tpu.vector_load_idx %arg7[%broadcast_in_dim3A_11, %parallel_loop3A_1080] : memref<5x14xf32, #tpu.memory_space<vmem>>[vector<16xi32>, vector<16xi32>], vector<16xf32>,
        %parallel_loop3A_1106 = arith.constant 4 : i32
        %parallel_loop3A_1107 = arith.index_cast %parallel_loop3A_1106 : i32 to index
        %parallel_loop3A_1108 = arith.index_cast %parallel_loop3A_879 : i32 to index
        %parallel_loop3A_1109 = arith.constant 96 : index
        %parallel_loop3A_1110 = tpu.vector_load %arg8[%parallel_loop3A_1107, %parallel_loop3A_1108, %parallel_loop3A_1109] {strides = array<i32>} : memref<5x40x128xf32, #tpu.memory_space<vmem>>, vector<16xf32>,
        tpu.vector_store %arg8[%parallel_loop3A_1107, %parallel_loop3A_1108, %parallel_loop3A_1109], %parallel_loop3A_1105 {strides = array<i32>} : memref<5x40x128xf32, #tpu.memory_space<vmem>>, vector<16xf32>,
        %parallel_loop3A_1111 = arith.index_cast %parallel_loop3A_879 : i32 to index
        %parallel_loop3A_1112 = arith.constant 112 : index
        %parallel_loop3A_1113 = tpu.vector_load %arg5[%parallel_loop3A_1111, %parallel_loop3A_1112] {strides = array<i32>} : memref<40x128xi32, #tpu.memory_space<vmem>>, vector<16xi32>,
        %parallel_loop3A_1114 = tpu.vector_load_idx %arg7[%broadcast_in_dim3A_3, %parallel_loop3A_1113] : memref<5x14xf32, #tpu.memory_space<vmem>>[vector<16xi32>, vector<16xi32>], vector<16xf32>,
        %parallel_loop3A_1115 = arith.constant 0 : i32
        %parallel_loop3A_1116 = arith.index_cast %parallel_loop3A_1115 : i32 to index
        %parallel_loop3A_1117 = arith.index_cast %parallel_loop3A_879 : i32 to index
        %parallel_loop3A_1118 = arith.constant 112 : index
        %parallel_loop3A_1119 = tpu.vector_load %arg8[%parallel_loop3A_1116, %parallel_loop3A_1117, %parallel_loop3A_1118] {strides = array<i32>} : memref<5x40x128xf32, #tpu.memory_space<vmem>>, vector<16xf32>,
        tpu.vector_store %arg8[%parallel_loop3A_1116, %parallel_loop3A_1117, %parallel_loop3A_1118], %parallel_loop3A_1114 {strides = array<i32>} : memref<5x40x128xf32, #tpu.memory_space<vmem>>, vector<16xf32>,
        %parallel_loop3A_1120 = tpu.vector_load_idx %arg7[%broadcast_in_dim3A_5, %parallel_loop3A_1113] : memref<5x14xf32, #tpu.memory_space<vmem>>[vector<16xi32>, vector<16xi32>], vector<16xf32>,
        %parallel_loop3A_1121 = arith.constant 1 : i32
        %parallel_loop3A_1122 = arith.index_cast %parallel_loop3A_1121 : i32 to index
        %parallel_loop3A_1123 = arith.index_cast %parallel_loop3A_879 : i32 to index
        %parallel_loop3A_1124 = arith.constant 112 : index
        %parallel_loop3A_1125 = tpu.vector_load %arg8[%parallel_loop3A_1122, %parallel_loop3A_1123, %parallel_loop3A_1124] {strides = array<i32>} : memref<5x40x128xf32, #tpu.memory_space<vmem>>, vector<16xf32>,
        tpu.vector_store %arg8[%parallel_loop3A_1122, %parallel_loop3A_1123, %parallel_loop3A_1124], %parallel_loop3A_1120 {strides = array<i32>} : memref<5x40x128xf32, #tpu.memory_space<vmem>>, vector<16xf32>,
        %parallel_loop3A_1126 = tpu.vector_load_idx %arg7[%broadcast_in_dim3A_7, %parallel_loop3A_1113] : memref<5x14xf32, #tpu.memory_space<vmem>>[vector<16xi32>, vector<16xi32>], vector<16xf32>,
        %parallel_loop3A_1127 = arith.constant 2 : i32
        %parallel_loop3A_1128 = arith.index_cast %parallel_loop3A_1127 : i32 to index
        %parallel_loop3A_1129 = arith.index_cast %parallel_loop3A_879 : i32 to index
        %parallel_loop3A_1130 = arith.constant 112 : index
        %parallel_loop3A_1131 = tpu.vector_load %arg8[%parallel_loop3A_1128, %parallel_loop3A_1129, %parallel_loop3A_1130] {strides = array<i32>} : memref<5x40x128xf32, #tpu.memory_space<vmem>>, vector<16xf32>,
        tpu.vector_store %arg8[%parallel_loop3A_1128, %parallel_loop3A_1129, %parallel_loop3A_1130], %parallel_loop3A_1126 {strides = array<i32>} : memref<5x40x128xf32, #tpu.memory_space<vmem>>, vector<16xf32>,
        %parallel_loop3A_1132 = tpu.vector_load_idx %arg7[%broadcast_in_dim3A_9, %parallel_loop3A_1113] : memref<5x14xf32, #tpu.memory_space<vmem>>[vector<16xi32>, vector<16xi32>], vector<16xf32>,
        %parallel_loop3A_1133 = arith.constant 3 : i32
        %parallel_loop3A_1134 = arith.index_cast %parallel_loop3A_1133 : i32 to index
        %parallel_loop3A_1135 = arith.index_cast %parallel_loop3A_879 : i32 to index
        %parallel_loop3A_1136 = arith.constant 112 : index
        %parallel_loop3A_1137 = tpu.vector_load %arg8[%parallel_loop3A_1134, %parallel_loop3A_1135, %parallel_loop3A_1136] {strides = array<i32>} : memref<5x40x128xf32, #tpu.memory_space<vmem>>, vector<16xf32>,
        tpu.vector_store %arg8[%parallel_loop3A_1134, %parallel_loop3A_1135, %parallel_loop3A_1136], %parallel_loop3A_1132 {strides = array<i32>} : memref<5x40x128xf32, #tpu.memory_space<vmem>>, vector<16xf32>,
        %parallel_loop3A_1138 = tpu.vector_load_idx %arg7[%broadcast_in_dim3A_11, %parallel_loop3A_1113] : memref<5x14xf32, #tpu.memory_space<vmem>>[vector<16xi32>, vector<16xi32>], vector<16xf32>,
        %parallel_loop3A_1139 = arith.constant 4 : i32
        %parallel_loop3A_1140 = arith.index_cast %parallel_loop3A_1139 : i32 to index
        %parallel_loop3A_1141 = arith.index_cast %parallel_loop3A_879 : i32 to index
        %parallel_loop3A_1142 = arith.constant 112 : index
        %parallel_loop3A_1143 = tpu.vector_load %arg8[%parallel_loop3A_1140, %parallel_loop3A_1141, %parallel_loop3A_1142] {strides = array<i32>} : memref<5x40x128xf32, #tpu.memory_space<vmem>>, vector<16xf32>,
        tpu.vector_store %arg8[%parallel_loop3A_1140, %parallel_loop3A_1141, %parallel_loop3A_1142], %parallel_loop3A_1138 {strides = array<i32>} : memref<5x40x128xf32, #tpu.memory_space<vmem>>, vector<16xf32>,
      } {sc.loop_unroll_factor = 1 : i64, sc.parallel_access}
      %jit3A_225 = arith.constant 5 : i32
      %div3A_226 = arith.divsi %add3A_183, %jit3A_225 : i32
      %sign3A_227 = arith.constant 0 : i32
      %sign3A_228 = arith.cmpi sgt, %add3A_183, %sign3A_227 : i32
      %sign3A_229 = arith.extui %sign3A_228 : i1 to i32
      %sign3A_230 = arith.constant 0 : i32
      %sign3A_231 = arith.cmpi slt, %add3A_183, %sign3A_230 : i32
      %sign3A_232 = arith.extui %sign3A_231 : i1 to i32
      %sign3A_233 = arith.subi %sign3A_229, %sign3A_232 : i32
      %sign3A_234 = arith.constant 0 : i32
      %sign3A_235 = arith.cmpi sgt, %jit3A_225, %sign3A_234 : i32
      %sign3A_236 = arith.extui %sign3A_235 : i1 to i32
      %sign3A_237 = arith.constant 0 : i32
      %sign3A_238 = arith.cmpi slt, %jit3A_225, %sign3A_237 : i32
      %sign3A_239 = arith.extui %sign3A_238 : i1 to i32
      %sign3A_240 = arith.subi %sign3A_236, %sign3A_239 : i32
      %ne3A_241 = arith.cmpi ne, %sign3A_233, %sign3A_240 : i32
      %rem3A_242 = arith.remsi %add3A_183, %jit3A_225 : i32
      %ne3A_243 = arith.constant 0 : i32
      %ne3A_244 = arith.cmpi ne, %rem3A_242, %ne3A_243 : i32
      %and3A_245 = arith.andi %ne3A_241, %ne3A_244 : i1
      %sub3A_246 = arith.constant 1 : i32
      %sub3A_247 = arith.subi %div3A_226, %sub3A_246 : i32
      %select_n3A_248 = arith.select %and3A_245, %sub3A_247, %div3A_226 : i32
      %jit3A_249 = arith.constant 5 : i32
      %eq3A_250 = arith.constant 0 : i32
      %eq3A_251 = arith.cmpi eq, %jit3A_249, %eq3A_250 : i32
      %jit3A_252 = arith.constant 1 : i32
      %select_n3A_253 = arith.select %eq3A_251, %jit3A_252, %jit3A_249 : i32
      %rem3A_254 = arith.remsi %add3A_183, %select_n3A_253 : i32
      %ne3A_255 = arith.constant 0 : i32
      %ne3A_256 = arith.cmpi ne, %rem3A_254, %ne3A_255 : i32
      %lt3A_257 = arith.constant 0 : i32
      %lt3A_258 = arith.cmpi slt, %rem3A_254, %lt3A_257 : i32
      %lt3A_259 = arith.constant 0 : i32
      %lt3A_260 = arith.cmpi slt, %select_n3A_253, %lt3A_259 : i32
      %ne3A_261 = arith.xori %lt3A_258, %lt3A_260 : i1
      %and3A_262 = arith.andi %ne3A_261, %ne3A_256 : i1
      %add3A_263 = arith.addi %rem3A_254, %select_n3A_253 : i32
      %select_n3A_264 = arith.select %and3A_262, %add3A_263, %rem3A_254 : i32
      %mul3A_265 = arith.constant 40 : i32
      %mul3A_266 = arith.muli %select_n3A_264, %mul3A_265 : i32
      %add3A_267 = arith.constant 0 : i32
      %add3A_268 = arith.addi %add3A_267, %mul3A_266 : i32
      %mul3A_269 = arith.constant 128 : i32
      %mul3A_270 = arith.muli %select_n3A_248, %mul3A_269 : i32
      %add3A_271 = arith.addi %mul3A_2, %mul3A_270 : i32
      %dma_start3A_272 = arith.constant 0 : i32
      %dma_start3A_273 = arith.constant 0 : i32
      %dma_start3A_274 = arith.constant 0 : i32
      %dma_start3A_275 = tpu.memref_slice %arg8[%dma_start3A_272, %dma_start3A_273, %dma_start3A_274] : memref<5x40x128xf32, #tpu.memory_space<vmem>> -> memref<1x40x128xf32, #tpu.memory_space<vmem>>
      %dma_start3A_276 = tpu.memref_squeeze %dma_start3A_275 : memref<1x40x128xf32, #tpu.memory_space<vmem>> -> memref<40x128xf32, #tpu.memory_space<vmem>>
      %dma_start3A_277 = tpu.memref_slice %arg4[%add3A_268, %add3A_271] : memref<1000x16384xf32, #tpu.memory_space<hbm>> -> memref<40x128xf32, #tpu.memory_space<hbm>>
      %dma_start3A_278 = tpu.memref_slice %arg4[%add3A_268, %add3A_271] : memref<1000x16384xf32, #tpu.memory_space<hbm>> -> memref<40x128xf32, #tpu.memory_space<hbm>>
      %dma_start3A_279 = arith.constant 0 : i32
      %dma_start3A_280 = arith.constant 0 : i32
      %dma_start3A_281 = tpu.memref_slice %arg8[%dma_start3A_272, %dma_start3A_279, %dma_start3A_280] : memref<5x40x128xf32, #tpu.memory_space<vmem>> -> memref<1x40x128xf32, #tpu.memory_space<vmem>>
      %dma_start3A_282 = tpu.memref_squeeze %dma_start3A_281 : memref<1x40x128xf32, #tpu.memory_space<vmem>> -> memref<40x128xf32, #tpu.memory_space<vmem>>
      tpu.enqueue_dma source(%dma_start3A_282 : memref<40x128xf32, #tpu.memory_space<vmem>>) target(%dma_start3A_278 : memref<40x128xf32, #tpu.memory_space<hbm>>) target_semaphore(%arg12 : memref<!tpu.dma_semaphore, #tpu.memory_space<semaphore_mem>>)
      %jit3A_283 = arith.constant 5 : i32
      %div3A_284 = arith.divsi %add3A_183, %jit3A_283 : i32
      %sign3A_285 = arith.constant 0 : i32
      %sign3A_286 = arith.cmpi sgt, %add3A_183, %sign3A_285 : i32
      %sign3A_287 = arith.extui %sign3A_286 : i1 to i32
      %sign3A_288 = arith.constant 0 : i32
      %sign3A_289 = arith.cmpi slt, %add3A_183, %sign3A_288 : i32
      %sign3A_290 = arith.extui %sign3A_289 : i1 to i32
      %sign3A_291 = arith.subi %sign3A_287, %sign3A_290 : i32
      %sign3A_292 = arith.constant 0 : i32
      %sign3A_293 = arith.cmpi sgt, %jit3A_283, %sign3A_292 : i32
      %sign3A_294 = arith.extui %sign3A_293 : i1 to i32
      %sign3A_295 = arith.constant 0 : i32
      %sign3A_296 = arith.cmpi slt, %jit3A_283, %sign3A_295 : i32
      %sign3A_297 = arith.extui %sign3A_296 : i1 to i32
      %sign3A_298 = arith.subi %sign3A_294, %sign3A_297 : i32
      %ne3A_299 = arith.cmpi ne, %sign3A_291, %sign3A_298 : i32
      %rem3A_300 = arith.remsi %add3A_183, %jit3A_283 : i32
      %ne3A_301 = arith.constant 0 : i32
      %ne3A_302 = arith.cmpi ne, %rem3A_300, %ne3A_301 : i32
      %and3A_303 = arith.andi %ne3A_299, %ne3A_302 : i1
      %sub3A_304 = arith.constant 1 : i32
      %sub3A_305 = arith.subi %div3A_284, %sub3A_304 : i32
      %select_n3A_306 = arith.select %and3A_303, %sub3A_305, %div3A_284 : i32
      %jit3A_307 = arith.constant 5 : i32
      %eq3A_308 = arith.constant 0 : i32
      %eq3A_309 = arith.cmpi eq, %jit3A_307, %eq3A_308 : i32
      %jit3A_310 = arith.constant 1 : i32
      %select_n3A_311 = arith.select %eq3A_309, %jit3A_310, %jit3A_307 : i32
      %rem3A_312 = arith.remsi %add3A_183, %select_n3A_311 : i32
      %ne3A_313 = arith.constant 0 : i32
      %ne3A_314 = arith.cmpi ne, %rem3A_312, %ne3A_313 : i32
      %lt3A_315 = arith.constant 0 : i32
      %lt3A_316 = arith.cmpi slt, %rem3A_312, %lt3A_315 : i32
      %lt3A_317 = arith.constant 0 : i32
      %lt3A_318 = arith.cmpi slt, %select_n3A_311, %lt3A_317 : i32
      %ne3A_319 = arith.xori %lt3A_316, %lt3A_318 : i1
      %and3A_320 = arith.andi %ne3A_319, %ne3A_314 : i1
      %add3A_321 = arith.addi %rem3A_312, %select_n3A_311 : i32
      %select_n3A_322 = arith.select %and3A_320, %add3A_321, %rem3A_312 : i32
      %mul3A_323 = arith.constant 40 : i32
      %mul3A_324 = arith.muli %select_n3A_322, %mul3A_323 : i32
      %add3A_325 = arith.constant 200 : i32
      %add3A_326 = arith.addi %add3A_325, %mul3A_324 : i32
      %mul3A_327 = arith.constant 128 : i32
      %mul3A_328 = arith.muli %select_n3A_306, %mul3A_327 : i32
      %add3A_329 = arith.addi %mul3A_2, %mul3A_328 : i32
      %dma_start3A_330 = arith.constant 1 : i32
      %dma_start3A_331 = arith.constant 0 : i32
      %dma_start3A_332 = arith.constant 0 : i32
      %dma_start3A_333 = tpu.memref_slice %arg8[%dma_start3A_330, %dma_start3A_331, %dma_start3A_332] : memref<5x40x128xf32, #tpu.memory_space<vmem>> -> memref<1x40x128xf32, #tpu.memory_space<vmem>>
      %dma_start3A_334 = tpu.memref_squeeze %dma_start3A_333 : memref<1x40x128xf32, #tpu.memory_space<vmem>> -> memref<40x128xf32, #tpu.memory_space<vmem>>
      %dma_start3A_335 = tpu.memref_slice %arg4[%add3A_326, %add3A_329] : memref<1000x16384xf32, #tpu.memory_space<hbm>> -> memref<40x128xf32, #tpu.memory_space<hbm>>
      %dma_start3A_336 = tpu.memref_slice %arg4[%add3A_326, %add3A_329] : memref<1000x16384xf32, #tpu.memory_space<hbm>> -> memref<40x128xf32, #tpu.memory_space<hbm>>
      %dma_start3A_337 = arith.constant 0 : i32
      %dma_start3A_338 = arith.constant 0 : i32
      %dma_start3A_339 = tpu.memref_slice %arg8[%dma_start3A_330, %dma_start3A_337, %dma_start3A_338] : memref<5x40x128xf32, #tpu.memory_space<vmem>> -> memref<1x40x128xf32, #tpu.memory_space<vmem>>
      %dma_start3A_340 = tpu.memref_squeeze %dma_start3A_339 : memref<1x40x128xf32, #tpu.memory_space<vmem>> -> memref<40x128xf32, #tpu.memory_space<vmem>>
      tpu.enqueue_dma source(%dma_start3A_340 : memref<40x128xf32, #tpu.memory_space<vmem>>) target(%dma_start3A_336 : memref<40x128xf32, #tpu.memory_space<hbm>>) target_semaphore(%arg12 : memref<!tpu.dma_semaphore, #tpu.memory_space<semaphore_mem>>)
      %jit3A_341 = arith.constant 5 : i32
      %div3A_342 = arith.divsi %add3A_183, %jit3A_341 : i32
      %sign3A_343 = arith.constant 0 : i32
      %sign3A_344 = arith.cmpi sgt, %add3A_183, %sign3A_343 : i32
      %sign3A_345 = arith.extui %sign3A_344 : i1 to i32
      %sign3A_346 = arith.constant 0 : i32
      %sign3A_347 = arith.cmpi slt, %add3A_183, %sign3A_346 : i32
      %sign3A_348 = arith.extui %sign3A_347 : i1 to i32
      %sign3A_349 = arith.subi %sign3A_345, %sign3A_348 : i32
      %sign3A_350 = arith.constant 0 : i32
      %sign3A_351 = arith.cmpi sgt, %jit3A_341, %sign3A_350 : i32
      %sign3A_352 = arith.extui %sign3A_351 : i1 to i32
      %sign3A_353 = arith.constant 0 : i32
      %sign3A_354 = arith.cmpi slt, %jit3A_341, %sign3A_353 : i32
      %sign3A_355 = arith.extui %sign3A_354 : i1 to i32
      %sign3A_356 = arith.subi %sign3A_352, %sign3A_355 : i32
      %ne3A_357 = arith.cmpi ne, %sign3A_349, %sign3A_356 : i32
      %rem3A_358 = arith.remsi %add3A_183, %jit3A_341 : i32
      %ne3A_359 = arith.constant 0 : i32
      %ne3A_360 = arith.cmpi ne, %rem3A_358, %ne3A_359 : i32
      %and3A_361 = arith.andi %ne3A_357, %ne3A_360 : i1
      %sub3A_362 = arith.constant 1 : i32
      %sub3A_363 = arith.subi %div3A_342, %sub3A_362 : i32
      %select_n3A_364 = arith.select %and3A_361, %sub3A_363, %div3A_342 : i32
      %jit3A_365 = arith.constant 5 : i32
      %eq3A_366 = arith.constant 0 : i32
      %eq3A_367 = arith.cmpi eq, %jit3A_365, %eq3A_366 : i32
      %jit3A_368 = arith.constant 1 : i32
      %select_n3A_369 = arith.select %eq3A_367, %jit3A_368, %jit3A_365 : i32
      %rem3A_370 = arith.remsi %add3A_183, %select_n3A_369 : i32
      %ne3A_371 = arith.constant 0 : i32
      %ne3A_372 = arith.cmpi ne, %rem3A_370, %ne3A_371 : i32
      %lt3A_373 = arith.constant 0 : i32
      %lt3A_374 = arith.cmpi slt, %rem3A_370, %lt3A_373 : i32
      %lt3A_375 = arith.constant 0 : i32
      %lt3A_376 = arith.cmpi slt, %select_n3A_369, %lt3A_375 : i32
      %ne3A_377 = arith.xori %lt3A_374, %lt3A_376 : i1
      %and3A_378 = arith.andi %ne3A_377, %ne3A_372 : i1
      %add3A_379 = arith.addi %rem3A_370, %select_n3A_369 : i32
      %select_n3A_380 = arith.select %and3A_378, %add3A_379, %rem3A_370 : i32
      %mul3A_381 = arith.constant 40 : i32
      %mul3A_382 = arith.muli %select_n3A_380, %mul3A_381 : i32
      %add3A_383 = arith.constant 400 : i32
      %add3A_384 = arith.addi %add3A_383, %mul3A_382 : i32
      %mul3A_385 = arith.constant 128 : i32
      %mul3A_386 = arith.muli %select_n3A_364, %mul3A_385 : i32
      %add3A_387 = arith.addi %mul3A_2, %mul3A_386 : i32
      %dma_start3A_388 = arith.constant 2 : i32
      %dma_start3A_389 = arith.constant 0 : i32
      %dma_start3A_390 = arith.constant 0 : i32
      %dma_start3A_391 = tpu.memref_slice %arg8[%dma_start3A_388, %dma_start3A_389, %dma_start3A_390] : memref<5x40x128xf32, #tpu.memory_space<vmem>> -> memref<1x40x128xf32, #tpu.memory_space<vmem>>
      %dma_start3A_392 = tpu.memref_squeeze %dma_start3A_391 : memref<1x40x128xf32, #tpu.memory_space<vmem>> -> memref<40x128xf32, #tpu.memory_space<vmem>>
      %dma_start3A_393 = tpu.memref_slice %arg4[%add3A_384, %add3A_387] : memref<1000x16384xf32, #tpu.memory_space<hbm>> -> memref<40x128xf32, #tpu.memory_space<hbm>>
      %dma_start3A_394 = tpu.memref_slice %arg4[%add3A_384, %add3A_387] : memref<1000x16384xf32, #tpu.memory_space<hbm>> -> memref<40x128xf32, #tpu.memory_space<hbm>>
      %dma_start3A_395 = arith.constant 0 : i32
      %dma_start3A_396 = arith.constant 0 : i32
      %dma_start3A_397 = tpu.memref_slice %arg8[%dma_start3A_388, %dma_start3A_395, %dma_start3A_396] : memref<5x40x128xf32, #tpu.memory_space<vmem>> -> memref<1x40x128xf32, #tpu.memory_space<vmem>>
      %dma_start3A_398 = tpu.memref_squeeze %dma_start3A_397 : memref<1x40x128xf32, #tpu.memory_space<vmem>> -> memref<40x128xf32, #tpu.memory_space<vmem>>
      tpu.enqueue_dma source(%dma_start3A_398 : memref<40x128xf32, #tpu.memory_space<vmem>>) target(%dma_start3A_394 : memref<40x128xf32, #tpu.memory_space<hbm>>) target_semaphore(%arg12 : memref<!tpu.dma_semaphore, #tpu.memory_space<semaphore_mem>>)
      %jit3A_399 = arith.constant 5 : i32
      %div3A_400 = arith.divsi %add3A_183, %jit3A_399 : i32
      %sign3A_401 = arith.constant 0 : i32
      %sign3A_402 = arith.cmpi sgt, %add3A_183, %sign3A_401 : i32
      %sign3A_403 = arith.extui %sign3A_402 : i1 to i32
      %sign3A_404 = arith.constant 0 : i32
      %sign3A_405 = arith.cmpi slt, %add3A_183, %sign3A_404 : i32
      %sign3A_406 = arith.extui %sign3A_405 : i1 to i32
      %sign3A_407 = arith.subi %sign3A_403, %sign3A_406 : i32
      %sign3A_408 = arith.constant 0 : i32
      %sign3A_409 = arith.cmpi sgt, %jit3A_399, %sign3A_408 : i32
      %sign3A_410 = arith.extui %sign3A_409 : i1 to i32
      %sign3A_411 = arith.constant 0 : i32
      %sign3A_412 = arith.cmpi slt, %jit3A_399, %sign3A_411 : i32
      %sign3A_413 = arith.extui %sign3A_412 : i1 to i32
      %sign3A_414 = arith.subi %sign3A_410, %sign3A_413 : i32
      %ne3A_415 = arith.cmpi ne, %sign3A_407, %sign3A_414 : i32
      %rem3A_416 = arith.remsi %add3A_183, %jit3A_399 : i32
      %ne3A_417 = arith.constant 0 : i32
      %ne3A_418 = arith.cmpi ne, %rem3A_416, %ne3A_417 : i32
      %and3A_419 = arith.andi %ne3A_415, %ne3A_418 : i1
      %sub3A_420 = arith.constant 1 : i32
      %sub3A_421 = arith.subi %div3A_400, %sub3A_420 : i32
      %select_n3A_422 = arith.select %and3A_419, %sub3A_421, %div3A_400 : i32
      %jit3A_423 = arith.constant 5 : i32
      %eq3A_424 = arith.constant 0 : i32
      %eq3A_425 = arith.cmpi eq, %jit3A_423, %eq3A_424 : i32
      %jit3A_426 = arith.constant 1 : i32
      %select_n3A_427 = arith.select %eq3A_425, %jit3A_426, %jit3A_423 : i32
      %rem3A_428 = arith.remsi %add3A_183, %select_n3A_427 : i32
      %ne3A_429 = arith.constant 0 : i32
      %ne3A_430 = arith.cmpi ne, %rem3A_428, %ne3A_429 : i32
      %lt3A_431 = arith.constant 0 : i32
      %lt3A_432 = arith.cmpi slt, %rem3A_428, %lt3A_431 : i32
      %lt3A_433 = arith.constant 0 : i32
      %lt3A_434 = arith.cmpi slt, %select_n3A_427, %lt3A_433 : i32
      %ne3A_435 = arith.xori %lt3A_432, %lt3A_434 : i1
      %and3A_436 = arith.andi %ne3A_435, %ne3A_430 : i1
      %add3A_437 = arith.addi %rem3A_428, %select_n3A_427 : i32
      %select_n3A_438 = arith.select %and3A_436, %add3A_437, %rem3A_428 : i32
      %mul3A_439 = arith.constant 40 : i32
      %mul3A_440 = arith.muli %select_n3A_438, %mul3A_439 : i32
      %add3A_441 = arith.constant 600 : i32
      %add3A_442 = arith.addi %add3A_441, %mul3A_440 : i32
      %mul3A_443 = arith.constant 128 : i32
      %mul3A_444 = arith.muli %select_n3A_422, %mul3A_443 : i32
      %add3A_445 = arith.addi %mul3A_2, %mul3A_444 : i32
      %dma_start3A_446 = arith.constant 3 : i32
      %dma_start3A_447 = arith.constant 0 : i32
      %dma_start3A_448 = arith.constant 0 : i32
      %dma_start3A_449 = tpu.memref_slice %arg8[%dma_start3A_446, %dma_start3A_447, %dma_start3A_448] : memref<5x40x128xf32, #tpu.memory_space<vmem>> -> memref<1x40x128xf32, #tpu.memory_space<vmem>>
      %dma_start3A_450 = tpu.memref_squeeze %dma_start3A_449 : memref<1x40x128xf32, #tpu.memory_space<vmem>> -> memref<40x128xf32, #tpu.memory_space<vmem>>
      %dma_start3A_451 = tpu.memref_slice %arg4[%add3A_442, %add3A_445] : memref<1000x16384xf32, #tpu.memory_space<hbm>> -> memref<40x128xf32, #tpu.memory_space<hbm>>
      %dma_start3A_452 = tpu.memref_slice %arg4[%add3A_442, %add3A_445] : memref<1000x16384xf32, #tpu.memory_space<hbm>> -> memref<40x128xf32, #tpu.memory_space<hbm>>
      %dma_start3A_453 = arith.constant 0 : i32
      %dma_start3A_454 = arith.constant 0 : i32
      %dma_start3A_455 = tpu.memref_slice %arg8[%dma_start3A_446, %dma_start3A_453, %dma_start3A_454] : memref<5x40x128xf32, #tpu.memory_space<vmem>> -> memref<1x40x128xf32, #tpu.memory_space<vmem>>
      %dma_start3A_456 = tpu.memref_squeeze %dma_start3A_455 : memref<1x40x128xf32, #tpu.memory_space<vmem>> -> memref<40x128xf32, #tpu.memory_space<vmem>>
      tpu.enqueue_dma source(%dma_start3A_456 : memref<40x128xf32, #tpu.memory_space<vmem>>) target(%dma_start3A_452 : memref<40x128xf32, #tpu.memory_space<hbm>>) target_semaphore(%arg12 : memref<!tpu.dma_semaphore, #tpu.memory_space<semaphore_mem>>)
      %jit3A_457 = arith.constant 5 : i32
      %div3A_458 = arith.divsi %add3A_183, %jit3A_457 : i32
      %sign3A_459 = arith.constant 0 : i32
      %sign3A_460 = arith.cmpi sgt, %add3A_183, %sign3A_459 : i32
      %sign3A_461 = arith.extui %sign3A_460 : i1 to i32
      %sign3A_462 = arith.constant 0 : i32
      %sign3A_463 = arith.cmpi slt, %add3A_183, %sign3A_462 : i32
      %sign3A_464 = arith.extui %sign3A_463 : i1 to i32
      %sign3A_465 = arith.subi %sign3A_461, %sign3A_464 : i32
      %sign3A_466 = arith.constant 0 : i32
      %sign3A_467 = arith.cmpi sgt, %jit3A_457, %sign3A_466 : i32
      %sign3A_468 = arith.extui %sign3A_467 : i1 to i32
      %sign3A_469 = arith.constant 0 : i32
      %sign3A_470 = arith.cmpi slt, %jit3A_457, %sign3A_469 : i32
      %sign3A_471 = arith.extui %sign3A_470 : i1 to i32
      %sign3A_472 = arith.subi %sign3A_468, %sign3A_471 : i32
      %ne3A_473 = arith.cmpi ne, %sign3A_465, %sign3A_472 : i32
      %rem3A_474 = arith.remsi %add3A_183, %jit3A_457 : i32
      %ne3A_475 = arith.constant 0 : i32
      %ne3A_476 = arith.cmpi ne, %rem3A_474, %ne3A_475 : i32
      %and3A_477 = arith.andi %ne3A_473, %ne3A_476 : i1
      %sub3A_478 = arith.constant 1 : i32
      %sub3A_479 = arith.subi %div3A_458, %sub3A_478 : i32
      %select_n3A_480 = arith.select %and3A_477, %sub3A_479, %div3A_458 : i32
      %jit3A_481 = arith.constant 5 : i32
      %eq3A_482 = arith.constant 0 : i32
      %eq3A_483 = arith.cmpi eq, %jit3A_481, %eq3A_482 : i32
      %jit3A_484 = arith.constant 1 : i32
      %select_n3A_485 = arith.select %eq3A_483, %jit3A_484, %jit3A_481 : i32
      %rem3A_486 = arith.remsi %add3A_183, %select_n3A_485 : i32
      %ne3A_487 = arith.constant 0 : i32
      %ne3A_488 = arith.cmpi ne, %rem3A_486, %ne3A_487 : i32
      %lt3A_489 = arith.constant 0 : i32
      %lt3A_490 = arith.cmpi slt, %rem3A_486, %lt3A_489 : i32
      %lt3A_491 = arith.constant 0 : i32
      %lt3A_492 = arith.cmpi slt, %select_n3A_485, %lt3A_491 : i32
      %ne3A_493 = arith.xori %lt3A_490, %lt3A_492 : i1
      %and3A_494 = arith.andi %ne3A_493, %ne3A_488 : i1
      %add3A_495 = arith.addi %rem3A_486, %select_n3A_485 : i32
      %select_n3A_496 = arith.select %and3A_494, %add3A_495, %rem3A_486 : i32
      %mul3A_497 = arith.constant 40 : i32
      %mul3A_498 = arith.muli %select_n3A_496, %mul3A_497 : i32
      %add3A_499 = arith.constant 800 : i32
      %add3A_500 = arith.addi %add3A_499, %mul3A_498 : i32
      %mul3A_501 = arith.constant 128 : i32
      %mul3A_502 = arith.muli %select_n3A_480, %mul3A_501 : i32
      %add3A_503 = arith.addi %mul3A_2, %mul3A_502 : i32
      %dma_start3A_504 = arith.constant 4 : i32
      %dma_start3A_505 = arith.constant 0 : i32
      %dma_start3A_506 = arith.constant 0 : i32
      %dma_start3A_507 = tpu.memref_slice %arg8[%dma_start3A_504, %dma_start3A_505, %dma_start3A_506] : memref<5x40x128xf32, #tpu.memory_space<vmem>> -> memref<1x40x128xf32, #tpu.memory_space<vmem>>
      %dma_start3A_508 = tpu.memref_squeeze %dma_start3A_507 : memref<1x40x128xf32, #tpu.memory_space<vmem>> -> memref<40x128xf32, #tpu.memory_space<vmem>>
      %dma_start3A_509 = tpu.memref_slice %arg4[%add3A_500, %add3A_503] : memref<1000x16384xf32, #tpu.memory_space<hbm>> -> memref<40x128xf32, #tpu.memory_space<hbm>>
      %dma_start3A_510 = tpu.memref_slice %arg4[%add3A_500, %add3A_503] : memref<1000x16384xf32, #tpu.memory_space<hbm>> -> memref<40x128xf32, #tpu.memory_space<hbm>>
      %dma_start3A_511 = arith.constant 0 : i32
      %dma_start3A_512 = arith.constant 0 : i32
      %dma_start3A_513 = tpu.memref_slice %arg8[%dma_start3A_504, %dma_start3A_511, %dma_start3A_512] : memref<5x40x128xf32, #tpu.memory_space<vmem>> -> memref<1x40x128xf32, #tpu.memory_space<vmem>>
      %dma_start3A_514 = tpu.memref_squeeze %dma_start3A_513 : memref<1x40x128xf32, #tpu.memory_space<vmem>> -> memref<40x128xf32, #tpu.memory_space<vmem>>
      tpu.enqueue_dma source(%dma_start3A_514 : memref<40x128xf32, #tpu.memory_space<vmem>>) target(%dma_start3A_510 : memref<40x128xf32, #tpu.memory_space<hbm>>) target_semaphore(%arg12 : memref<!tpu.dma_semaphore, #tpu.memory_space<semaphore_mem>>)
      %add3A_515 = arith.constant 2 : i32
      %add3A_516 = arith.addi %add3A_183, %add3A_515 : i32
      %lt3A_517 = arith.constant 20 : i32
      %lt3A_518 = arith.cmpi slt, %add3A_516, %lt3A_517 : i32
      %convert_element_type3A_519 = arith.extui %lt3A_518 : i1 to i32
      %cond3A_520 = arith.constant 0 : i32
      %cond3A_521 = arith.cmpi ne, %convert_element_type3A_519, %cond3A_520 : i32
      scf.if %cond3A_521 {
        %add3A_879 = arith.constant 2 : i32
        %add3A_880 = arith.addi %add3A_183, %add3A_879 : i32
        %jit3A_881 = arith.constant 5 : i32
        %div3A_882 = arith.divsi %add3A_880, %jit3A_881 : i32
        %sign3A_883 = arith.constant 0 : i32
        %sign3A_884 = arith.cmpi sgt, %add3A_880, %sign3A_883 : i32
        %sign3A_885 = arith.extui %sign3A_884 : i1 to i32
        %sign3A_886 = arith.constant 0 : i32
        %sign3A_887 = arith.cmpi slt, %add3A_880, %sign3A_886 : i32
        %sign3A_888 = arith.extui %sign3A_887 : i1 to i32
        %sign3A_889 = arith.subi %sign3A_885, %sign3A_888 : i32
        %sign3A_890 = arith.constant 0 : i32
        %sign3A_891 = arith.cmpi sgt, %jit3A_881, %sign3A_890 : i32
        %sign3A_892 = arith.extui %sign3A_891 : i1 to i32
        %sign3A_893 = arith.constant 0 : i32
        %sign3A_894 = arith.cmpi slt, %jit3A_881, %sign3A_893 : i32
        %sign3A_895 = arith.extui %sign3A_894 : i1 to i32
        %sign3A_896 = arith.subi %sign3A_892, %sign3A_895 : i32
        %ne3A_897 = arith.cmpi ne, %sign3A_889, %sign3A_896 : i32
        %rem3A_898 = arith.remsi %add3A_880, %jit3A_881 : i32
        %ne3A_899 = arith.constant 0 : i32
        %ne3A_900 = arith.cmpi ne, %rem3A_898, %ne3A_899 : i32
        %and3A_901 = arith.andi %ne3A_897, %ne3A_900 : i1
        %sub3A_902 = arith.constant 1 : i32
        %sub3A_903 = arith.subi %div3A_882, %sub3A_902 : i32
        %select_n3A_904 = arith.select %and3A_901, %sub3A_903, %div3A_882 : i32
        %jit3A_905 = arith.constant 5 : i32
        %eq3A_906 = arith.constant 0 : i32
        %eq3A_907 = arith.cmpi eq, %jit3A_905, %eq3A_906 : i32
        %jit3A_908 = arith.constant 1 : i32
        %select_n3A_909 = arith.select %eq3A_907, %jit3A_908, %jit3A_905 : i32
        %rem3A_910 = arith.remsi %add3A_880, %select_n3A_909 : i32
        %ne3A_911 = arith.constant 0 : i32
        %ne3A_912 = arith.cmpi ne, %rem3A_910, %ne3A_911 : i32
        %lt3A_913 = arith.constant 0 : i32
        %lt3A_914 = arith.cmpi slt, %rem3A_910, %lt3A_913 : i32
        %lt3A_915 = arith.constant 0 : i32
        %lt3A_916 = arith.cmpi slt, %select_n3A_909, %lt3A_915 : i32
        %ne3A_917 = arith.xori %lt3A_914, %lt3A_916 : i1
        %and3A_918 = arith.andi %ne3A_917, %ne3A_912 : i1
        %add3A_919 = arith.addi %rem3A_910, %select_n3A_909 : i32
        %select_n3A_920 = arith.select %and3A_918, %add3A_919, %rem3A_910 : i32
        %mul3A_921 = arith.constant 40 : i32
        %mul3A_922 = arith.muli %select_n3A_920, %mul3A_921 : i32
        %mul3A_923 = arith.constant 128 : i32
        %mul3A_924 = arith.muli %select_n3A_904, %mul3A_923 : i32
        %add3A_925 = arith.addi %mul3A_2, %mul3A_924 : i32
        %dma_start3A_926 = tpu.memref_slice %arg2[%mul3A_922, %add3A_925] : memref<200x16384xi32, #tpu.memory_space<hbm>> -> memref<40x128xi32, #tpu.memory_space<hbm>>
        %dma_start3A_927 = tpu.memref_slice %arg2[%mul3A_922, %add3A_925] : memref<200x16384xi32, #tpu.memory_space<hbm>> -> memref<40x128xi32, #tpu.memory_space<hbm>>
        tpu.enqueue_dma source(%dma_start3A_927 : memref<40x128xi32, #tpu.memory_space<hbm>>) target(%arg5 : memref<40x128xi32, #tpu.memory_space<vmem>>) target_semaphore(%arg10 : memref<!tpu.dma_semaphore, #tpu.memory_space<semaphore_mem>>)
      } else {
      }
      %mul3A_522 = arith.constant 2 : i32
      %mul3A_523 = arith.muli %scan3A_178, %mul3A_522 : i32
      %add3A_524 = arith.constant 1 : i32
      %add3A_525 = arith.addi %mul3A_523, %add3A_524 : i32
      %jit3A_526 = arith.constant 5 : i32
      %div3A_527 = arith.divsi %add3A_525, %jit3A_526 : i32
      %sign3A_528 = arith.constant 0 : i32
      %sign3A_529 = arith.cmpi sgt, %add3A_525, %sign3A_528 : i32
      %sign3A_530 = arith.extui %sign3A_529 : i1 to i32
      %sign3A_531 = arith.constant 0 : i32
      %sign3A_532 = arith.cmpi slt, %add3A_525, %sign3A_531 : i32
      %sign3A_533 = arith.extui %sign3A_532 : i1 to i32
      %sign3A_534 = arith.subi %sign3A_530, %sign3A_533 : i32
      %sign3A_535 = arith.constant 0 : i32
      %sign3A_536 = arith.cmpi sgt, %jit3A_526, %sign3A_535 : i32
      %sign3A_537 = arith.extui %sign3A_536 : i1 to i32
      %sign3A_538 = arith.constant 0 : i32
      %sign3A_539 = arith.cmpi slt, %jit3A_526, %sign3A_538 : i32
      %sign3A_540 = arith.extui %sign3A_539 : i1 to i32
      %sign3A_541 = arith.subi %sign3A_537, %sign3A_540 : i32
      %ne3A_542 = arith.cmpi ne, %sign3A_534, %sign3A_541 : i32
      %rem3A_543 = arith.remsi %add3A_525, %jit3A_526 : i32
      %ne3A_544 = arith.constant 0 : i32
      %ne3A_545 = arith.cmpi ne, %rem3A_543, %ne3A_544 : i32
      %and3A_546 = arith.andi %ne3A_542, %ne3A_545 : i1
      %sub3A_547 = arith.constant 1 : i32
      %sub3A_548 = arith.subi %div3A_527, %sub3A_547 : i32
      %select_n3A_549 = arith.select %and3A_546, %sub3A_548, %div3A_527 : i32
      %jit3A_550 = arith.constant 5 : i32
      %eq3A_551 = arith.constant 0 : i32
      %eq3A_552 = arith.cmpi eq, %jit3A_550, %eq3A_551 : i32
      %jit3A_553 = arith.constant 1 : i32
      %select_n3A_554 = arith.select %eq3A_552, %jit3A_553, %jit3A_550 : i32
      %rem3A_555 = arith.remsi %add3A_525, %select_n3A_554 : i32
      %ne3A_556 = arith.constant 0 : i32
      %ne3A_557 = arith.cmpi ne, %rem3A_555, %ne3A_556 : i32
      %lt3A_558 = arith.constant 0 : i32
      %lt3A_559 = arith.cmpi slt, %rem3A_555, %lt3A_558 : i32
      %lt3A_560 = arith.constant 0 : i32
      %lt3A_561 = arith.cmpi slt, %select_n3A_554, %lt3A_560 : i32
      %ne3A_562 = arith.xori %lt3A_559, %lt3A_561 : i1
      %and3A_563 = arith.andi %ne3A_562, %ne3A_557 : i1
      %add3A_564 = arith.addi %rem3A_555, %select_n3A_554 : i32
      %select_n3A_565 = arith.select %and3A_563, %add3A_564, %rem3A_555 : i32
      %mul3A_566 = arith.constant 40 : i32
      %mul3A_567 = arith.muli %select_n3A_565, %mul3A_566 : i32
      %mul3A_568 = arith.constant 128 : i32
      %mul3A_569 = arith.muli %select_n3A_549, %mul3A_568 : i32
      %add3A_570 = arith.addi %mul3A_2, %mul3A_569 : i32
      %dma_wait3A_571 = tpu.memref_slice %arg2[%mul3A_567, %add3A_570] : memref<200x16384xi32, #tpu.memory_space<hbm>> -> memref<40x128xi32, #tpu.memory_space<hbm>>
      %dma_wait3A_572 = tpu.memref_slice %arg2[%mul3A_567, %add3A_570] : memref<200x16384xi32, #tpu.memory_space<hbm>> -> memref<40x128xi32, #tpu.memory_space<hbm>>
      tpu.wait_dma2 semaphore(%arg11 : memref<!tpu.dma_semaphore, #tpu.memory_space<semaphore_mem>>) src(%dma_wait3A_572 : memref<40x128xi32, #tpu.memory_space<hbm>>) dst(%arg6 : memref<40x128xi32, #tpu.memory_space<vmem>>)
      %ge3A_573 = arith.constant 2 : i32
      %ge3A_574 = arith.cmpi sge, %add3A_525, %ge3A_573 : i32
      %convert_element_type3A_575 = arith.extui %ge3A_574 : i1 to i32
      %cond3A_576 = arith.constant 0 : i32
      %cond3A_577 = arith.cmpi ne, %convert_element_type3A_575, %cond3A_576 : i32
      scf.if %cond3A_577 {
        %jit3A_879 = arith.constant 5 : i32
        %div3A_880 = arith.divsi %add3A_525, %jit3A_879 : i32
        %sign3A_881 = arith.constant 0 : i32
        %sign3A_882 = arith.cmpi sgt, %add3A_525, %sign3A_881 : i32
        %sign3A_883 = arith.extui %sign3A_882 : i1 to i32
        %sign3A_884 = arith.constant 0 : i32
        %sign3A_885 = arith.cmpi slt, %add3A_525, %sign3A_884 : i32
        %sign3A_886 = arith.extui %sign3A_885 : i1 to i32
        %sign3A_887 = arith.subi %sign3A_883, %sign3A_886 : i32
        %sign3A_888 = arith.constant 0 : i32
        %sign3A_889 = arith.cmpi sgt, %jit3A_879, %sign3A_888 : i32
        %sign3A_890 = arith.extui %sign3A_889 : i1 to i32
        %sign3A_891 = arith.constant 0 : i32
        %sign3A_892 = arith.cmpi slt, %jit3A_879, %sign3A_891 : i32
        %sign3A_893 = arith.extui %sign3A_892 : i1 to i32
        %sign3A_894 = arith.subi %sign3A_890, %sign3A_893 : i32
        %ne3A_895 = arith.cmpi ne, %sign3A_887, %sign3A_894 : i32
        %rem3A_896 = arith.remsi %add3A_525, %jit3A_879 : i32
        %ne3A_897 = arith.constant 0 : i32
        %ne3A_898 = arith.cmpi ne, %rem3A_896, %ne3A_897 : i32
        %and3A_899 = arith.andi %ne3A_895, %ne3A_898 : i1
        %sub3A_900 = arith.constant 1 : i32
        %sub3A_901 = arith.subi %div3A_880, %sub3A_900 : i32
        %select_n3A_902 = arith.select %and3A_899, %sub3A_901, %div3A_880 : i32
        %jit3A_903 = arith.constant 5 : i32
        %eq3A_904 = arith.constant 0 : i32
        %eq3A_905 = arith.cmpi eq, %jit3A_903, %eq3A_904 : i32
        %jit3A_906 = arith.constant 1 : i32
        %select_n3A_907 = arith.select %eq3A_905, %jit3A_906, %jit3A_903 : i32
        %rem3A_908 = arith.remsi %add3A_525, %select_n3A_907 : i32
        %ne3A_909 = arith.constant 0 : i32
        %ne3A_910 = arith.cmpi ne, %rem3A_908, %ne3A_909 : i32
        %lt3A_911 = arith.constant 0 : i32
        %lt3A_912 = arith.cmpi slt, %rem3A_908, %lt3A_911 : i32
        %lt3A_913 = arith.constant 0 : i32
        %lt3A_914 = arith.cmpi slt, %select_n3A_907, %lt3A_913 : i32
        %ne3A_915 = arith.xori %lt3A_912, %lt3A_914 : i1
        %and3A_916 = arith.andi %ne3A_915, %ne3A_910 : i1
        %add3A_917 = arith.addi %rem3A_908, %select_n3A_907 : i32
        %select_n3A_918 = arith.select %and3A_916, %add3A_917, %rem3A_908 : i32
        %mul3A_919 = arith.constant 40 : i32
        %mul3A_920 = arith.muli %select_n3A_918, %mul3A_919 : i32
        %add3A_921 = arith.constant 0 : i32
        %add3A_922 = arith.addi %add3A_921, %mul3A_920 : i32
        %mul3A_923 = arith.constant 128 : i32
        %mul3A_924 = arith.muli %select_n3A_902, %mul3A_923 : i32
        %add3A_925 = arith.addi %mul3A_2, %mul3A_924 : i32
        %dma_wait3A_926 = arith.constant 0 : i32
        %dma_wait3A_927 = arith.constant 0 : i32
        %dma_wait3A_928 = arith.constant 0 : i32
        %dma_wait3A_929 = tpu.memref_slice %arg9[%dma_wait3A_926, %dma_wait3A_927, %dma_wait3A_928] : memref<5x40x128xf32, #tpu.memory_space<vmem>> -> memref<1x40x128xf32, #tpu.memory_space<vmem>>
        %dma_wait3A_930 = tpu.memref_squeeze %dma_wait3A_929 : memref<1x40x128xf32, #tpu.memory_space<vmem>> -> memref<40x128xf32, #tpu.memory_space<vmem>>
        %dma_wait3A_931 = tpu.memref_slice %arg4[%add3A_922, %add3A_925] : memref<1000x16384xf32, #tpu.memory_space<hbm>> -> memref<40x128xf32, #tpu.memory_space<hbm>>
        %dma_wait3A_932 = tpu.memref_slice %arg4[%add3A_922, %add3A_925] : memref<1000x16384xf32, #tpu.memory_space<hbm>> -> memref<40x128xf32, #tpu.memory_space<hbm>>
        %dma_wait3A_933 = arith.constant 0 : i32
        %dma_wait3A_934 = arith.constant 0 : i32
        %dma_wait3A_935 = tpu.memref_slice %arg9[%dma_wait3A_926, %dma_wait3A_933, %dma_wait3A_934] : memref<5x40x128xf32, #tpu.memory_space<vmem>> -> memref<1x40x128xf32, #tpu.memory_space<vmem>>
        %dma_wait3A_936 = tpu.memref_squeeze %dma_wait3A_935 : memref<1x40x128xf32, #tpu.memory_space<vmem>> -> memref<40x128xf32, #tpu.memory_space<vmem>>
        tpu.wait_dma2 semaphore(%arg13 : memref<!tpu.dma_semaphore, #tpu.memory_space<semaphore_mem>>) src(%dma_wait3A_936 : memref<40x128xf32, #tpu.memory_space<vmem>>) dst(%dma_wait3A_932 : memref<40x128xf32, #tpu.memory_space<hbm>>)
        %jit3A_937 = arith.constant 5 : i32
        %div3A_938 = arith.divsi %add3A_525, %jit3A_937 : i32
        %sign3A_939 = arith.constant 0 : i32
        %sign3A_940 = arith.cmpi sgt, %add3A_525, %sign3A_939 : i32
        %sign3A_941 = arith.extui %sign3A_940 : i1 to i32
        %sign3A_942 = arith.constant 0 : i32
        %sign3A_943 = arith.cmpi slt, %add3A_525, %sign3A_942 : i32
        %sign3A_944 = arith.extui %sign3A_943 : i1 to i32
        %sign3A_945 = arith.subi %sign3A_941, %sign3A_944 : i32
        %sign3A_946 = arith.constant 0 : i32
        %sign3A_947 = arith.cmpi sgt, %jit3A_937, %sign3A_946 : i32
        %sign3A_948 = arith.extui %sign3A_947 : i1 to i32
        %sign3A_949 = arith.constant 0 : i32
        %sign3A_950 = arith.cmpi slt, %jit3A_937, %sign3A_949 : i32
        %sign3A_951 = arith.extui %sign3A_950 : i1 to i32
        %sign3A_952 = arith.subi %sign3A_948, %sign3A_951 : i32
        %ne3A_953 = arith.cmpi ne, %sign3A_945, %sign3A_952 : i32
        %rem3A_954 = arith.remsi %add3A_525, %jit3A_937 : i32
        %ne3A_955 = arith.constant 0 : i32
        %ne3A_956 = arith.cmpi ne, %rem3A_954, %ne3A_955 : i32
        %and3A_957 = arith.andi %ne3A_953, %ne3A_956 : i1
        %sub3A_958 = arith.constant 1 : i32
        %sub3A_959 = arith.subi %div3A_938, %sub3A_958 : i32
        %select_n3A_960 = arith.select %and3A_957, %sub3A_959, %div3A_938 : i32
        %jit3A_961 = arith.constant 5 : i32
        %eq3A_962 = arith.constant 0 : i32
        %eq3A_963 = arith.cmpi eq, %jit3A_961, %eq3A_962 : i32
        %jit3A_964 = arith.constant 1 : i32
        %select_n3A_965 = arith.select %eq3A_963, %jit3A_964, %jit3A_961 : i32
        %rem3A_966 = arith.remsi %add3A_525, %select_n3A_965 : i32
        %ne3A_967 = arith.constant 0 : i32
        %ne3A_968 = arith.cmpi ne, %rem3A_966, %ne3A_967 : i32
        %lt3A_969 = arith.constant 0 : i32
        %lt3A_970 = arith.cmpi slt, %rem3A_966, %lt3A_969 : i32
        %lt3A_971 = arith.constant 0 : i32
        %lt3A_972 = arith.cmpi slt, %select_n3A_965, %lt3A_971 : i32
        %ne3A_973 = arith.xori %lt3A_970, %lt3A_972 : i1
        %and3A_974 = arith.andi %ne3A_973, %ne3A_968 : i1
        %add3A_975 = arith.addi %rem3A_966, %select_n3A_965 : i32
        %select_n3A_976 = arith.select %and3A_974, %add3A_975, %rem3A_966 : i32
        %mul3A_977 = arith.constant 40 : i32
        %mul3A_978 = arith.muli %select_n3A_976, %mul3A_977 : i32
        %add3A_979 = arith.constant 200 : i32
        %add3A_980 = arith.addi %add3A_979, %mul3A_978 : i32
        %mul3A_981 = arith.constant 128 : i32
        %mul3A_982 = arith.muli %select_n3A_960, %mul3A_981 : i32
        %add3A_983 = arith.addi %mul3A_2, %mul3A_982 : i32
        %dma_wait3A_984 = arith.constant 1 : i32
        %dma_wait3A_985 = arith.constant 0 : i32
        %dma_wait3A_986 = arith.constant 0 : i32
        %dma_wait3A_987 = tpu.memref_slice %arg9[%dma_wait3A_984, %dma_wait3A_985, %dma_wait3A_986] : memref<5x40x128xf32, #tpu.memory_space<vmem>> -> memref<1x40x128xf32, #tpu.memory_space<vmem>>
        %dma_wait3A_988 = tpu.memref_squeeze %dma_wait3A_987 : memref<1x40x128xf32, #tpu.memory_space<vmem>> -> memref<40x128xf32, #tpu.memory_space<vmem>>
        %dma_wait3A_989 = tpu.memref_slice %arg4[%add3A_980, %add3A_983] : memref<1000x16384xf32, #tpu.memory_space<hbm>> -> memref<40x128xf32, #tpu.memory_space<hbm>>
        %dma_wait3A_990 = tpu.memref_slice %arg4[%add3A_980, %add3A_983] : memref<1000x16384xf32, #tpu.memory_space<hbm>> -> memref<40x128xf32, #tpu.memory_space<hbm>>
        %dma_wait3A_991 = arith.constant 0 : i32
        %dma_wait3A_992 = arith.constant 0 : i32
        %dma_wait3A_993 = tpu.memref_slice %arg9[%dma_wait3A_984, %dma_wait3A_991, %dma_wait3A_992] : memref<5x40x128xf32, #tpu.memory_space<vmem>> -> memref<1x40x128xf32, #tpu.memory_space<vmem>>
        %dma_wait3A_994 = tpu.memref_squeeze %dma_wait3A_993 : memref<1x40x128xf32, #tpu.memory_space<vmem>> -> memref<40x128xf32, #tpu.memory_space<vmem>>
        tpu.wait_dma2 semaphore(%arg13 : memref<!tpu.dma_semaphore, #tpu.memory_space<semaphore_mem>>) src(%dma_wait3A_994 : memref<40x128xf32, #tpu.memory_space<vmem>>) dst(%dma_wait3A_990 : memref<40x128xf32, #tpu.memory_space<hbm>>)
        %jit3A_995 = arith.constant 5 : i32
        %div3A_996 = arith.divsi %add3A_525, %jit3A_995 : i32
        %sign3A_997 = arith.constant 0 : i32
        %sign3A_998 = arith.cmpi sgt, %add3A_525, %sign3A_997 : i32
        %sign3A_999 = arith.extui %sign3A_998 : i1 to i32
        %sign3A_1000 = arith.constant 0 : i32
        %sign3A_1001 = arith.cmpi slt, %add3A_525, %sign3A_1000 : i32
        %sign3A_1002 = arith.extui %sign3A_1001 : i1 to i32
        %sign3A_1003 = arith.subi %sign3A_999, %sign3A_1002 : i32
        %sign3A_1004 = arith.constant 0 : i32
        %sign3A_1005 = arith.cmpi sgt, %jit3A_995, %sign3A_1004 : i32
        %sign3A_1006 = arith.extui %sign3A_1005 : i1 to i32
        %sign3A_1007 = arith.constant 0 : i32
        %sign3A_1008 = arith.cmpi slt, %jit3A_995, %sign3A_1007 : i32
        %sign3A_1009 = arith.extui %sign3A_1008 : i1 to i32
        %sign3A_1010 = arith.subi %sign3A_1006, %sign3A_1009 : i32
        %ne3A_1011 = arith.cmpi ne, %sign3A_1003, %sign3A_1010 : i32
        %rem3A_1012 = arith.remsi %add3A_525, %jit3A_995 : i32
        %ne3A_1013 = arith.constant 0 : i32
        %ne3A_1014 = arith.cmpi ne, %rem3A_1012, %ne3A_1013 : i32
        %and3A_1015 = arith.andi %ne3A_1011, %ne3A_1014 : i1
        %sub3A_1016 = arith.constant 1 : i32
        %sub3A_1017 = arith.subi %div3A_996, %sub3A_1016 : i32
        %select_n3A_1018 = arith.select %and3A_1015, %sub3A_1017, %div3A_996 : i32
        %jit3A_1019 = arith.constant 5 : i32
        %eq3A_1020 = arith.constant 0 : i32
        %eq3A_1021 = arith.cmpi eq, %jit3A_1019, %eq3A_1020 : i32
        %jit3A_1022 = arith.constant 1 : i32
        %select_n3A_1023 = arith.select %eq3A_1021, %jit3A_1022, %jit3A_1019 : i32
        %rem3A_1024 = arith.remsi %add3A_525, %select_n3A_1023 : i32
        %ne3A_1025 = arith.constant 0 : i32
        %ne3A_1026 = arith.cmpi ne, %rem3A_1024, %ne3A_1025 : i32
        %lt3A_1027 = arith.constant 0 : i32
        %lt3A_1028 = arith.cmpi slt, %rem3A_1024, %lt3A_1027 : i32
        %lt3A_1029 = arith.constant 0 : i32
        %lt3A_1030 = arith.cmpi slt, %select_n3A_1023, %lt3A_1029 : i32
        %ne3A_1031 = arith.xori %lt3A_1028, %lt3A_1030 : i1
        %and3A_1032 = arith.andi %ne3A_1031, %ne3A_1026 : i1
        %add3A_1033 = arith.addi %rem3A_1024, %select_n3A_1023 : i32
        %select_n3A_1034 = arith.select %and3A_1032, %add3A_1033, %rem3A_1024 : i32
        %mul3A_1035 = arith.constant 40 : i32
        %mul3A_1036 = arith.muli %select_n3A_1034, %mul3A_1035 : i32
        %add3A_1037 = arith.constant 400 : i32
        %add3A_1038 = arith.addi %add3A_1037, %mul3A_1036 : i32
        %mul3A_1039 = arith.constant 128 : i32
        %mul3A_1040 = arith.muli %select_n3A_1018, %mul3A_1039 : i32
        %add3A_1041 = arith.addi %mul3A_2, %mul3A_1040 : i32
        %dma_wait3A_1042 = arith.constant 2 : i32
        %dma_wait3A_1043 = arith.constant 0 : i32
        %dma_wait3A_1044 = arith.constant 0 : i32
        %dma_wait3A_1045 = tpu.memref_slice %arg9[%dma_wait3A_1042, %dma_wait3A_1043, %dma_wait3A_1044] : memref<5x40x128xf32, #tpu.memory_space<vmem>> -> memref<1x40x128xf32, #tpu.memory_space<vmem>>
        %dma_wait3A_1046 = tpu.memref_squeeze %dma_wait3A_1045 : memref<1x40x128xf32, #tpu.memory_space<vmem>> -> memref<40x128xf32, #tpu.memory_space<vmem>>
        %dma_wait3A_1047 = tpu.memref_slice %arg4[%add3A_1038, %add3A_1041] : memref<1000x16384xf32, #tpu.memory_space<hbm>> -> memref<40x128xf32, #tpu.memory_space<hbm>>
        %dma_wait3A_1048 = tpu.memref_slice %arg4[%add3A_1038, %add3A_1041] : memref<1000x16384xf32, #tpu.memory_space<hbm>> -> memref<40x128xf32, #tpu.memory_space<hbm>>
        %dma_wait3A_1049 = arith.constant 0 : i32
        %dma_wait3A_1050 = arith.constant 0 : i32
        %dma_wait3A_1051 = tpu.memref_slice %arg9[%dma_wait3A_1042, %dma_wait3A_1049, %dma_wait3A_1050] : memref<5x40x128xf32, #tpu.memory_space<vmem>> -> memref<1x40x128xf32, #tpu.memory_space<vmem>>
        %dma_wait3A_1052 = tpu.memref_squeeze %dma_wait3A_1051 : memref<1x40x128xf32, #tpu.memory_space<vmem>> -> memref<40x128xf32, #tpu.memory_space<vmem>>
        tpu.wait_dma2 semaphore(%arg13 : memref<!tpu.dma_semaphore, #tpu.memory_space<semaphore_mem>>) src(%dma_wait3A_1052 : memref<40x128xf32, #tpu.memory_space<vmem>>) dst(%dma_wait3A_1048 : memref<40x128xf32, #tpu.memory_space<hbm>>)
        %jit3A_1053 = arith.constant 5 : i32
        %div3A_1054 = arith.divsi %add3A_525, %jit3A_1053 : i32
        %sign3A_1055 = arith.constant 0 : i32
        %sign3A_1056 = arith.cmpi sgt, %add3A_525, %sign3A_1055 : i32
        %sign3A_1057 = arith.extui %sign3A_1056 : i1 to i32
        %sign3A_1058 = arith.constant 0 : i32
        %sign3A_1059 = arith.cmpi slt, %add3A_525, %sign3A_1058 : i32
        %sign3A_1060 = arith.extui %sign3A_1059 : i1 to i32
        %sign3A_1061 = arith.subi %sign3A_1057, %sign3A_1060 : i32
        %sign3A_1062 = arith.constant 0 : i32
        %sign3A_1063 = arith.cmpi sgt, %jit3A_1053, %sign3A_1062 : i32
        %sign3A_1064 = arith.extui %sign3A_1063 : i1 to i32
        %sign3A_1065 = arith.constant 0 : i32
        %sign3A_1066 = arith.cmpi slt, %jit3A_1053, %sign3A_1065 : i32
        %sign3A_1067 = arith.extui %sign3A_1066 : i1 to i32
        %sign3A_1068 = arith.subi %sign3A_1064, %sign3A_1067 : i32
        %ne3A_1069 = arith.cmpi ne, %sign3A_1061, %sign3A_1068 : i32
        %rem3A_1070 = arith.remsi %add3A_525, %jit3A_1053 : i32
        %ne3A_1071 = arith.constant 0 : i32
        %ne3A_1072 = arith.cmpi ne, %rem3A_1070, %ne3A_1071 : i32
        %and3A_1073 = arith.andi %ne3A_1069, %ne3A_1072 : i1
        %sub3A_1074 = arith.constant 1 : i32
        %sub3A_1075 = arith.subi %div3A_1054, %sub3A_1074 : i32
        %select_n3A_1076 = arith.select %and3A_1073, %sub3A_1075, %div3A_1054 : i32
        %jit3A_1077 = arith.constant 5 : i32
        %eq3A_1078 = arith.constant 0 : i32
        %eq3A_1079 = arith.cmpi eq, %jit3A_1077, %eq3A_1078 : i32
        %jit3A_1080 = arith.constant 1 : i32
        %select_n3A_1081 = arith.select %eq3A_1079, %jit3A_1080, %jit3A_1077 : i32
        %rem3A_1082 = arith.remsi %add3A_525, %select_n3A_1081 : i32
        %ne3A_1083 = arith.constant 0 : i32
        %ne3A_1084 = arith.cmpi ne, %rem3A_1082, %ne3A_1083 : i32
        %lt3A_1085 = arith.constant 0 : i32
        %lt3A_1086 = arith.cmpi slt, %rem3A_1082, %lt3A_1085 : i32
        %lt3A_1087 = arith.constant 0 : i32
        %lt3A_1088 = arith.cmpi slt, %select_n3A_1081, %lt3A_1087 : i32
        %ne3A_1089 = arith.xori %lt3A_1086, %lt3A_1088 : i1
        %and3A_1090 = arith.andi %ne3A_1089, %ne3A_1084 : i1
        %add3A_1091 = arith.addi %rem3A_1082, %select_n3A_1081 : i32
        %select_n3A_1092 = arith.select %and3A_1090, %add3A_1091, %rem3A_1082 : i32
        %mul3A_1093 = arith.constant 40 : i32
        %mul3A_1094 = arith.muli %select_n3A_1092, %mul3A_1093 : i32
        %add3A_1095 = arith.constant 600 : i32
        %add3A_1096 = arith.addi %add3A_1095, %mul3A_1094 : i32
        %mul3A_1097 = arith.constant 128 : i32
        %mul3A_1098 = arith.muli %select_n3A_1076, %mul3A_1097 : i32
        %add3A_1099 = arith.addi %mul3A_2, %mul3A_1098 : i32
        %dma_wait3A_1100 = arith.constant 3 : i32
        %dma_wait3A_1101 = arith.constant 0 : i32
        %dma_wait3A_1102 = arith.constant 0 : i32
        %dma_wait3A_1103 = tpu.memref_slice %arg9[%dma_wait3A_1100, %dma_wait3A_1101, %dma_wait3A_1102] : memref<5x40x128xf32, #tpu.memory_space<vmem>> -> memref<1x40x128xf32, #tpu.memory_space<vmem>>
        %dma_wait3A_1104 = tpu.memref_squeeze %dma_wait3A_1103 : memref<1x40x128xf32, #tpu.memory_space<vmem>> -> memref<40x128xf32, #tpu.memory_space<vmem>>
        %dma_wait3A_1105 = tpu.memref_slice %arg4[%add3A_1096, %add3A_1099] : memref<1000x16384xf32, #tpu.memory_space<hbm>> -> memref<40x128xf32, #tpu.memory_space<hbm>>
        %dma_wait3A_1106 = tpu.memref_slice %arg4[%add3A_1096, %add3A_1099] : memref<1000x16384xf32, #tpu.memory_space<hbm>> -> memref<40x128xf32, #tpu.memory_space<hbm>>
        %dma_wait3A_1107 = arith.constant 0 : i32
        %dma_wait3A_1108 = arith.constant 0 : i32
        %dma_wait3A_1109 = tpu.memref_slice %arg9[%dma_wait3A_1100, %dma_wait3A_1107, %dma_wait3A_1108] : memref<5x40x128xf32, #tpu.memory_space<vmem>> -> memref<1x40x128xf32, #tpu.memory_space<vmem>>
        %dma_wait3A_1110 = tpu.memref_squeeze %dma_wait3A_1109 : memref<1x40x128xf32, #tpu.memory_space<vmem>> -> memref<40x128xf32, #tpu.memory_space<vmem>>
        tpu.wait_dma2 semaphore(%arg13 : memref<!tpu.dma_semaphore, #tpu.memory_space<semaphore_mem>>) src(%dma_wait3A_1110 : memref<40x128xf32, #tpu.memory_space<vmem>>) dst(%dma_wait3A_1106 : memref<40x128xf32, #tpu.memory_space<hbm>>)
        %jit3A_1111 = arith.constant 5 : i32
        %div3A_1112 = arith.divsi %add3A_525, %jit3A_1111 : i32
        %sign3A_1113 = arith.constant 0 : i32
        %sign3A_1114 = arith.cmpi sgt, %add3A_525, %sign3A_1113 : i32
        %sign3A_1115 = arith.extui %sign3A_1114 : i1 to i32
        %sign3A_1116 = arith.constant 0 : i32
        %sign3A_1117 = arith.cmpi slt, %add3A_525, %sign3A_1116 : i32
        %sign3A_1118 = arith.extui %sign3A_1117 : i1 to i32
        %sign3A_1119 = arith.subi %sign3A_1115, %sign3A_1118 : i32
        %sign3A_1120 = arith.constant 0 : i32
        %sign3A_1121 = arith.cmpi sgt, %jit3A_1111, %sign3A_1120 : i32
        %sign3A_1122 = arith.extui %sign3A_1121 : i1 to i32
        %sign3A_1123 = arith.constant 0 : i32
        %sign3A_1124 = arith.cmpi slt, %jit3A_1111, %sign3A_1123 : i32
        %sign3A_1125 = arith.extui %sign3A_1124 : i1 to i32
        %sign3A_1126 = arith.subi %sign3A_1122, %sign3A_1125 : i32
        %ne3A_1127 = arith.cmpi ne, %sign3A_1119, %sign3A_1126 : i32
        %rem3A_1128 = arith.remsi %add3A_525, %jit3A_1111 : i32
        %ne3A_1129 = arith.constant 0 : i32
        %ne3A_1130 = arith.cmpi ne, %rem3A_1128, %ne3A_1129 : i32
        %and3A_1131 = arith.andi %ne3A_1127, %ne3A_1130 : i1
        %sub3A_1132 = arith.constant 1 : i32
        %sub3A_1133 = arith.subi %div3A_1112, %sub3A_1132 : i32
        %select_n3A_1134 = arith.select %and3A_1131, %sub3A_1133, %div3A_1112 : i32
        %jit3A_1135 = arith.constant 5 : i32
        %eq3A_1136 = arith.constant 0 : i32
        %eq3A_1137 = arith.cmpi eq, %jit3A_1135, %eq3A_1136 : i32
        %jit3A_1138 = arith.constant 1 : i32
        %select_n3A_1139 = arith.select %eq3A_1137, %jit3A_1138, %jit3A_1135 : i32
        %rem3A_1140 = arith.remsi %add3A_525, %select_n3A_1139 : i32
        %ne3A_1141 = arith.constant 0 : i32
        %ne3A_1142 = arith.cmpi ne, %rem3A_1140, %ne3A_1141 : i32
        %lt3A_1143 = arith.constant 0 : i32
        %lt3A_1144 = arith.cmpi slt, %rem3A_1140, %lt3A_1143 : i32
        %lt3A_1145 = arith.constant 0 : i32
        %lt3A_1146 = arith.cmpi slt, %select_n3A_1139, %lt3A_1145 : i32
        %ne3A_1147 = arith.xori %lt3A_1144, %lt3A_1146 : i1
        %and3A_1148 = arith.andi %ne3A_1147, %ne3A_1142 : i1
        %add3A_1149 = arith.addi %rem3A_1140, %select_n3A_1139 : i32
        %select_n3A_1150 = arith.select %and3A_1148, %add3A_1149, %rem3A_1140 : i32
        %mul3A_1151 = arith.constant 40 : i32
        %mul3A_1152 = arith.muli %select_n3A_1150, %mul3A_1151 : i32
        %add3A_1153 = arith.constant 800 : i32
        %add3A_1154 = arith.addi %add3A_1153, %mul3A_1152 : i32
        %mul3A_1155 = arith.constant 128 : i32
        %mul3A_1156 = arith.muli %select_n3A_1134, %mul3A_1155 : i32
        %add3A_1157 = arith.addi %mul3A_2, %mul3A_1156 : i32
        %dma_wait3A_1158 = arith.constant 4 : i32
        %dma_wait3A_1159 = arith.constant 0 : i32
        %dma_wait3A_1160 = arith.constant 0 : i32
        %dma_wait3A_1161 = tpu.memref_slice %arg9[%dma_wait3A_1158, %dma_wait3A_1159, %dma_wait3A_1160] : memref<5x40x128xf32, #tpu.memory_space<vmem>> -> memref<1x40x128xf32, #tpu.memory_space<vmem>>
        %dma_wait3A_1162 = tpu.memref_squeeze %dma_wait3A_1161 : memref<1x40x128xf32, #tpu.memory_space<vmem>> -> memref<40x128xf32, #tpu.memory_space<vmem>>
        %dma_wait3A_1163 = tpu.memref_slice %arg4[%add3A_1154, %add3A_1157] : memref<1000x16384xf32, #tpu.memory_space<hbm>> -> memref<40x128xf32, #tpu.memory_space<hbm>>
        %dma_wait3A_1164 = tpu.memref_slice %arg4[%add3A_1154, %add3A_1157] : memref<1000x16384xf32, #tpu.memory_space<hbm>> -> memref<40x128xf32, #tpu.memory_space<hbm>>
        %dma_wait3A_1165 = arith.constant 0 : i32
        %dma_wait3A_1166 = arith.constant 0 : i32
        %dma_wait3A_1167 = tpu.memref_slice %arg9[%dma_wait3A_1158, %dma_wait3A_1165, %dma_wait3A_1166] : memref<5x40x128xf32, #tpu.memory_space<vmem>> -> memref<1x40x128xf32, #tpu.memory_space<vmem>>
        %dma_wait3A_1168 = tpu.memref_squeeze %dma_wait3A_1167 : memref<1x40x128xf32, #tpu.memory_space<vmem>> -> memref<40x128xf32, #tpu.memory_space<vmem>>
        tpu.wait_dma2 semaphore(%arg13 : memref<!tpu.dma_semaphore, #tpu.memory_space<semaphore_mem>>) src(%dma_wait3A_1168 : memref<40x128xf32, #tpu.memory_space<vmem>>) dst(%dma_wait3A_1164 : memref<40x128xf32, #tpu.memory_space<hbm>>)
      } else {
      }
      %parallel_loop3A_578 = arith.constant 0 : i32
      %parallel_loop3A_579 = arith.constant 40 : i32
      %parallel_loop3A_580 = arith.constant 1 : i32
      scf.for %parallel_loop3A_879 = %parallel_loop3A_578 to %parallel_loop3A_579 step %parallel_loop3A_580  : i32 {
        %parallel_loop3A_880 = arith.index_cast %parallel_loop3A_879 : i32 to index
        %parallel_loop3A_881 = arith.constant 0 : index
        %parallel_loop3A_882 = tpu.vector_load %arg6[%parallel_loop3A_880, %parallel_loop3A_881] {strides = array<i32>} : memref<40x128xi32, #tpu.memory_space<vmem>>, vector<16xi32>,
        %parallel_loop3A_883 = tpu.vector_load_idx %arg7[%broadcast_in_dim3A_3, %parallel_loop3A_882] : memref<5x14xf32, #tpu.memory_space<vmem>>[vector<16xi32>, vector<16xi32>], vector<16xf32>,
        %parallel_loop3A_884 = arith.constant 0 : i32
        %parallel_loop3A_885 = arith.index_cast %parallel_loop3A_884 : i32 to index
        %parallel_loop3A_886 = arith.index_cast %parallel_loop3A_879 : i32 to index
        %parallel_loop3A_887 = arith.constant 0 : index
        %parallel_loop3A_888 = tpu.vector_load %arg9[%parallel_loop3A_885, %parallel_loop3A_886, %parallel_loop3A_887] {strides = array<i32>} : memref<5x40x128xf32, #tpu.memory_space<vmem>>, vector<16xf32>,
        tpu.vector_store %arg9[%parallel_loop3A_885, %parallel_loop3A_886, %parallel_loop3A_887], %parallel_loop3A_883 {strides = array<i32>} : memref<5x40x128xf32, #tpu.memory_space<vmem>>, vector<16xf32>,
        %parallel_loop3A_889 = tpu.vector_load_idx %arg7[%broadcast_in_dim3A_5, %parallel_loop3A_882] : memref<5x14xf32, #tpu.memory_space<vmem>>[vector<16xi32>, vector<16xi32>], vector<16xf32>,
        %parallel_loop3A_890 = arith.constant 1 : i32
        %parallel_loop3A_891 = arith.index_cast %parallel_loop3A_890 : i32 to index
        %parallel_loop3A_892 = arith.index_cast %parallel_loop3A_879 : i32 to index
        %parallel_loop3A_893 = arith.constant 0 : index
        %parallel_loop3A_894 = tpu.vector_load %arg9[%parallel_loop3A_891, %parallel_loop3A_892, %parallel_loop3A_893] {strides = array<i32>} : memref<5x40x128xf32, #tpu.memory_space<vmem>>, vector<16xf32>,
        tpu.vector_store %arg9[%parallel_loop3A_891, %parallel_loop3A_892, %parallel_loop3A_893], %parallel_loop3A_889 {strides = array<i32>} : memref<5x40x128xf32, #tpu.memory_space<vmem>>, vector<16xf32>,
        %parallel_loop3A_895 = tpu.vector_load_idx %arg7[%broadcast_in_dim3A_7, %parallel_loop3A_882] : memref<5x14xf32, #tpu.memory_space<vmem>>[vector<16xi32>, vector<16xi32>], vector<16xf32>,
        %parallel_loop3A_896 = arith.constant 2 : i32
        %parallel_loop3A_897 = arith.index_cast %parallel_loop3A_896 : i32 to index
        %parallel_loop3A_898 = arith.index_cast %parallel_loop3A_879 : i32 to index
        %parallel_loop3A_899 = arith.constant 0 : index
        %parallel_loop3A_900 = tpu.vector_load %arg9[%parallel_loop3A_897, %parallel_loop3A_898, %parallel_loop3A_899] {strides = array<i32>} : memref<5x40x128xf32, #tpu.memory_space<vmem>>, vector<16xf32>,
        tpu.vector_store %arg9[%parallel_loop3A_897, %parallel_loop3A_898, %parallel_loop3A_899], %parallel_loop3A_895 {strides = array<i32>} : memref<5x40x128xf32, #tpu.memory_space<vmem>>, vector<16xf32>,
        %parallel_loop3A_901 = tpu.vector_load_idx %arg7[%broadcast_in_dim3A_9, %parallel_loop3A_882] : memref<5x14xf32, #tpu.memory_space<vmem>>[vector<16xi32>, vector<16xi32>], vector<16xf32>,
        %parallel_loop3A_902 = arith.constant 3 : i32
        %parallel_loop3A_903 = arith.index_cast %parallel_loop3A_902 : i32 to index
        %parallel_loop3A_904 = arith.index_cast %parallel_loop3A_879 : i32 to index
        %parallel_loop3A_905 = arith.constant 0 : index
        %parallel_loop3A_906 = tpu.vector_load %arg9[%parallel_loop3A_903, %parallel_loop3A_904, %parallel_loop3A_905] {strides = array<i32>} : memref<5x40x128xf32, #tpu.memory_space<vmem>>, vector<16xf32>,
        tpu.vector_store %arg9[%parallel_loop3A_903, %parallel_loop3A_904, %parallel_loop3A_905], %parallel_loop3A_901 {strides = array<i32>} : memref<5x40x128xf32, #tpu.memory_space<vmem>>, vector<16xf32>,
        %parallel_loop3A_907 = tpu.vector_load_idx %arg7[%broadcast_in_dim3A_11, %parallel_loop3A_882] : memref<5x14xf32, #tpu.memory_space<vmem>>[vector<16xi32>, vector<16xi32>], vector<16xf32>,
        %parallel_loop3A_908 = arith.constant 4 : i32
        %parallel_loop3A_909 = arith.index_cast %parallel_loop3A_908 : i32 to index
        %parallel_loop3A_910 = arith.index_cast %parallel_loop3A_879 : i32 to index
        %parallel_loop3A_911 = arith.constant 0 : index
        %parallel_loop3A_912 = tpu.vector_load %arg9[%parallel_loop3A_909, %parallel_loop3A_910, %parallel_loop3A_911] {strides = array<i32>} : memref<5x40x128xf32, #tpu.memory_space<vmem>>, vector<16xf32>,
        tpu.vector_store %arg9[%parallel_loop3A_909, %parallel_loop3A_910, %parallel_loop3A_911], %parallel_loop3A_907 {strides = array<i32>} : memref<5x40x128xf32, #tpu.memory_space<vmem>>, vector<16xf32>,
        %parallel_loop3A_913 = arith.index_cast %parallel_loop3A_879 : i32 to index
        %parallel_loop3A_914 = arith.constant 16 : index
        %parallel_loop3A_915 = tpu.vector_load %arg6[%parallel_loop3A_913, %parallel_loop3A_914] {strides = array<i32>} : memref<40x128xi32, #tpu.memory_space<vmem>>, vector<16xi32>,
        %parallel_loop3A_916 = tpu.vector_load_idx %arg7[%broadcast_in_dim3A_3, %parallel_loop3A_915] : memref<5x14xf32, #tpu.memory_space<vmem>>[vector<16xi32>, vector<16xi32>], vector<16xf32>,
        %parallel_loop3A_917 = arith.constant 0 : i32
        %parallel_loop3A_918 = arith.index_cast %parallel_loop3A_917 : i32 to index
        %parallel_loop3A_919 = arith.index_cast %parallel_loop3A_879 : i32 to index
        %parallel_loop3A_920 = arith.constant 16 : index
        %parallel_loop3A_921 = tpu.vector_load %arg9[%parallel_loop3A_918, %parallel_loop3A_919, %parallel_loop3A_920] {strides = array<i32>} : memref<5x40x128xf32, #tpu.memory_space<vmem>>, vector<16xf32>,
        tpu.vector_store %arg9[%parallel_loop3A_918, %parallel_loop3A_919, %parallel_loop3A_920], %parallel_loop3A_916 {strides = array<i32>} : memref<5x40x128xf32, #tpu.memory_space<vmem>>, vector<16xf32>,
        %parallel_loop3A_922 = tpu.vector_load_idx %arg7[%broadcast_in_dim3A_5, %parallel_loop3A_915] : memref<5x14xf32, #tpu.memory_space<vmem>>[vector<16xi32>, vector<16xi32>], vector<16xf32>,
        %parallel_loop3A_923 = arith.constant 1 : i32
        %parallel_loop3A_924 = arith.index_cast %parallel_loop3A_923 : i32 to index
        %parallel_loop3A_925 = arith.index_cast %parallel_loop3A_879 : i32 to index
        %parallel_loop3A_926 = arith.constant 16 : index
        %parallel_loop3A_927 = tpu.vector_load %arg9[%parallel_loop3A_924, %parallel_loop3A_925, %parallel_loop3A_926] {strides = array<i32>} : memref<5x40x128xf32, #tpu.memory_space<vmem>>, vector<16xf32>,
        tpu.vector_store %arg9[%parallel_loop3A_924, %parallel_loop3A_925, %parallel_loop3A_926], %parallel_loop3A_922 {strides = array<i32>} : memref<5x40x128xf32, #tpu.memory_space<vmem>>, vector<16xf32>,
        %parallel_loop3A_928 = tpu.vector_load_idx %arg7[%broadcast_in_dim3A_7, %parallel_loop3A_915] : memref<5x14xf32, #tpu.memory_space<vmem>>[vector<16xi32>, vector<16xi32>], vector<16xf32>,
        %parallel_loop3A_929 = arith.constant 2 : i32
        %parallel_loop3A_930 = arith.index_cast %parallel_loop3A_929 : i32 to index
        %parallel_loop3A_931 = arith.index_cast %parallel_loop3A_879 : i32 to index
        %parallel_loop3A_932 = arith.constant 16 : index
        %parallel_loop3A_933 = tpu.vector_load %arg9[%parallel_loop3A_930, %parallel_loop3A_931, %parallel_loop3A_932] {strides = array<i32>} : memref<5x40x128xf32, #tpu.memory_space<vmem>>, vector<16xf32>,
        tpu.vector_store %arg9[%parallel_loop3A_930, %parallel_loop3A_931, %parallel_loop3A_932], %parallel_loop3A_928 {strides = array<i32>} : memref<5x40x128xf32, #tpu.memory_space<vmem>>, vector<16xf32>,
        %parallel_loop3A_934 = tpu.vector_load_idx %arg7[%broadcast_in_dim3A_9, %parallel_loop3A_915] : memref<5x14xf32, #tpu.memory_space<vmem>>[vector<16xi32>, vector<16xi32>], vector<16xf32>,
        %parallel_loop3A_935 = arith.constant 3 : i32
        %parallel_loop3A_936 = arith.index_cast %parallel_loop3A_935 : i32 to index
        %parallel_loop3A_937 = arith.index_cast %parallel_loop3A_879 : i32 to index
        %parallel_loop3A_938 = arith.constant 16 : index
        %parallel_loop3A_939 = tpu.vector_load %arg9[%parallel_loop3A_936, %parallel_loop3A_937, %parallel_loop3A_938] {strides = array<i32>} : memref<5x40x128xf32, #tpu.memory_space<vmem>>, vector<16xf32>,
        tpu.vector_store %arg9[%parallel_loop3A_936, %parallel_loop3A_937, %parallel_loop3A_938], %parallel_loop3A_934 {strides = array<i32>} : memref<5x40x128xf32, #tpu.memory_space<vmem>>, vector<16xf32>,
        %parallel_loop3A_940 = tpu.vector_load_idx %arg7[%broadcast_in_dim3A_11, %parallel_loop3A_915] : memref<5x14xf32, #tpu.memory_space<vmem>>[vector<16xi32>, vector<16xi32>], vector<16xf32>,
        %parallel_loop3A_941 = arith.constant 4 : i32
        %parallel_loop3A_942 = arith.index_cast %parallel_loop3A_941 : i32 to index
        %parallel_loop3A_943 = arith.index_cast %parallel_loop3A_879 : i32 to index
        %parallel_loop3A_944 = arith.constant 16 : index
        %parallel_loop3A_945 = tpu.vector_load %arg9[%parallel_loop3A_942, %parallel_loop3A_943, %parallel_loop3A_944] {strides = array<i32>} : memref<5x40x128xf32, #tpu.memory_space<vmem>>, vector<16xf32>,
        tpu.vector_store %arg9[%parallel_loop3A_942, %parallel_loop3A_943, %parallel_loop3A_944], %parallel_loop3A_940 {strides = array<i32>} : memref<5x40x128xf32, #tpu.memory_space<vmem>>, vector<16xf32>,
        %parallel_loop3A_946 = arith.index_cast %parallel_loop3A_879 : i32 to index
        %parallel_loop3A_947 = arith.constant 32 : index
        %parallel_loop3A_948 = tpu.vector_load %arg6[%parallel_loop3A_946, %parallel_loop3A_947] {strides = array<i32>} : memref<40x128xi32, #tpu.memory_space<vmem>>, vector<16xi32>,
        %parallel_loop3A_949 = tpu.vector_load_idx %arg7[%broadcast_in_dim3A_3, %parallel_loop3A_948] : memref<5x14xf32, #tpu.memory_space<vmem>>[vector<16xi32>, vector<16xi32>], vector<16xf32>,
        %parallel_loop3A_950 = arith.constant 0 : i32
        %parallel_loop3A_951 = arith.index_cast %parallel_loop3A_950 : i32 to index
        %parallel_loop3A_952 = arith.index_cast %parallel_loop3A_879 : i32 to index
        %parallel_loop3A_953 = arith.constant 32 : index
        %parallel_loop3A_954 = tpu.vector_load %arg9[%parallel_loop3A_951, %parallel_loop3A_952, %parallel_loop3A_953] {strides = array<i32>} : memref<5x40x128xf32, #tpu.memory_space<vmem>>, vector<16xf32>,
        tpu.vector_store %arg9[%parallel_loop3A_951, %parallel_loop3A_952, %parallel_loop3A_953], %parallel_loop3A_949 {strides = array<i32>} : memref<5x40x128xf32, #tpu.memory_space<vmem>>, vector<16xf32>,
        %parallel_loop3A_955 = tpu.vector_load_idx %arg7[%broadcast_in_dim3A_5, %parallel_loop3A_948] : memref<5x14xf32, #tpu.memory_space<vmem>>[vector<16xi32>, vector<16xi32>], vector<16xf32>,
        %parallel_loop3A_956 = arith.constant 1 : i32
        %parallel_loop3A_957 = arith.index_cast %parallel_loop3A_956 : i32 to index
        %parallel_loop3A_958 = arith.index_cast %parallel_loop3A_879 : i32 to index
        %parallel_loop3A_959 = arith.constant 32 : index
        %parallel_loop3A_960 = tpu.vector_load %arg9[%parallel_loop3A_957, %parallel_loop3A_958, %parallel_loop3A_959] {strides = array<i32>} : memref<5x40x128xf32, #tpu.memory_space<vmem>>, vector<16xf32>,
        tpu.vector_store %arg9[%parallel_loop3A_957, %parallel_loop3A_958, %parallel_loop3A_959], %parallel_loop3A_955 {strides = array<i32>} : memref<5x40x128xf32, #tpu.memory_space<vmem>>, vector<16xf32>,
        %parallel_loop3A_961 = tpu.vector_load_idx %arg7[%broadcast_in_dim3A_7, %parallel_loop3A_948] : memref<5x14xf32, #tpu.memory_space<vmem>>[vector<16xi32>, vector<16xi32>], vector<16xf32>,
        %parallel_loop3A_962 = arith.constant 2 : i32
        %parallel_loop3A_963 = arith.index_cast %parallel_loop3A_962 : i32 to index
        %parallel_loop3A_964 = arith.index_cast %parallel_loop3A_879 : i32 to index
        %parallel_loop3A_965 = arith.constant 32 : index
        %parallel_loop3A_966 = tpu.vector_load %arg9[%parallel_loop3A_963, %parallel_loop3A_964, %parallel_loop3A_965] {strides = array<i32>} : memref<5x40x128xf32, #tpu.memory_space<vmem>>, vector<16xf32>,
        tpu.vector_store %arg9[%parallel_loop3A_963, %parallel_loop3A_964, %parallel_loop3A_965], %parallel_loop3A_961 {strides = array<i32>} : memref<5x40x128xf32, #tpu.memory_space<vmem>>, vector<16xf32>,
        %parallel_loop3A_967 = tpu.vector_load_idx %arg7[%broadcast_in_dim3A_9, %parallel_loop3A_948] : memref<5x14xf32, #tpu.memory_space<vmem>>[vector<16xi32>, vector<16xi32>], vector<16xf32>,
        %parallel_loop3A_968 = arith.constant 3 : i32
        %parallel_loop3A_969 = arith.index_cast %parallel_loop3A_968 : i32 to index
        %parallel_loop3A_970 = arith.index_cast %parallel_loop3A_879 : i32 to index
        %parallel_loop3A_971 = arith.constant 32 : index
        %parallel_loop3A_972 = tpu.vector_load %arg9[%parallel_loop3A_969, %parallel_loop3A_970, %parallel_loop3A_971] {strides = array<i32>} : memref<5x40x128xf32, #tpu.memory_space<vmem>>, vector<16xf32>,
        tpu.vector_store %arg9[%parallel_loop3A_969, %parallel_loop3A_970, %parallel_loop3A_971], %parallel_loop3A_967 {strides = array<i32>} : memref<5x40x128xf32, #tpu.memory_space<vmem>>, vector<16xf32>,
        %parallel_loop3A_973 = tpu.vector_load_idx %arg7[%broadcast_in_dim3A_11, %parallel_loop3A_948] : memref<5x14xf32, #tpu.memory_space<vmem>>[vector<16xi32>, vector<16xi32>], vector<16xf32>,
        %parallel_loop3A_974 = arith.constant 4 : i32
        %parallel_loop3A_975 = arith.index_cast %parallel_loop3A_974 : i32 to index
        %parallel_loop3A_976 = arith.index_cast %parallel_loop3A_879 : i32 to index
        %parallel_loop3A_977 = arith.constant 32 : index
        %parallel_loop3A_978 = tpu.vector_load %arg9[%parallel_loop3A_975, %parallel_loop3A_976, %parallel_loop3A_977] {strides = array<i32>} : memref<5x40x128xf32, #tpu.memory_space<vmem>>, vector<16xf32>,
        tpu.vector_store %arg9[%parallel_loop3A_975, %parallel_loop3A_976, %parallel_loop3A_977], %parallel_loop3A_973 {strides = array<i32>} : memref<5x40x128xf32, #tpu.memory_space<vmem>>, vector<16xf32>,
        %parallel_loop3A_979 = arith.index_cast %parallel_loop3A_879 : i32 to index
        %parallel_loop3A_980 = arith.constant 48 : index
        %parallel_loop3A_981 = tpu.vector_load %arg6[%parallel_loop3A_979, %parallel_loop3A_980] {strides = array<i32>} : memref<40x128xi32, #tpu.memory_space<vmem>>, vector<16xi32>,
        %parallel_loop3A_982 = tpu.vector_load_idx %arg7[%broadcast_in_dim3A_3, %parallel_loop3A_981] : memref<5x14xf32, #tpu.memory_space<vmem>>[vector<16xi32>, vector<16xi32>], vector<16xf32>,
        %parallel_loop3A_983 = arith.constant 0 : i32
        %parallel_loop3A_984 = arith.index_cast %parallel_loop3A_983 : i32 to index
        %parallel_loop3A_985 = arith.index_cast %parallel_loop3A_879 : i32 to index
        %parallel_loop3A_986 = arith.constant 48 : index
        %parallel_loop3A_987 = tpu.vector_load %arg9[%parallel_loop3A_984, %parallel_loop3A_985, %parallel_loop3A_986] {strides = array<i32>} : memref<5x40x128xf32, #tpu.memory_space<vmem>>, vector<16xf32>,
        tpu.vector_store %arg9[%parallel_loop3A_984, %parallel_loop3A_985, %parallel_loop3A_986], %parallel_loop3A_982 {strides = array<i32>} : memref<5x40x128xf32, #tpu.memory_space<vmem>>, vector<16xf32>,
        %parallel_loop3A_988 = tpu.vector_load_idx %arg7[%broadcast_in_dim3A_5, %parallel_loop3A_981] : memref<5x14xf32, #tpu.memory_space<vmem>>[vector<16xi32>, vector<16xi32>], vector<16xf32>,
        %parallel_loop3A_989 = arith.constant 1 : i32
        %parallel_loop3A_990 = arith.index_cast %parallel_loop3A_989 : i32 to index
        %parallel_loop3A_991 = arith.index_cast %parallel_loop3A_879 : i32 to index
        %parallel_loop3A_992 = arith.constant 48 : index
        %parallel_loop3A_993 = tpu.vector_load %arg9[%parallel_loop3A_990, %parallel_loop3A_991, %parallel_loop3A_992] {strides = array<i32>} : memref<5x40x128xf32, #tpu.memory_space<vmem>>, vector<16xf32>,
        tpu.vector_store %arg9[%parallel_loop3A_990, %parallel_loop3A_991, %parallel_loop3A_992], %parallel_loop3A_988 {strides = array<i32>} : memref<5x40x128xf32, #tpu.memory_space<vmem>>, vector<16xf32>,
        %parallel_loop3A_994 = tpu.vector_load_idx %arg7[%broadcast_in_dim3A_7, %parallel_loop3A_981] : memref<5x14xf32, #tpu.memory_space<vmem>>[vector<16xi32>, vector<16xi32>], vector<16xf32>,
        %parallel_loop3A_995 = arith.constant 2 : i32
        %parallel_loop3A_996 = arith.index_cast %parallel_loop3A_995 : i32 to index
        %parallel_loop3A_997 = arith.index_cast %parallel_loop3A_879 : i32 to index
        %parallel_loop3A_998 = arith.constant 48 : index
        %parallel_loop3A_999 = tpu.vector_load %arg9[%parallel_loop3A_996, %parallel_loop3A_997, %parallel_loop3A_998] {strides = array<i32>} : memref<5x40x128xf32, #tpu.memory_space<vmem>>, vector<16xf32>,
        tpu.vector_store %arg9[%parallel_loop3A_996, %parallel_loop3A_997, %parallel_loop3A_998], %parallel_loop3A_994 {strides = array<i32>} : memref<5x40x128xf32, #tpu.memory_space<vmem>>, vector<16xf32>,
        %parallel_loop3A_1000 = tpu.vector_load_idx %arg7[%broadcast_in_dim3A_9, %parallel_loop3A_981] : memref<5x14xf32, #tpu.memory_space<vmem>>[vector<16xi32>, vector<16xi32>], vector<16xf32>,
        %parallel_loop3A_1001 = arith.constant 3 : i32
        %parallel_loop3A_1002 = arith.index_cast %parallel_loop3A_1001 : i32 to index
        %parallel_loop3A_1003 = arith.index_cast %parallel_loop3A_879 : i32 to index
        %parallel_loop3A_1004 = arith.constant 48 : index
        %parallel_loop3A_1005 = tpu.vector_load %arg9[%parallel_loop3A_1002, %parallel_loop3A_1003, %parallel_loop3A_1004] {strides = array<i32>} : memref<5x40x128xf32, #tpu.memory_space<vmem>>, vector<16xf32>,
        tpu.vector_store %arg9[%parallel_loop3A_1002, %parallel_loop3A_1003, %parallel_loop3A_1004], %parallel_loop3A_1000 {strides = array<i32>} : memref<5x40x128xf32, #tpu.memory_space<vmem>>, vector<16xf32>,
        %parallel_loop3A_1006 = tpu.vector_load_idx %arg7[%broadcast_in_dim3A_11, %parallel_loop3A_981] : memref<5x14xf32, #tpu.memory_space<vmem>>[vector<16xi32>, vector<16xi32>], vector<16xf32>,
        %parallel_loop3A_1007 = arith.constant 4 : i32
        %parallel_loop3A_1008 = arith.index_cast %parallel_loop3A_1007 : i32 to index
        %parallel_loop3A_1009 = arith.index_cast %parallel_loop3A_879 : i32 to index
        %parallel_loop3A_1010 = arith.constant 48 : index
        %parallel_loop3A_1011 = tpu.vector_load %arg9[%parallel_loop3A_1008, %parallel_loop3A_1009, %parallel_loop3A_1010] {strides = array<i32>} : memref<5x40x128xf32, #tpu.memory_space<vmem>>, vector<16xf32>,
        tpu.vector_store %arg9[%parallel_loop3A_1008, %parallel_loop3A_1009, %parallel_loop3A_1010], %parallel_loop3A_1006 {strides = array<i32>} : memref<5x40x128xf32, #tpu.memory_space<vmem>>, vector<16xf32>,
        %parallel_loop3A_1012 = arith.index_cast %parallel_loop3A_879 : i32 to index
        %parallel_loop3A_1013 = arith.constant 64 : index
        %parallel_loop3A_1014 = tpu.vector_load %arg6[%parallel_loop3A_1012, %parallel_loop3A_1013] {strides = array<i32>} : memref<40x128xi32, #tpu.memory_space<vmem>>, vector<16xi32>,
        %parallel_loop3A_1015 = tpu.vector_load_idx %arg7[%broadcast_in_dim3A_3, %parallel_loop3A_1014] : memref<5x14xf32, #tpu.memory_space<vmem>>[vector<16xi32>, vector<16xi32>], vector<16xf32>,
        %parallel_loop3A_1016 = arith.constant 0 : i32
        %parallel_loop3A_1017 = arith.index_cast %parallel_loop3A_1016 : i32 to index
        %parallel_loop3A_1018 = arith.index_cast %parallel_loop3A_879 : i32 to index
        %parallel_loop3A_1019 = arith.constant 64 : index
        %parallel_loop3A_1020 = tpu.vector_load %arg9[%parallel_loop3A_1017, %parallel_loop3A_1018, %parallel_loop3A_1019] {strides = array<i32>} : memref<5x40x128xf32, #tpu.memory_space<vmem>>, vector<16xf32>,
        tpu.vector_store %arg9[%parallel_loop3A_1017, %parallel_loop3A_1018, %parallel_loop3A_1019], %parallel_loop3A_1015 {strides = array<i32>} : memref<5x40x128xf32, #tpu.memory_space<vmem>>, vector<16xf32>,
        %parallel_loop3A_1021 = tpu.vector_load_idx %arg7[%broadcast_in_dim3A_5, %parallel_loop3A_1014] : memref<5x14xf32, #tpu.memory_space<vmem>>[vector<16xi32>, vector<16xi32>], vector<16xf32>,
        %parallel_loop3A_1022 = arith.constant 1 : i32
        %parallel_loop3A_1023 = arith.index_cast %parallel_loop3A_1022 : i32 to index
        %parallel_loop3A_1024 = arith.index_cast %parallel_loop3A_879 : i32 to index
        %parallel_loop3A_1025 = arith.constant 64 : index
        %parallel_loop3A_1026 = tpu.vector_load %arg9[%parallel_loop3A_1023, %parallel_loop3A_1024, %parallel_loop3A_1025] {strides = array<i32>} : memref<5x40x128xf32, #tpu.memory_space<vmem>>, vector<16xf32>,
        tpu.vector_store %arg9[%parallel_loop3A_1023, %parallel_loop3A_1024, %parallel_loop3A_1025], %parallel_loop3A_1021 {strides = array<i32>} : memref<5x40x128xf32, #tpu.memory_space<vmem>>, vector<16xf32>,
        %parallel_loop3A_1027 = tpu.vector_load_idx %arg7[%broadcast_in_dim3A_7, %parallel_loop3A_1014] : memref<5x14xf32, #tpu.memory_space<vmem>>[vector<16xi32>, vector<16xi32>], vector<16xf32>,
        %parallel_loop3A_1028 = arith.constant 2 : i32
        %parallel_loop3A_1029 = arith.index_cast %parallel_loop3A_1028 : i32 to index
        %parallel_loop3A_1030 = arith.index_cast %parallel_loop3A_879 : i32 to index
        %parallel_loop3A_1031 = arith.constant 64 : index
        %parallel_loop3A_1032 = tpu.vector_load %arg9[%parallel_loop3A_1029, %parallel_loop3A_1030, %parallel_loop3A_1031] {strides = array<i32>} : memref<5x40x128xf32, #tpu.memory_space<vmem>>, vector<16xf32>,
        tpu.vector_store %arg9[%parallel_loop3A_1029, %parallel_loop3A_1030, %parallel_loop3A_1031], %parallel_loop3A_1027 {strides = array<i32>} : memref<5x40x128xf32, #tpu.memory_space<vmem>>, vector<16xf32>,
        %parallel_loop3A_1033 = tpu.vector_load_idx %arg7[%broadcast_in_dim3A_9, %parallel_loop3A_1014] : memref<5x14xf32, #tpu.memory_space<vmem>>[vector<16xi32>, vector<16xi32>], vector<16xf32>,
        %parallel_loop3A_1034 = arith.constant 3 : i32
        %parallel_loop3A_1035 = arith.index_cast %parallel_loop3A_1034 : i32 to index
        %parallel_loop3A_1036 = arith.index_cast %parallel_loop3A_879 : i32 to index
        %parallel_loop3A_1037 = arith.constant 64 : index
        %parallel_loop3A_1038 = tpu.vector_load %arg9[%parallel_loop3A_1035, %parallel_loop3A_1036, %parallel_loop3A_1037] {strides = array<i32>} : memref<5x40x128xf32, #tpu.memory_space<vmem>>, vector<16xf32>,
        tpu.vector_store %arg9[%parallel_loop3A_1035, %parallel_loop3A_1036, %parallel_loop3A_1037], %parallel_loop3A_1033 {strides = array<i32>} : memref<5x40x128xf32, #tpu.memory_space<vmem>>, vector<16xf32>,
        %parallel_loop3A_1039 = tpu.vector_load_idx %arg7[%broadcast_in_dim3A_11, %parallel_loop3A_1014] : memref<5x14xf32, #tpu.memory_space<vmem>>[vector<16xi32>, vector<16xi32>], vector<16xf32>,
        %parallel_loop3A_1040 = arith.constant 4 : i32
        %parallel_loop3A_1041 = arith.index_cast %parallel_loop3A_1040 : i32 to index
        %parallel_loop3A_1042 = arith.index_cast %parallel_loop3A_879 : i32 to index
        %parallel_loop3A_1043 = arith.constant 64 : index
        %parallel_loop3A_1044 = tpu.vector_load %arg9[%parallel_loop3A_1041, %parallel_loop3A_1042, %parallel_loop3A_1043] {strides = array<i32>} : memref<5x40x128xf32, #tpu.memory_space<vmem>>, vector<16xf32>,
        tpu.vector_store %arg9[%parallel_loop3A_1041, %parallel_loop3A_1042, %parallel_loop3A_1043], %parallel_loop3A_1039 {strides = array<i32>} : memref<5x40x128xf32, #tpu.memory_space<vmem>>, vector<16xf32>,
        %parallel_loop3A_1045 = arith.index_cast %parallel_loop3A_879 : i32 to index
        %parallel_loop3A_1046 = arith.constant 80 : index
        %parallel_loop3A_1047 = tpu.vector_load %arg6[%parallel_loop3A_1045, %parallel_loop3A_1046] {strides = array<i32>} : memref<40x128xi32, #tpu.memory_space<vmem>>, vector<16xi32>,
        %parallel_loop3A_1048 = tpu.vector_load_idx %arg7[%broadcast_in_dim3A_3, %parallel_loop3A_1047] : memref<5x14xf32, #tpu.memory_space<vmem>>[vector<16xi32>, vector<16xi32>], vector<16xf32>,
        %parallel_loop3A_1049 = arith.constant 0 : i32
        %parallel_loop3A_1050 = arith.index_cast %parallel_loop3A_1049 : i32 to index
        %parallel_loop3A_1051 = arith.index_cast %parallel_loop3A_879 : i32 to index
        %parallel_loop3A_1052 = arith.constant 80 : index
        %parallel_loop3A_1053 = tpu.vector_load %arg9[%parallel_loop3A_1050, %parallel_loop3A_1051, %parallel_loop3A_1052] {strides = array<i32>} : memref<5x40x128xf32, #tpu.memory_space<vmem>>, vector<16xf32>,
        tpu.vector_store %arg9[%parallel_loop3A_1050, %parallel_loop3A_1051, %parallel_loop3A_1052], %parallel_loop3A_1048 {strides = array<i32>} : memref<5x40x128xf32, #tpu.memory_space<vmem>>, vector<16xf32>,
        %parallel_loop3A_1054 = tpu.vector_load_idx %arg7[%broadcast_in_dim3A_5, %parallel_loop3A_1047] : memref<5x14xf32, #tpu.memory_space<vmem>>[vector<16xi32>, vector<16xi32>], vector<16xf32>,
        %parallel_loop3A_1055 = arith.constant 1 : i32
        %parallel_loop3A_1056 = arith.index_cast %parallel_loop3A_1055 : i32 to index
        %parallel_loop3A_1057 = arith.index_cast %parallel_loop3A_879 : i32 to index
        %parallel_loop3A_1058 = arith.constant 80 : index
        %parallel_loop3A_1059 = tpu.vector_load %arg9[%parallel_loop3A_1056, %parallel_loop3A_1057, %parallel_loop3A_1058] {strides = array<i32>} : memref<5x40x128xf32, #tpu.memory_space<vmem>>, vector<16xf32>,
        tpu.vector_store %arg9[%parallel_loop3A_1056, %parallel_loop3A_1057, %parallel_loop3A_1058], %parallel_loop3A_1054 {strides = array<i32>} : memref<5x40x128xf32, #tpu.memory_space<vmem>>, vector<16xf32>,
        %parallel_loop3A_1060 = tpu.vector_load_idx %arg7[%broadcast_in_dim3A_7, %parallel_loop3A_1047] : memref<5x14xf32, #tpu.memory_space<vmem>>[vector<16xi32>, vector<16xi32>], vector<16xf32>,
        %parallel_loop3A_1061 = arith.constant 2 : i32
        %parallel_loop3A_1062 = arith.index_cast %parallel_loop3A_1061 : i32 to index
        %parallel_loop3A_1063 = arith.index_cast %parallel_loop3A_879 : i32 to index
        %parallel_loop3A_1064 = arith.constant 80 : index
        %parallel_loop3A_1065 = tpu.vector_load %arg9[%parallel_loop3A_1062, %parallel_loop3A_1063, %parallel_loop3A_1064] {strides = array<i32>} : memref<5x40x128xf32, #tpu.memory_space<vmem>>, vector<16xf32>,
        tpu.vector_store %arg9[%parallel_loop3A_1062, %parallel_loop3A_1063, %parallel_loop3A_1064], %parallel_loop3A_1060 {strides = array<i32>} : memref<5x40x128xf32, #tpu.memory_space<vmem>>, vector<16xf32>,
        %parallel_loop3A_1066 = tpu.vector_load_idx %arg7[%broadcast_in_dim3A_9, %parallel_loop3A_1047] : memref<5x14xf32, #tpu.memory_space<vmem>>[vector<16xi32>, vector<16xi32>], vector<16xf32>,
        %parallel_loop3A_1067 = arith.constant 3 : i32
        %parallel_loop3A_1068 = arith.index_cast %parallel_loop3A_1067 : i32 to index
        %parallel_loop3A_1069 = arith.index_cast %parallel_loop3A_879 : i32 to index
        %parallel_loop3A_1070 = arith.constant 80 : index
        %parallel_loop3A_1071 = tpu.vector_load %arg9[%parallel_loop3A_1068, %parallel_loop3A_1069, %parallel_loop3A_1070] {strides = array<i32>} : memref<5x40x128xf32, #tpu.memory_space<vmem>>, vector<16xf32>,
        tpu.vector_store %arg9[%parallel_loop3A_1068, %parallel_loop3A_1069, %parallel_loop3A_1070], %parallel_loop3A_1066 {strides = array<i32>} : memref<5x40x128xf32, #tpu.memory_space<vmem>>, vector<16xf32>,
        %parallel_loop3A_1072 = tpu.vector_load_idx %arg7[%broadcast_in_dim3A_11, %parallel_loop3A_1047] : memref<5x14xf32, #tpu.memory_space<vmem>>[vector<16xi32>, vector<16xi32>], vector<16xf32>,
        %parallel_loop3A_1073 = arith.constant 4 : i32
        %parallel_loop3A_1074 = arith.index_cast %parallel_loop3A_1073 : i32 to index
        %parallel_loop3A_1075 = arith.index_cast %parallel_loop3A_879 : i32 to index
        %parallel_loop3A_1076 = arith.constant 80 : index
        %parallel_loop3A_1077 = tpu.vector_load %arg9[%parallel_loop3A_1074, %parallel_loop3A_1075, %parallel_loop3A_1076] {strides = array<i32>} : memref<5x40x128xf32, #tpu.memory_space<vmem>>, vector<16xf32>,
        tpu.vector_store %arg9[%parallel_loop3A_1074, %parallel_loop3A_1075, %parallel_loop3A_1076], %parallel_loop3A_1072 {strides = array<i32>} : memref<5x40x128xf32, #tpu.memory_space<vmem>>, vector<16xf32>,
        %parallel_loop3A_1078 = arith.index_cast %parallel_loop3A_879 : i32 to index
        %parallel_loop3A_1079 = arith.constant 96 : index
        %parallel_loop3A_1080 = tpu.vector_load %arg6[%parallel_loop3A_1078, %parallel_loop3A_1079] {strides = array<i32>} : memref<40x128xi32, #tpu.memory_space<vmem>>, vector<16xi32>,
        %parallel_loop3A_1081 = tpu.vector_load_idx %arg7[%broadcast_in_dim3A_3, %parallel_loop3A_1080] : memref<5x14xf32, #tpu.memory_space<vmem>>[vector<16xi32>, vector<16xi32>], vector<16xf32>,
        %parallel_loop3A_1082 = arith.constant 0 : i32
        %parallel_loop3A_1083 = arith.index_cast %parallel_loop3A_1082 : i32 to index
        %parallel_loop3A_1084 = arith.index_cast %parallel_loop3A_879 : i32 to index
        %parallel_loop3A_1085 = arith.constant 96 : index
        %parallel_loop3A_1086 = tpu.vector_load %arg9[%parallel_loop3A_1083, %parallel_loop3A_1084, %parallel_loop3A_1085] {strides = array<i32>} : memref<5x40x128xf32, #tpu.memory_space<vmem>>, vector<16xf32>,
        tpu.vector_store %arg9[%parallel_loop3A_1083, %parallel_loop3A_1084, %parallel_loop3A_1085], %parallel_loop3A_1081 {strides = array<i32>} : memref<5x40x128xf32, #tpu.memory_space<vmem>>, vector<16xf32>,
        %parallel_loop3A_1087 = tpu.vector_load_idx %arg7[%broadcast_in_dim3A_5, %parallel_loop3A_1080] : memref<5x14xf32, #tpu.memory_space<vmem>>[vector<16xi32>, vector<16xi32>], vector<16xf32>,
        %parallel_loop3A_1088 = arith.constant 1 : i32
        %parallel_loop3A_1089 = arith.index_cast %parallel_loop3A_1088 : i32 to index
        %parallel_loop3A_1090 = arith.index_cast %parallel_loop3A_879 : i32 to index
        %parallel_loop3A_1091 = arith.constant 96 : index
        %parallel_loop3A_1092 = tpu.vector_load %arg9[%parallel_loop3A_1089, %parallel_loop3A_1090, %parallel_loop3A_1091] {strides = array<i32>} : memref<5x40x128xf32, #tpu.memory_space<vmem>>, vector<16xf32>,
        tpu.vector_store %arg9[%parallel_loop3A_1089, %parallel_loop3A_1090, %parallel_loop3A_1091], %parallel_loop3A_1087 {strides = array<i32>} : memref<5x40x128xf32, #tpu.memory_space<vmem>>, vector<16xf32>,
        %parallel_loop3A_1093 = tpu.vector_load_idx %arg7[%broadcast_in_dim3A_7, %parallel_loop3A_1080] : memref<5x14xf32, #tpu.memory_space<vmem>>[vector<16xi32>, vector<16xi32>], vector<16xf32>,
        %parallel_loop3A_1094 = arith.constant 2 : i32
        %parallel_loop3A_1095 = arith.index_cast %parallel_loop3A_1094 : i32 to index
        %parallel_loop3A_1096 = arith.index_cast %parallel_loop3A_879 : i32 to index
        %parallel_loop3A_1097 = arith.constant 96 : index
        %parallel_loop3A_1098 = tpu.vector_load %arg9[%parallel_loop3A_1095, %parallel_loop3A_1096, %parallel_loop3A_1097] {strides = array<i32>} : memref<5x40x128xf32, #tpu.memory_space<vmem>>, vector<16xf32>,
        tpu.vector_store %arg9[%parallel_loop3A_1095, %parallel_loop3A_1096, %parallel_loop3A_1097], %parallel_loop3A_1093 {strides = array<i32>} : memref<5x40x128xf32, #tpu.memory_space<vmem>>, vector<16xf32>,
        %parallel_loop3A_1099 = tpu.vector_load_idx %arg7[%broadcast_in_dim3A_9, %parallel_loop3A_1080] : memref<5x14xf32, #tpu.memory_space<vmem>>[vector<16xi32>, vector<16xi32>], vector<16xf32>,
        %parallel_loop3A_1100 = arith.constant 3 : i32
        %parallel_loop3A_1101 = arith.index_cast %parallel_loop3A_1100 : i32 to index
        %parallel_loop3A_1102 = arith.index_cast %parallel_loop3A_879 : i32 to index
        %parallel_loop3A_1103 = arith.constant 96 : index
        %parallel_loop3A_1104 = tpu.vector_load %arg9[%parallel_loop3A_1101, %parallel_loop3A_1102, %parallel_loop3A_1103] {strides = array<i32>} : memref<5x40x128xf32, #tpu.memory_space<vmem>>, vector<16xf32>,
        tpu.vector_store %arg9[%parallel_loop3A_1101, %parallel_loop3A_1102, %parallel_loop3A_1103], %parallel_loop3A_1099 {strides = array<i32>} : memref<5x40x128xf32, #tpu.memory_space<vmem>>, vector<16xf32>,
        %parallel_loop3A_1105 = tpu.vector_load_idx %arg7[%broadcast_in_dim3A_11, %parallel_loop3A_1080] : memref<5x14xf32, #tpu.memory_space<vmem>>[vector<16xi32>, vector<16xi32>], vector<16xf32>,
        %parallel_loop3A_1106 = arith.constant 4 : i32
        %parallel_loop3A_1107 = arith.index_cast %parallel_loop3A_1106 : i32 to index
        %parallel_loop3A_1108 = arith.index_cast %parallel_loop3A_879 : i32 to index
        %parallel_loop3A_1109 = arith.constant 96 : index
        %parallel_loop3A_1110 = tpu.vector_load %arg9[%parallel_loop3A_1107, %parallel_loop3A_1108, %parallel_loop3A_1109] {strides = array<i32>} : memref<5x40x128xf32, #tpu.memory_space<vmem>>, vector<16xf32>,
        tpu.vector_store %arg9[%parallel_loop3A_1107, %parallel_loop3A_1108, %parallel_loop3A_1109], %parallel_loop3A_1105 {strides = array<i32>} : memref<5x40x128xf32, #tpu.memory_space<vmem>>, vector<16xf32>,
        %parallel_loop3A_1111 = arith.index_cast %parallel_loop3A_879 : i32 to index
        %parallel_loop3A_1112 = arith.constant 112 : index
        %parallel_loop3A_1113 = tpu.vector_load %arg6[%parallel_loop3A_1111, %parallel_loop3A_1112] {strides = array<i32>} : memref<40x128xi32, #tpu.memory_space<vmem>>, vector<16xi32>,
        %parallel_loop3A_1114 = tpu.vector_load_idx %arg7[%broadcast_in_dim3A_3, %parallel_loop3A_1113] : memref<5x14xf32, #tpu.memory_space<vmem>>[vector<16xi32>, vector<16xi32>], vector<16xf32>,
        %parallel_loop3A_1115 = arith.constant 0 : i32
        %parallel_loop3A_1116 = arith.index_cast %parallel_loop3A_1115 : i32 to index
        %parallel_loop3A_1117 = arith.index_cast %parallel_loop3A_879 : i32 to index
        %parallel_loop3A_1118 = arith.constant 112 : index
        %parallel_loop3A_1119 = tpu.vector_load %arg9[%parallel_loop3A_1116, %parallel_loop3A_1117, %parallel_loop3A_1118] {strides = array<i32>} : memref<5x40x128xf32, #tpu.memory_space<vmem>>, vector<16xf32>,
        tpu.vector_store %arg9[%parallel_loop3A_1116, %parallel_loop3A_1117, %parallel_loop3A_1118], %parallel_loop3A_1114 {strides = array<i32>} : memref<5x40x128xf32, #tpu.memory_space<vmem>>, vector<16xf32>,
        %parallel_loop3A_1120 = tpu.vector_load_idx %arg7[%broadcast_in_dim3A_5, %parallel_loop3A_1113] : memref<5x14xf32, #tpu.memory_space<vmem>>[vector<16xi32>, vector<16xi32>], vector<16xf32>,
        %parallel_loop3A_1121 = arith.constant 1 : i32
        %parallel_loop3A_1122 = arith.index_cast %parallel_loop3A_1121 : i32 to index
        %parallel_loop3A_1123 = arith.index_cast %parallel_loop3A_879 : i32 to index
        %parallel_loop3A_1124 = arith.constant 112 : index
        %parallel_loop3A_1125 = tpu.vector_load %arg9[%parallel_loop3A_1122, %parallel_loop3A_1123, %parallel_loop3A_1124] {strides = array<i32>} : memref<5x40x128xf32, #tpu.memory_space<vmem>>, vector<16xf32>,
        tpu.vector_store %arg9[%parallel_loop3A_1122, %parallel_loop3A_1123, %parallel_loop3A_1124], %parallel_loop3A_1120 {strides = array<i32>} : memref<5x40x128xf32, #tpu.memory_space<vmem>>, vector<16xf32>,
        %parallel_loop3A_1126 = tpu.vector_load_idx %arg7[%broadcast_in_dim3A_7, %parallel_loop3A_1113] : memref<5x14xf32, #tpu.memory_space<vmem>>[vector<16xi32>, vector<16xi32>], vector<16xf32>,
        %parallel_loop3A_1127 = arith.constant 2 : i32
        %parallel_loop3A_1128 = arith.index_cast %parallel_loop3A_1127 : i32 to index
        %parallel_loop3A_1129 = arith.index_cast %parallel_loop3A_879 : i32 to index
        %parallel_loop3A_1130 = arith.constant 112 : index
        %parallel_loop3A_1131 = tpu.vector_load %arg9[%parallel_loop3A_1128, %parallel_loop3A_1129, %parallel_loop3A_1130] {strides = array<i32>} : memref<5x40x128xf32, #tpu.memory_space<vmem>>, vector<16xf32>,
        tpu.vector_store %arg9[%parallel_loop3A_1128, %parallel_loop3A_1129, %parallel_loop3A_1130], %parallel_loop3A_1126 {strides = array<i32>} : memref<5x40x128xf32, #tpu.memory_space<vmem>>, vector<16xf32>,
        %parallel_loop3A_1132 = tpu.vector_load_idx %arg7[%broadcast_in_dim3A_9, %parallel_loop3A_1113] : memref<5x14xf32, #tpu.memory_space<vmem>>[vector<16xi32>, vector<16xi32>], vector<16xf32>,
        %parallel_loop3A_1133 = arith.constant 3 : i32
        %parallel_loop3A_1134 = arith.index_cast %parallel_loop3A_1133 : i32 to index
        %parallel_loop3A_1135 = arith.index_cast %parallel_loop3A_879 : i32 to index
        %parallel_loop3A_1136 = arith.constant 112 : index
        %parallel_loop3A_1137 = tpu.vector_load %arg9[%parallel_loop3A_1134, %parallel_loop3A_1135, %parallel_loop3A_1136] {strides = array<i32>} : memref<5x40x128xf32, #tpu.memory_space<vmem>>, vector<16xf32>,
        tpu.vector_store %arg9[%parallel_loop3A_1134, %parallel_loop3A_1135, %parallel_loop3A_1136], %parallel_loop3A_1132 {strides = array<i32>} : memref<5x40x128xf32, #tpu.memory_space<vmem>>, vector<16xf32>,
        %parallel_loop3A_1138 = tpu.vector_load_idx %arg7[%broadcast_in_dim3A_11, %parallel_loop3A_1113] : memref<5x14xf32, #tpu.memory_space<vmem>>[vector<16xi32>, vector<16xi32>], vector<16xf32>,
        %parallel_loop3A_1139 = arith.constant 4 : i32
        %parallel_loop3A_1140 = arith.index_cast %parallel_loop3A_1139 : i32 to index
        %parallel_loop3A_1141 = arith.index_cast %parallel_loop3A_879 : i32 to index
        %parallel_loop3A_1142 = arith.constant 112 : index
        %parallel_loop3A_1143 = tpu.vector_load %arg9[%parallel_loop3A_1140, %parallel_loop3A_1141, %parallel_loop3A_1142] {strides = array<i32>} : memref<5x40x128xf32, #tpu.memory_space<vmem>>, vector<16xf32>,
        tpu.vector_store %arg9[%parallel_loop3A_1140, %parallel_loop3A_1141, %parallel_loop3A_1142], %parallel_loop3A_1138 {strides = array<i32>} : memref<5x40x128xf32, #tpu.memory_space<vmem>>, vector<16xf32>,
      } {sc.loop_unroll_factor = 1 : i64, sc.parallel_access}
      %jit3A_581 = arith.constant 5 : i32
      %div3A_582 = arith.divsi %add3A_525, %jit3A_581 : i32
      %sign3A_583 = arith.constant 0 : i32
      %sign3A_584 = arith.cmpi sgt, %add3A_525, %sign3A_583 : i32
      %sign3A_585 = arith.extui %sign3A_584 : i1 to i32
      %sign3A_586 = arith.constant 0 : i32
      %sign3A_587 = arith.cmpi slt, %add3A_525, %sign3A_586 : i32
      %sign3A_588 = arith.extui %sign3A_587 : i1 to i32
      %sign3A_589 = arith.subi %sign3A_585, %sign3A_588 : i32
      %sign3A_590 = arith.constant 0 : i32
      %sign3A_591 = arith.cmpi sgt, %jit3A_581, %sign3A_590 : i32
      %sign3A_592 = arith.extui %sign3A_591 : i1 to i32
      %sign3A_593 = arith.constant 0 : i32
      %sign3A_594 = arith.cmpi slt, %jit3A_581, %sign3A_593 : i32
      %sign3A_595 = arith.extui %sign3A_594 : i1 to i32
      %sign3A_596 = arith.subi %sign3A_592, %sign3A_595 : i32
      %ne3A_597 = arith.cmpi ne, %sign3A_589, %sign3A_596 : i32
      %rem3A_598 = arith.remsi %add3A_525, %jit3A_581 : i32
      %ne3A_599 = arith.constant 0 : i32
      %ne3A_600 = arith.cmpi ne, %rem3A_598, %ne3A_599 : i32
      %and3A_601 = arith.andi %ne3A_597, %ne3A_600 : i1
      %sub3A_602 = arith.constant 1 : i32
      %sub3A_603 = arith.subi %div3A_582, %sub3A_602 : i32
      %select_n3A_604 = arith.select %and3A_601, %sub3A_603, %div3A_582 : i32
      %jit3A_605 = arith.constant 5 : i32
      %eq3A_606 = arith.constant 0 : i32
      %eq3A_607 = arith.cmpi eq, %jit3A_605, %eq3A_606 : i32
      %jit3A_608 = arith.constant 1 : i32
      %select_n3A_609 = arith.select %eq3A_607, %jit3A_608, %jit3A_605 : i32
      %rem3A_610 = arith.remsi %add3A_525, %select_n3A_609 : i32
      %ne3A_611 = arith.constant 0 : i32
      %ne3A_612 = arith.cmpi ne, %rem3A_610, %ne3A_611 : i32
      %lt3A_613 = arith.constant 0 : i32
      %lt3A_614 = arith.cmpi slt, %rem3A_610, %lt3A_613 : i32
      %lt3A_615 = arith.constant 0 : i32
      %lt3A_616 = arith.cmpi slt, %select_n3A_609, %lt3A_615 : i32
      %ne3A_617 = arith.xori %lt3A_614, %lt3A_616 : i1
      %and3A_618 = arith.andi %ne3A_617, %ne3A_612 : i1
      %add3A_619 = arith.addi %rem3A_610, %select_n3A_609 : i32
      %select_n3A_620 = arith.select %and3A_618, %add3A_619, %rem3A_610 : i32
      %mul3A_621 = arith.constant 40 : i32
      %mul3A_622 = arith.muli %select_n3A_620, %mul3A_621 : i32
      %add3A_623 = arith.constant 0 : i32
      %add3A_624 = arith.addi %add3A_623, %mul3A_622 : i32
      %mul3A_625 = arith.constant 128 : i32
      %mul3A_626 = arith.muli %select_n3A_604, %mul3A_625 : i32
      %add3A_627 = arith.addi %mul3A_2, %mul3A_626 : i32
      %dma_start3A_628 = arith.constant 0 : i32
      %dma_start3A_629 = arith.constant 0 : i32
      %dma_start3A_630 = arith.constant 0 : i32
      %dma_start3A_631 = tpu.memref_slice %arg9[%dma_start3A_628, %dma_start3A_629, %dma_start3A_630] : memref<5x40x128xf32, #tpu.memory_space<vmem>> -> memref<1x40x128xf32, #tpu.memory_space<vmem>>
      %dma_start3A_632 = tpu.memref_squeeze %dma_start3A_631 : memref<1x40x128xf32, #tpu.memory_space<vmem>> -> memref<40x128xf32, #tpu.memory_space<vmem>>
      %dma_start3A_633 = tpu.memref_slice %arg4[%add3A_624, %add3A_627] : memref<1000x16384xf32, #tpu.memory_space<hbm>> -> memref<40x128xf32, #tpu.memory_space<hbm>>
      %dma_start3A_634 = tpu.memref_slice %arg4[%add3A_624, %add3A_627] : memref<1000x16384xf32, #tpu.memory_space<hbm>> -> memref<40x128xf32, #tpu.memory_space<hbm>>
      %dma_start3A_635 = arith.constant 0 : i32
      %dma_start3A_636 = arith.constant 0 : i32
      %dma_start3A_637 = tpu.memref_slice %arg9[%dma_start3A_628, %dma_start3A_635, %dma_start3A_636] : memref<5x40x128xf32, #tpu.memory_space<vmem>> -> memref<1x40x128xf32, #tpu.memory_space<vmem>>
      %dma_start3A_638 = tpu.memref_squeeze %dma_start3A_637 : memref<1x40x128xf32, #tpu.memory_space<vmem>> -> memref<40x128xf32, #tpu.memory_space<vmem>>
      tpu.enqueue_dma source(%dma_start3A_638 : memref<40x128xf32, #tpu.memory_space<vmem>>) target(%dma_start3A_634 : memref<40x128xf32, #tpu.memory_space<hbm>>) target_semaphore(%arg13 : memref<!tpu.dma_semaphore, #tpu.memory_space<semaphore_mem>>)
      %jit3A_639 = arith.constant 5 : i32
      %div3A_640 = arith.divsi %add3A_525, %jit3A_639 : i32
      %sign3A_641 = arith.constant 0 : i32
      %sign3A_642 = arith.cmpi sgt, %add3A_525, %sign3A_641 : i32
      %sign3A_643 = arith.extui %sign3A_642 : i1 to i32
      %sign3A_644 = arith.constant 0 : i32
      %sign3A_645 = arith.cmpi slt, %add3A_525, %sign3A_644 : i32
      %sign3A_646 = arith.extui %sign3A_645 : i1 to i32
      %sign3A_647 = arith.subi %sign3A_643, %sign3A_646 : i32
      %sign3A_648 = arith.constant 0 : i32
      %sign3A_649 = arith.cmpi sgt, %jit3A_639, %sign3A_648 : i32
      %sign3A_650 = arith.extui %sign3A_649 : i1 to i32
      %sign3A_651 = arith.constant 0 : i32
      %sign3A_652 = arith.cmpi slt, %jit3A_639, %sign3A_651 : i32
      %sign3A_653 = arith.extui %sign3A_652 : i1 to i32
      %sign3A_654 = arith.subi %sign3A_650, %sign3A_653 : i32
      %ne3A_655 = arith.cmpi ne, %sign3A_647, %sign3A_654 : i32
      %rem3A_656 = arith.remsi %add3A_525, %jit3A_639 : i32
      %ne3A_657 = arith.constant 0 : i32
      %ne3A_658 = arith.cmpi ne, %rem3A_656, %ne3A_657 : i32
      %and3A_659 = arith.andi %ne3A_655, %ne3A_658 : i1
      %sub3A_660 = arith.constant 1 : i32
      %sub3A_661 = arith.subi %div3A_640, %sub3A_660 : i32
      %select_n3A_662 = arith.select %and3A_659, %sub3A_661, %div3A_640 : i32
      %jit3A_663 = arith.constant 5 : i32
      %eq3A_664 = arith.constant 0 : i32
      %eq3A_665 = arith.cmpi eq, %jit3A_663, %eq3A_664 : i32
      %jit3A_666 = arith.constant 1 : i32
      %select_n3A_667 = arith.select %eq3A_665, %jit3A_666, %jit3A_663 : i32
      %rem3A_668 = arith.remsi %add3A_525, %select_n3A_667 : i32
      %ne3A_669 = arith.constant 0 : i32
      %ne3A_670 = arith.cmpi ne, %rem3A_668, %ne3A_669 : i32
      %lt3A_671 = arith.constant 0 : i32
      %lt3A_672 = arith.cmpi slt, %rem3A_668, %lt3A_671 : i32
      %lt3A_673 = arith.constant 0 : i32
      %lt3A_674 = arith.cmpi slt, %select_n3A_667, %lt3A_673 : i32
      %ne3A_675 = arith.xori %lt3A_672, %lt3A_674 : i1
      %and3A_676 = arith.andi %ne3A_675, %ne3A_670 : i1
      %add3A_677 = arith.addi %rem3A_668, %select_n3A_667 : i32
      %select_n3A_678 = arith.select %and3A_676, %add3A_677, %rem3A_668 : i32
      %mul3A_679 = arith.constant 40 : i32
      %mul3A_680 = arith.muli %select_n3A_678, %mul3A_679 : i32
      %add3A_681 = arith.constant 200 : i32
      %add3A_682 = arith.addi %add3A_681, %mul3A_680 : i32
      %mul3A_683 = arith.constant 128 : i32
      %mul3A_684 = arith.muli %select_n3A_662, %mul3A_683 : i32
      %add3A_685 = arith.addi %mul3A_2, %mul3A_684 : i32
      %dma_start3A_686 = arith.constant 1 : i32
      %dma_start3A_687 = arith.constant 0 : i32
      %dma_start3A_688 = arith.constant 0 : i32
      %dma_start3A_689 = tpu.memref_slice %arg9[%dma_start3A_686, %dma_start3A_687, %dma_start3A_688] : memref<5x40x128xf32, #tpu.memory_space<vmem>> -> memref<1x40x128xf32, #tpu.memory_space<vmem>>
      %dma_start3A_690 = tpu.memref_squeeze %dma_start3A_689 : memref<1x40x128xf32, #tpu.memory_space<vmem>> -> memref<40x128xf32, #tpu.memory_space<vmem>>
      %dma_start3A_691 = tpu.memref_slice %arg4[%add3A_682, %add3A_685] : memref<1000x16384xf32, #tpu.memory_space<hbm>> -> memref<40x128xf32, #tpu.memory_space<hbm>>
      %dma_start3A_692 = tpu.memref_slice %arg4[%add3A_682, %add3A_685] : memref<1000x16384xf32, #tpu.memory_space<hbm>> -> memref<40x128xf32, #tpu.memory_space<hbm>>
      %dma_start3A_693 = arith.constant 0 : i32
      %dma_start3A_694 = arith.constant 0 : i32
      %dma_start3A_695 = tpu.memref_slice %arg9[%dma_start3A_686, %dma_start3A_693, %dma_start3A_694] : memref<5x40x128xf32, #tpu.memory_space<vmem>> -> memref<1x40x128xf32, #tpu.memory_space<vmem>>
      %dma_start3A_696 = tpu.memref_squeeze %dma_start3A_695 : memref<1x40x128xf32, #tpu.memory_space<vmem>> -> memref<40x128xf32, #tpu.memory_space<vmem>>
      tpu.enqueue_dma source(%dma_start3A_696 : memref<40x128xf32, #tpu.memory_space<vmem>>) target(%dma_start3A_692 : memref<40x128xf32, #tpu.memory_space<hbm>>) target_semaphore(%arg13 : memref<!tpu.dma_semaphore, #tpu.memory_space<semaphore_mem>>)
      %jit3A_697 = arith.constant 5 : i32
      %div3A_698 = arith.divsi %add3A_525, %jit3A_697 : i32
      %sign3A_699 = arith.constant 0 : i32
      %sign3A_700 = arith.cmpi sgt, %add3A_525, %sign3A_699 : i32
      %sign3A_701 = arith.extui %sign3A_700 : i1 to i32
      %sign3A_702 = arith.constant 0 : i32
      %sign3A_703 = arith.cmpi slt, %add3A_525, %sign3A_702 : i32
      %sign3A_704 = arith.extui %sign3A_703 : i1 to i32
      %sign3A_705 = arith.subi %sign3A_701, %sign3A_704 : i32
      %sign3A_706 = arith.constant 0 : i32
      %sign3A_707 = arith.cmpi sgt, %jit3A_697, %sign3A_706 : i32
      %sign3A_708 = arith.extui %sign3A_707 : i1 to i32
      %sign3A_709 = arith.constant 0 : i32
      %sign3A_710 = arith.cmpi slt, %jit3A_697, %sign3A_709 : i32
      %sign3A_711 = arith.extui %sign3A_710 : i1 to i32
      %sign3A_712 = arith.subi %sign3A_708, %sign3A_711 : i32
      %ne3A_713 = arith.cmpi ne, %sign3A_705, %sign3A_712 : i32
      %rem3A_714 = arith.remsi %add3A_525, %jit3A_697 : i32
      %ne3A_715 = arith.constant 0 : i32
      %ne3A_716 = arith.cmpi ne, %rem3A_714, %ne3A_715 : i32
      %and3A_717 = arith.andi %ne3A_713, %ne3A_716 : i1
      %sub3A_718 = arith.constant 1 : i32
      %sub3A_719 = arith.subi %div3A_698, %sub3A_718 : i32
      %select_n3A_720 = arith.select %and3A_717, %sub3A_719, %div3A_698 : i32
      %jit3A_721 = arith.constant 5 : i32
      %eq3A_722 = arith.constant 0 : i32
      %eq3A_723 = arith.cmpi eq, %jit3A_721, %eq3A_722 : i32
      %jit3A_724 = arith.constant 1 : i32
      %select_n3A_725 = arith.select %eq3A_723, %jit3A_724, %jit3A_721 : i32
      %rem3A_726 = arith.remsi %add3A_525, %select_n3A_725 : i32
      %ne3A_727 = arith.constant 0 : i32
      %ne3A_728 = arith.cmpi ne, %rem3A_726, %ne3A_727 : i32
      %lt3A_729 = arith.constant 0 : i32
      %lt3A_730 = arith.cmpi slt, %rem3A_726, %lt3A_729 : i32
      %lt3A_731 = arith.constant 0 : i32
      %lt3A_732 = arith.cmpi slt, %select_n3A_725, %lt3A_731 : i32
      %ne3A_733 = arith.xori %lt3A_730, %lt3A_732 : i1
      %and3A_734 = arith.andi %ne3A_733, %ne3A_728 : i1
      %add3A_735 = arith.addi %rem3A_726, %select_n3A_725 : i32
      %select_n3A_736 = arith.select %and3A_734, %add3A_735, %rem3A_726 : i32
      %mul3A_737 = arith.constant 40 : i32
      %mul3A_738 = arith.muli %select_n3A_736, %mul3A_737 : i32
      %add3A_739 = arith.constant 400 : i32
      %add3A_740 = arith.addi %add3A_739, %mul3A_738 : i32
      %mul3A_741 = arith.constant 128 : i32
      %mul3A_742 = arith.muli %select_n3A_720, %mul3A_741 : i32
      %add3A_743 = arith.addi %mul3A_2, %mul3A_742 : i32
      %dma_start3A_744 = arith.constant 2 : i32
      %dma_start3A_745 = arith.constant 0 : i32
      %dma_start3A_746 = arith.constant 0 : i32
      %dma_start3A_747 = tpu.memref_slice %arg9[%dma_start3A_744, %dma_start3A_745, %dma_start3A_746] : memref<5x40x128xf32, #tpu.memory_space<vmem>> -> memref<1x40x128xf32, #tpu.memory_space<vmem>>
      %dma_start3A_748 = tpu.memref_squeeze %dma_start3A_747 : memref<1x40x128xf32, #tpu.memory_space<vmem>> -> memref<40x128xf32, #tpu.memory_space<vmem>>
      %dma_start3A_749 = tpu.memref_slice %arg4[%add3A_740, %add3A_743] : memref<1000x16384xf32, #tpu.memory_space<hbm>> -> memref<40x128xf32, #tpu.memory_space<hbm>>
      %dma_start3A_750 = tpu.memref_slice %arg4[%add3A_740, %add3A_743] : memref<1000x16384xf32, #tpu.memory_space<hbm>> -> memref<40x128xf32, #tpu.memory_space<hbm>>
      %dma_start3A_751 = arith.constant 0 : i32
      %dma_start3A_752 = arith.constant 0 : i32
      %dma_start3A_753 = tpu.memref_slice %arg9[%dma_start3A_744, %dma_start3A_751, %dma_start3A_752] : memref<5x40x128xf32, #tpu.memory_space<vmem>> -> memref<1x40x128xf32, #tpu.memory_space<vmem>>
      %dma_start3A_754 = tpu.memref_squeeze %dma_start3A_753 : memref<1x40x128xf32, #tpu.memory_space<vmem>> -> memref<40x128xf32, #tpu.memory_space<vmem>>
      tpu.enqueue_dma source(%dma_start3A_754 : memref<40x128xf32, #tpu.memory_space<vmem>>) target(%dma_start3A_750 : memref<40x128xf32, #tpu.memory_space<hbm>>) target_semaphore(%arg13 : memref<!tpu.dma_semaphore, #tpu.memory_space<semaphore_mem>>)
      %jit3A_755 = arith.constant 5 : i32
      %div3A_756 = arith.divsi %add3A_525, %jit3A_755 : i32
      %sign3A_757 = arith.constant 0 : i32
      %sign3A_758 = arith.cmpi sgt, %add3A_525, %sign3A_757 : i32
      %sign3A_759 = arith.extui %sign3A_758 : i1 to i32
      %sign3A_760 = arith.constant 0 : i32
      %sign3A_761 = arith.cmpi slt, %add3A_525, %sign3A_760 : i32
      %sign3A_762 = arith.extui %sign3A_761 : i1 to i32
      %sign3A_763 = arith.subi %sign3A_759, %sign3A_762 : i32
      %sign3A_764 = arith.constant 0 : i32
      %sign3A_765 = arith.cmpi sgt, %jit3A_755, %sign3A_764 : i32
      %sign3A_766 = arith.extui %sign3A_765 : i1 to i32
      %sign3A_767 = arith.constant 0 : i32
      %sign3A_768 = arith.cmpi slt, %jit3A_755, %sign3A_767 : i32
      %sign3A_769 = arith.extui %sign3A_768 : i1 to i32
      %sign3A_770 = arith.subi %sign3A_766, %sign3A_769 : i32
      %ne3A_771 = arith.cmpi ne, %sign3A_763, %sign3A_770 : i32
      %rem3A_772 = arith.remsi %add3A_525, %jit3A_755 : i32
      %ne3A_773 = arith.constant 0 : i32
      %ne3A_774 = arith.cmpi ne, %rem3A_772, %ne3A_773 : i32
      %and3A_775 = arith.andi %ne3A_771, %ne3A_774 : i1
      %sub3A_776 = arith.constant 1 : i32
      %sub3A_777 = arith.subi %div3A_756, %sub3A_776 : i32
      %select_n3A_778 = arith.select %and3A_775, %sub3A_777, %div3A_756 : i32
      %jit3A_779 = arith.constant 5 : i32
      %eq3A_780 = arith.constant 0 : i32
      %eq3A_781 = arith.cmpi eq, %jit3A_779, %eq3A_780 : i32
      %jit3A_782 = arith.constant 1 : i32
      %select_n3A_783 = arith.select %eq3A_781, %jit3A_782, %jit3A_779 : i32
      %rem3A_784 = arith.remsi %add3A_525, %select_n3A_783 : i32
      %ne3A_785 = arith.constant 0 : i32
      %ne3A_786 = arith.cmpi ne, %rem3A_784, %ne3A_785 : i32
      %lt3A_787 = arith.constant 0 : i32
      %lt3A_788 = arith.cmpi slt, %rem3A_784, %lt3A_787 : i32
      %lt3A_789 = arith.constant 0 : i32
      %lt3A_790 = arith.cmpi slt, %select_n3A_783, %lt3A_789 : i32
      %ne3A_791 = arith.xori %lt3A_788, %lt3A_790 : i1
      %and3A_792 = arith.andi %ne3A_791, %ne3A_786 : i1
      %add3A_793 = arith.addi %rem3A_784, %select_n3A_783 : i32
      %select_n3A_794 = arith.select %and3A_792, %add3A_793, %rem3A_784 : i32
      %mul3A_795 = arith.constant 40 : i32
      %mul3A_796 = arith.muli %select_n3A_794, %mul3A_795 : i32
      %add3A_797 = arith.constant 600 : i32
      %add3A_798 = arith.addi %add3A_797, %mul3A_796 : i32
      %mul3A_799 = arith.constant 128 : i32
      %mul3A_800 = arith.muli %select_n3A_778, %mul3A_799 : i32
      %add3A_801 = arith.addi %mul3A_2, %mul3A_800 : i32
      %dma_start3A_802 = arith.constant 3 : i32
      %dma_start3A_803 = arith.constant 0 : i32
      %dma_start3A_804 = arith.constant 0 : i32
      %dma_start3A_805 = tpu.memref_slice %arg9[%dma_start3A_802, %dma_start3A_803, %dma_start3A_804] : memref<5x40x128xf32, #tpu.memory_space<vmem>> -> memref<1x40x128xf32, #tpu.memory_space<vmem>>
      %dma_start3A_806 = tpu.memref_squeeze %dma_start3A_805 : memref<1x40x128xf32, #tpu.memory_space<vmem>> -> memref<40x128xf32, #tpu.memory_space<vmem>>
      %dma_start3A_807 = tpu.memref_slice %arg4[%add3A_798, %add3A_801] : memref<1000x16384xf32, #tpu.memory_space<hbm>> -> memref<40x128xf32, #tpu.memory_space<hbm>>
      %dma_start3A_808 = tpu.memref_slice %arg4[%add3A_798, %add3A_801] : memref<1000x16384xf32, #tpu.memory_space<hbm>> -> memref<40x128xf32, #tpu.memory_space<hbm>>
      %dma_start3A_809 = arith.constant 0 : i32
      %dma_start3A_810 = arith.constant 0 : i32
      %dma_start3A_811 = tpu.memref_slice %arg9[%dma_start3A_802, %dma_start3A_809, %dma_start3A_810] : memref<5x40x128xf32, #tpu.memory_space<vmem>> -> memref<1x40x128xf32, #tpu.memory_space<vmem>>
      %dma_start3A_812 = tpu.memref_squeeze %dma_start3A_811 : memref<1x40x128xf32, #tpu.memory_space<vmem>> -> memref<40x128xf32, #tpu.memory_space<vmem>>
      tpu.enqueue_dma source(%dma_start3A_812 : memref<40x128xf32, #tpu.memory_space<vmem>>) target(%dma_start3A_808 : memref<40x128xf32, #tpu.memory_space<hbm>>) target_semaphore(%arg13 : memref<!tpu.dma_semaphore, #tpu.memory_space<semaphore_mem>>)
      %jit3A_813 = arith.constant 5 : i32
      %div3A_814 = arith.divsi %add3A_525, %jit3A_813 : i32
      %sign3A_815 = arith.constant 0 : i32
      %sign3A_816 = arith.cmpi sgt, %add3A_525, %sign3A_815 : i32
      %sign3A_817 = arith.extui %sign3A_816 : i1 to i32
      %sign3A_818 = arith.constant 0 : i32
      %sign3A_819 = arith.cmpi slt, %add3A_525, %sign3A_818 : i32
      %sign3A_820 = arith.extui %sign3A_819 : i1 to i32
      %sign3A_821 = arith.subi %sign3A_817, %sign3A_820 : i32
      %sign3A_822 = arith.constant 0 : i32
      %sign3A_823 = arith.cmpi sgt, %jit3A_813, %sign3A_822 : i32
      %sign3A_824 = arith.extui %sign3A_823 : i1 to i32
      %sign3A_825 = arith.constant 0 : i32
      %sign3A_826 = arith.cmpi slt, %jit3A_813, %sign3A_825 : i32
      %sign3A_827 = arith.extui %sign3A_826 : i1 to i32
      %sign3A_828 = arith.subi %sign3A_824, %sign3A_827 : i32
      %ne3A_829 = arith.cmpi ne, %sign3A_821, %sign3A_828 : i32
      %rem3A_830 = arith.remsi %add3A_525, %jit3A_813 : i32
      %ne3A_831 = arith.constant 0 : i32
      %ne3A_832 = arith.cmpi ne, %rem3A_830, %ne3A_831 : i32
      %and3A_833 = arith.andi %ne3A_829, %ne3A_832 : i1
      %sub3A_834 = arith.constant 1 : i32
      %sub3A_835 = arith.subi %div3A_814, %sub3A_834 : i32
      %select_n3A_836 = arith.select %and3A_833, %sub3A_835, %div3A_814 : i32
      %jit3A_837 = arith.constant 5 : i32
      %eq3A_838 = arith.constant 0 : i32
      %eq3A_839 = arith.cmpi eq, %jit3A_837, %eq3A_838 : i32
      %jit3A_840 = arith.constant 1 : i32
      %select_n3A_841 = arith.select %eq3A_839, %jit3A_840, %jit3A_837 : i32
      %rem3A_842 = arith.remsi %add3A_525, %select_n3A_841 : i32
      %ne3A_843 = arith.constant 0 : i32
      %ne3A_844 = arith.cmpi ne, %rem3A_842, %ne3A_843 : i32
      %lt3A_845 = arith.constant 0 : i32
      %lt3A_846 = arith.cmpi slt, %rem3A_842, %lt3A_845 : i32
      %lt3A_847 = arith.constant 0 : i32
      %lt3A_848 = arith.cmpi slt, %select_n3A_841, %lt3A_847 : i32
      %ne3A_849 = arith.xori %lt3A_846, %lt3A_848 : i1
      %and3A_850 = arith.andi %ne3A_849, %ne3A_844 : i1
      %add3A_851 = arith.addi %rem3A_842, %select_n3A_841 : i32
      %select_n3A_852 = arith.select %and3A_850, %add3A_851, %rem3A_842 : i32
      %mul3A_853 = arith.constant 40 : i32
      %mul3A_854 = arith.muli %select_n3A_852, %mul3A_853 : i32
      %add3A_855 = arith.constant 800 : i32
      %add3A_856 = arith.addi %add3A_855, %mul3A_854 : i32
      %mul3A_857 = arith.constant 128 : i32
      %mul3A_858 = arith.muli %select_n3A_836, %mul3A_857 : i32
      %add3A_859 = arith.addi %mul3A_2, %mul3A_858 : i32
      %dma_start3A_860 = arith.constant 4 : i32
      %dma_start3A_861 = arith.constant 0 : i32
      %dma_start3A_862 = arith.constant 0 : i32
      %dma_start3A_863 = tpu.memref_slice %arg9[%dma_start3A_860, %dma_start3A_861, %dma_start3A_862] : memref<5x40x128xf32, #tpu.memory_space<vmem>> -> memref<1x40x128xf32, #tpu.memory_space<vmem>>
      %dma_start3A_864 = tpu.memref_squeeze %dma_start3A_863 : memref<1x40x128xf32, #tpu.memory_space<vmem>> -> memref<40x128xf32, #tpu.memory_space<vmem>>
      %dma_start3A_865 = tpu.memref_slice %arg4[%add3A_856, %add3A_859] : memref<1000x16384xf32, #tpu.memory_space<hbm>> -> memref<40x128xf32, #tpu.memory_space<hbm>>
      %dma_start3A_866 = tpu.memref_slice %arg4[%add3A_856, %add3A_859] : memref<1000x16384xf32, #tpu.memory_space<hbm>> -> memref<40x128xf32, #tpu.memory_space<hbm>>
      %dma_start3A_867 = arith.constant 0 : i32
      %dma_start3A_868 = arith.constant 0 : i32
      %dma_start3A_869 = tpu.memref_slice %arg9[%dma_start3A_860, %dma_start3A_867, %dma_start3A_868] : memref<5x40x128xf32, #tpu.memory_space<vmem>> -> memref<1x40x128xf32, #tpu.memory_space<vmem>>
      %dma_start3A_870 = tpu.memref_squeeze %dma_start3A_869 : memref<1x40x128xf32, #tpu.memory_space<vmem>> -> memref<40x128xf32, #tpu.memory_space<vmem>>
      tpu.enqueue_dma source(%dma_start3A_870 : memref<40x128xf32, #tpu.memory_space<vmem>>) target(%dma_start3A_866 : memref<40x128xf32, #tpu.memory_space<hbm>>) target_semaphore(%arg13 : memref<!tpu.dma_semaphore, #tpu.memory_space<semaphore_mem>>)
      %add3A_871 = arith.constant 2 : i32
      %add3A_872 = arith.addi %add3A_525, %add3A_871 : i32
      %lt3A_873 = arith.constant 20 : i32
      %lt3A_874 = arith.cmpi slt, %add3A_872, %lt3A_873 : i32
      %convert_element_type3A_875 = arith.extui %lt3A_874 : i1 to i32
      %cond3A_876 = arith.constant 0 : i32
      %cond3A_877 = arith.cmpi ne, %convert_element_type3A_875, %cond3A_876 : i32
      scf.if %cond3A_877 {
        %add3A_879 = arith.constant 2 : i32
        %add3A_880 = arith.addi %add3A_525, %add3A_879 : i32
        %jit3A_881 = arith.constant 5 : i32
        %div3A_882 = arith.divsi %add3A_880, %jit3A_881 : i32
        %sign3A_883 = arith.constant 0 : i32
        %sign3A_884 = arith.cmpi sgt, %add3A_880, %sign3A_883 : i32
        %sign3A_885 = arith.extui %sign3A_884 : i1 to i32
        %sign3A_886 = arith.constant 0 : i32
        %sign3A_887 = arith.cmpi slt, %add3A_880, %sign3A_886 : i32
        %sign3A_888 = arith.extui %sign3A_887 : i1 to i32
        %sign3A_889 = arith.subi %sign3A_885, %sign3A_888 : i32
        %sign3A_890 = arith.constant 0 : i32
        %sign3A_891 = arith.cmpi sgt, %jit3A_881, %sign3A_890 : i32
        %sign3A_892 = arith.extui %sign3A_891 : i1 to i32
        %sign3A_893 = arith.constant 0 : i32
        %sign3A_894 = arith.cmpi slt, %jit3A_881, %sign3A_893 : i32
        %sign3A_895 = arith.extui %sign3A_894 : i1 to i32
        %sign3A_896 = arith.subi %sign3A_892, %sign3A_895 : i32
        %ne3A_897 = arith.cmpi ne, %sign3A_889, %sign3A_896 : i32
        %rem3A_898 = arith.remsi %add3A_880, %jit3A_881 : i32
        %ne3A_899 = arith.constant 0 : i32
        %ne3A_900 = arith.cmpi ne, %rem3A_898, %ne3A_899 : i32
        %and3A_901 = arith.andi %ne3A_897, %ne3A_900 : i1
        %sub3A_902 = arith.constant 1 : i32
        %sub3A_903 = arith.subi %div3A_882, %sub3A_902 : i32
        %select_n3A_904 = arith.select %and3A_901, %sub3A_903, %div3A_882 : i32
        %jit3A_905 = arith.constant 5 : i32
        %eq3A_906 = arith.constant 0 : i32
        %eq3A_907 = arith.cmpi eq, %jit3A_905, %eq3A_906 : i32
        %jit3A_908 = arith.constant 1 : i32
        %select_n3A_909 = arith.select %eq3A_907, %jit3A_908, %jit3A_905 : i32
        %rem3A_910 = arith.remsi %add3A_880, %select_n3A_909 : i32
        %ne3A_911 = arith.constant 0 : i32
        %ne3A_912 = arith.cmpi ne, %rem3A_910, %ne3A_911 : i32
        %lt3A_913 = arith.constant 0 : i32
        %lt3A_914 = arith.cmpi slt, %rem3A_910, %lt3A_913 : i32
        %lt3A_915 = arith.constant 0 : i32
        %lt3A_916 = arith.cmpi slt, %select_n3A_909, %lt3A_915 : i32
        %ne3A_917 = arith.xori %lt3A_914, %lt3A_916 : i1
        %and3A_918 = arith.andi %ne3A_917, %ne3A_912 : i1
        %add3A_919 = arith.addi %rem3A_910, %select_n3A_909 : i32
        %select_n3A_920 = arith.select %and3A_918, %add3A_919, %rem3A_910 : i32
        %mul3A_921 = arith.constant 40 : i32
        %mul3A_922 = arith.muli %select_n3A_920, %mul3A_921 : i32
        %mul3A_923 = arith.constant 128 : i32
        %mul3A_924 = arith.muli %select_n3A_904, %mul3A_923 : i32
        %add3A_925 = arith.addi %mul3A_2, %mul3A_924 : i32
        %dma_start3A_926 = tpu.memref_slice %arg2[%mul3A_922, %add3A_925] : memref<200x16384xi32, #tpu.memory_space<hbm>> -> memref<40x128xi32, #tpu.memory_space<hbm>>
        %dma_start3A_927 = tpu.memref_slice %arg2[%mul3A_922, %add3A_925] : memref<200x16384xi32, #tpu.memory_space<hbm>> -> memref<40x128xi32, #tpu.memory_space<hbm>>
        tpu.enqueue_dma source(%dma_start3A_927 : memref<40x128xi32, #tpu.memory_space<hbm>>) target(%arg6 : memref<40x128xi32, #tpu.memory_space<vmem>>) target_semaphore(%arg11 : memref<!tpu.dma_semaphore, #tpu.memory_space<semaphore_mem>>)
      } else {
      }
      %scan3A_878 = arith.constant 0 : i32
      scf.yield %scan3A_878 : i32
    }
    %scan3A_28 = arith.constant 10 : i32
    %add3A_29 = arith.constant 384 : i32
    %add3A_30 = arith.addi %mul3A_2, %add3A_29 : i32
    %dma_wait3A = arith.constant 0 : i32
    %dma_wait3A_31 = arith.constant 0 : i32
    %dma_wait3A_32 = arith.constant 0 : i32
    %dma_wait3A_33 = tpu.memref_slice %arg8[%dma_wait3A, %dma_wait3A_31, %dma_wait3A_32] : memref<5x40x128xf32, #tpu.memory_space<vmem>> -> memref<1x40x128xf32, #tpu.memory_space<vmem>>
    %dma_wait3A_34 = tpu.memref_squeeze %dma_wait3A_33 : memref<1x40x128xf32, #tpu.memory_space<vmem>> -> memref<40x128xf32, #tpu.memory_space<vmem>>
    %dma_wait3A_35 = arith.constant 120 : i32
    %dma_wait3A_36 = tpu.memref_slice %arg4[%dma_wait3A_35, %add3A_30] : memref<1000x16384xf32, #tpu.memory_space<hbm>> -> memref<40x128xf32, #tpu.memory_space<hbm>>
    %dma_wait3A_37 = arith.constant 120 : i32
    %dma_wait3A_38 = tpu.memref_slice %arg4[%dma_wait3A_37, %add3A_30] : memref<1000x16384xf32, #tpu.memory_space<hbm>> -> memref<40x128xf32, #tpu.memory_space<hbm>>
    %dma_wait3A_39 = arith.constant 0 : i32
    %dma_wait3A_40 = arith.constant 0 : i32
    %dma_wait3A_41 = tpu.memref_slice %arg8[%dma_wait3A, %dma_wait3A_39, %dma_wait3A_40] : memref<5x40x128xf32, #tpu.memory_space<vmem>> -> memref<1x40x128xf32, #tpu.memory_space<vmem>>
    %dma_wait3A_42 = tpu.memref_squeeze %dma_wait3A_41 : memref<1x40x128xf32, #tpu.memory_space<vmem>> -> memref<40x128xf32, #tpu.memory_space<vmem>>
    tpu.wait_dma2 semaphore(%arg12 : memref<!tpu.dma_semaphore, #tpu.memory_space<semaphore_mem>>) src(%dma_wait3A_42 : memref<40x128xf32, #tpu.memory_space<vmem>>) dst(%dma_wait3A_38 : memref<40x128xf32, #tpu.memory_space<hbm>>)
    %add3A_43 = arith.constant 384 : i32
    %add3A_44 = arith.addi %mul3A_2, %add3A_43 : i32
    %dma_wait3A_45 = arith.constant 0 : i32
    %dma_wait3A_46 = arith.constant 0 : i32
    %dma_wait3A_47 = arith.constant 0 : i32
    %dma_wait3A_48 = tpu.memref_slice %arg9[%dma_wait3A_45, %dma_wait3A_46, %dma_wait3A_47] : memref<5x40x128xf32, #tpu.memory_space<vmem>> -> memref<1x40x128xf32, #tpu.memory_space<vmem>>
    %dma_wait3A_49 = tpu.memref_squeeze %dma_wait3A_48 : memref<1x40x128xf32, #tpu.memory_space<vmem>> -> memref<40x128xf32, #tpu.memory_space<vmem>>
    %dma_wait3A_50 = arith.constant 160 : i32
    %dma_wait3A_51 = tpu.memref_slice %arg4[%dma_wait3A_50, %add3A_44] : memref<1000x16384xf32, #tpu.memory_space<hbm>> -> memref<40x128xf32, #tpu.memory_space<hbm>>
    %dma_wait3A_52 = arith.constant 160 : i32
    %dma_wait3A_53 = tpu.memref_slice %arg4[%dma_wait3A_52, %add3A_44] : memref<1000x16384xf32, #tpu.memory_space<hbm>> -> memref<40x128xf32, #tpu.memory_space<hbm>>
    %dma_wait3A_54 = arith.constant 0 : i32
    %dma_wait3A_55 = arith.constant 0 : i32
    %dma_wait3A_56 = tpu.memref_slice %arg9[%dma_wait3A_45, %dma_wait3A_54, %dma_wait3A_55] : memref<5x40x128xf32, #tpu.memory_space<vmem>> -> memref<1x40x128xf32, #tpu.memory_space<vmem>>
    %dma_wait3A_57 = tpu.memref_squeeze %dma_wait3A_56 : memref<1x40x128xf32, #tpu.memory_space<vmem>> -> memref<40x128xf32, #tpu.memory_space<vmem>>
    tpu.wait_dma2 semaphore(%arg13 : memref<!tpu.dma_semaphore, #tpu.memory_space<semaphore_mem>>) src(%dma_wait3A_57 : memref<40x128xf32, #tpu.memory_space<vmem>>) dst(%dma_wait3A_53 : memref<40x128xf32, #tpu.memory_space<hbm>>)
    %add3A_58 = arith.constant 384 : i32
    %add3A_59 = arith.addi %mul3A_2, %add3A_58 : i32
    %dma_wait3A_60 = arith.constant 1 : i32
    %dma_wait3A_61 = arith.constant 0 : i32
    %dma_wait3A_62 = arith.constant 0 : i32
    %dma_wait3A_63 = tpu.memref_slice %arg8[%dma_wait3A_60, %dma_wait3A_61, %dma_wait3A_62] : memref<5x40x128xf32, #tpu.memory_space<vmem>> -> memref<1x40x128xf32, #tpu.memory_space<vmem>>
    %dma_wait3A_64 = tpu.memref_squeeze %dma_wait3A_63 : memref<1x40x128xf32, #tpu.memory_space<vmem>> -> memref<40x128xf32, #tpu.memory_space<vmem>>
    %dma_wait3A_65 = arith.constant 320 : i32
    %dma_wait3A_66 = tpu.memref_slice %arg4[%dma_wait3A_65, %add3A_59] : memref<1000x16384xf32, #tpu.memory_space<hbm>> -> memref<40x128xf32, #tpu.memory_space<hbm>>
    %dma_wait3A_67 = arith.constant 320 : i32
    %dma_wait3A_68 = tpu.memref_slice %arg4[%dma_wait3A_67, %add3A_59] : memref<1000x16384xf32, #tpu.memory_space<hbm>> -> memref<40x128xf32, #tpu.memory_space<hbm>>
    %dma_wait3A_69 = arith.constant 0 : i32
    %dma_wait3A_70 = arith.constant 0 : i32
    %dma_wait3A_71 = tpu.memref_slice %arg8[%dma_wait3A_60, %dma_wait3A_69, %dma_wait3A_70] : memref<5x40x128xf32, #tpu.memory_space<vmem>> -> memref<1x40x128xf32, #tpu.memory_space<vmem>>
    %dma_wait3A_72 = tpu.memref_squeeze %dma_wait3A_71 : memref<1x40x128xf32, #tpu.memory_space<vmem>> -> memref<40x128xf32, #tpu.memory_space<vmem>>
    tpu.wait_dma2 semaphore(%arg12 : memref<!tpu.dma_semaphore, #tpu.memory_space<semaphore_mem>>) src(%dma_wait3A_72 : memref<40x128xf32, #tpu.memory_space<vmem>>) dst(%dma_wait3A_68 : memref<40x128xf32, #tpu.memory_space<hbm>>)
    %add3A_73 = arith.constant 384 : i32
    %add3A_74 = arith.addi %mul3A_2, %add3A_73 : i32
    %dma_wait3A_75 = arith.constant 1 : i32
    %dma_wait3A_76 = arith.constant 0 : i32
    %dma_wait3A_77 = arith.constant 0 : i32
    %dma_wait3A_78 = tpu.memref_slice %arg9[%dma_wait3A_75, %dma_wait3A_76, %dma_wait3A_77] : memref<5x40x128xf32, #tpu.memory_space<vmem>> -> memref<1x40x128xf32, #tpu.memory_space<vmem>>
    %dma_wait3A_79 = tpu.memref_squeeze %dma_wait3A_78 : memref<1x40x128xf32, #tpu.memory_space<vmem>> -> memref<40x128xf32, #tpu.memory_space<vmem>>
    %dma_wait3A_80 = arith.constant 360 : i32
    %dma_wait3A_81 = tpu.memref_slice %arg4[%dma_wait3A_80, %add3A_74] : memref<1000x16384xf32, #tpu.memory_space<hbm>> -> memref<40x128xf32, #tpu.memory_space<hbm>>
    %dma_wait3A_82 = arith.constant 360 : i32
    %dma_wait3A_83 = tpu.memref_slice %arg4[%dma_wait3A_82, %add3A_74] : memref<1000x16384xf32, #tpu.memory_space<hbm>> -> memref<40x128xf32, #tpu.memory_space<hbm>>
    %dma_wait3A_84 = arith.constant 0 : i32
    %dma_wait3A_85 = arith.constant 0 : i32
    %dma_wait3A_86 = tpu.memref_slice %arg9[%dma_wait3A_75, %dma_wait3A_84, %dma_wait3A_85] : memref<5x40x128xf32, #tpu.memory_space<vmem>> -> memref<1x40x128xf32, #tpu.memory_space<vmem>>
    %dma_wait3A_87 = tpu.memref_squeeze %dma_wait3A_86 : memref<1x40x128xf32, #tpu.memory_space<vmem>> -> memref<40x128xf32, #tpu.memory_space<vmem>>
    tpu.wait_dma2 semaphore(%arg13 : memref<!tpu.dma_semaphore, #tpu.memory_space<semaphore_mem>>) src(%dma_wait3A_87 : memref<40x128xf32, #tpu.memory_space<vmem>>) dst(%dma_wait3A_83 : memref<40x128xf32, #tpu.memory_space<hbm>>)
    %add3A_88 = arith.constant 384 : i32
    %add3A_89 = arith.addi %mul3A_2, %add3A_88 : i32
    %dma_wait3A_90 = arith.constant 2 : i32
    %dma_wait3A_91 = arith.constant 0 : i32
    %dma_wait3A_92 = arith.constant 0 : i32
    %dma_wait3A_93 = tpu.memref_slice %arg8[%dma_wait3A_90, %dma_wait3A_91, %dma_wait3A_92] : memref<5x40x128xf32, #tpu.memory_space<vmem>> -> memref<1x40x128xf32, #tpu.memory_space<vmem>>
    %dma_wait3A_94 = tpu.memref_squeeze %dma_wait3A_93 : memref<1x40x128xf32, #tpu.memory_space<vmem>> -> memref<40x128xf32, #tpu.memory_space<vmem>>
    %dma_wait3A_95 = arith.constant 520 : i32
    %dma_wait3A_96 = tpu.memref_slice %arg4[%dma_wait3A_95, %add3A_89] : memref<1000x16384xf32, #tpu.memory_space<hbm>> -> memref<40x128xf32, #tpu.memory_space<hbm>>
    %dma_wait3A_97 = arith.constant 520 : i32
    %dma_wait3A_98 = tpu.memref_slice %arg4[%dma_wait3A_97, %add3A_89] : memref<1000x16384xf32, #tpu.memory_space<hbm>> -> memref<40x128xf32, #tpu.memory_space<hbm>>
    %dma_wait3A_99 = arith.constant 0 : i32
    %dma_wait3A_100 = arith.constant 0 : i32
    %dma_wait3A_101 = tpu.memref_slice %arg8[%dma_wait3A_90, %dma_wait3A_99, %dma_wait3A_100] : memref<5x40x128xf32, #tpu.memory_space<vmem>> -> memref<1x40x128xf32, #tpu.memory_space<vmem>>
    %dma_wait3A_102 = tpu.memref_squeeze %dma_wait3A_101 : memref<1x40x128xf32, #tpu.memory_space<vmem>> -> memref<40x128xf32, #tpu.memory_space<vmem>>
    tpu.wait_dma2 semaphore(%arg12 : memref<!tpu.dma_semaphore, #tpu.memory_space<semaphore_mem>>) src(%dma_wait3A_102 : memref<40x128xf32, #tpu.memory_space<vmem>>) dst(%dma_wait3A_98 : memref<40x128xf32, #tpu.memory_space<hbm>>)
    %add3A_103 = arith.constant 384 : i32
    %add3A_104 = arith.addi %mul3A_2, %add3A_103 : i32
    %dma_wait3A_105 = arith.constant 2 : i32
    %dma_wait3A_106 = arith.constant 0 : i32
    %dma_wait3A_107 = arith.constant 0 : i32
    %dma_wait3A_108 = tpu.memref_slice %arg9[%dma_wait3A_105, %dma_wait3A_106, %dma_wait3A_107] : memref<5x40x128xf32, #tpu.memory_space<vmem>> -> memref<1x40x128xf32, #tpu.memory_space<vmem>>
    %dma_wait3A_109 = tpu.memref_squeeze %dma_wait3A_108 : memref<1x40x128xf32, #tpu.memory_space<vmem>> -> memref<40x128xf32, #tpu.memory_space<vmem>>
    %dma_wait3A_110 = arith.constant 560 : i32
    %dma_wait3A_111 = tpu.memref_slice %arg4[%dma_wait3A_110, %add3A_104] : memref<1000x16384xf32, #tpu.memory_space<hbm>> -> memref<40x128xf32, #tpu.memory_space<hbm>>
    %dma_wait3A_112 = arith.constant 560 : i32
    %dma_wait3A_113 = tpu.memref_slice %arg4[%dma_wait3A_112, %add3A_104] : memref<1000x16384xf32, #tpu.memory_space<hbm>> -> memref<40x128xf32, #tpu.memory_space<hbm>>
    %dma_wait3A_114 = arith.constant 0 : i32
    %dma_wait3A_115 = arith.constant 0 : i32
    %dma_wait3A_116 = tpu.memref_slice %arg9[%dma_wait3A_105, %dma_wait3A_114, %dma_wait3A_115] : memref<5x40x128xf32, #tpu.memory_space<vmem>> -> memref<1x40x128xf32, #tpu.memory_space<vmem>>
    %dma_wait3A_117 = tpu.memref_squeeze %dma_wait3A_116 : memref<1x40x128xf32, #tpu.memory_space<vmem>> -> memref<40x128xf32, #tpu.memory_space<vmem>>
    tpu.wait_dma2 semaphore(%arg13 : memref<!tpu.dma_semaphore, #tpu.memory_space<semaphore_mem>>) src(%dma_wait3A_117 : memref<40x128xf32, #tpu.memory_space<vmem>>) dst(%dma_wait3A_113 : memref<40x128xf32, #tpu.memory_space<hbm>>)
    %add3A_118 = arith.constant 384 : i32
    %add3A_119 = arith.addi %mul3A_2, %add3A_118 : i32
    %dma_wait3A_120 = arith.constant 3 : i32
    %dma_wait3A_121 = arith.constant 0 : i32
    %dma_wait3A_122 = arith.constant 0 : i32
    %dma_wait3A_123 = tpu.memref_slice %arg8[%dma_wait3A_120, %dma_wait3A_121, %dma_wait3A_122] : memref<5x40x128xf32, #tpu.memory_space<vmem>> -> memref<1x40x128xf32, #tpu.memory_space<vmem>>
    %dma_wait3A_124 = tpu.memref_squeeze %dma_wait3A_123 : memref<1x40x128xf32, #tpu.memory_space<vmem>> -> memref<40x128xf32, #tpu.memory_space<vmem>>
    %dma_wait3A_125 = arith.constant 720 : i32
    %dma_wait3A_126 = tpu.memref_slice %arg4[%dma_wait3A_125, %add3A_119] : memref<1000x16384xf32, #tpu.memory_space<hbm>> -> memref<40x128xf32, #tpu.memory_space<hbm>>
    %dma_wait3A_127 = arith.constant 720 : i32
    %dma_wait3A_128 = tpu.memref_slice %arg4[%dma_wait3A_127, %add3A_119] : memref<1000x16384xf32, #tpu.memory_space<hbm>> -> memref<40x128xf32, #tpu.memory_space<hbm>>
    %dma_wait3A_129 = arith.constant 0 : i32
    %dma_wait3A_130 = arith.constant 0 : i32
    %dma_wait3A_131 = tpu.memref_slice %arg8[%dma_wait3A_120, %dma_wait3A_129, %dma_wait3A_130] : memref<5x40x128xf32, #tpu.memory_space<vmem>> -> memref<1x40x128xf32, #tpu.memory_space<vmem>>
    %dma_wait3A_132 = tpu.memref_squeeze %dma_wait3A_131 : memref<1x40x128xf32, #tpu.memory_space<vmem>> -> memref<40x128xf32, #tpu.memory_space<vmem>>
    tpu.wait_dma2 semaphore(%arg12 : memref<!tpu.dma_semaphore, #tpu.memory_space<semaphore_mem>>) src(%dma_wait3A_132 : memref<40x128xf32, #tpu.memory_space<vmem>>) dst(%dma_wait3A_128 : memref<40x128xf32, #tpu.memory_space<hbm>>)
    %add3A_133 = arith.constant 384 : i32
    %add3A_134 = arith.addi %mul3A_2, %add3A_133 : i32
    %dma_wait3A_135 = arith.constant 3 : i32
    %dma_wait3A_136 = arith.constant 0 : i32
    %dma_wait3A_137 = arith.constant 0 : i32
    %dma_wait3A_138 = tpu.memref_slice %arg9[%dma_wait3A_135, %dma_wait3A_136, %dma_wait3A_137] : memref<5x40x128xf32, #tpu.memory_space<vmem>> -> memref<1x40x128xf32, #tpu.memory_space<vmem>>
    %dma_wait3A_139 = tpu.memref_squeeze %dma_wait3A_138 : memref<1x40x128xf32, #tpu.memory_space<vmem>> -> memref<40x128xf32, #tpu.memory_space<vmem>>
    %dma_wait3A_140 = arith.constant 760 : i32
    %dma_wait3A_141 = tpu.memref_slice %arg4[%dma_wait3A_140, %add3A_134] : memref<1000x16384xf32, #tpu.memory_space<hbm>> -> memref<40x128xf32, #tpu.memory_space<hbm>>
    %dma_wait3A_142 = arith.constant 760 : i32
    %dma_wait3A_143 = tpu.memref_slice %arg4[%dma_wait3A_142, %add3A_134] : memref<1000x16384xf32, #tpu.memory_space<hbm>> -> memref<40x128xf32, #tpu.memory_space<hbm>>
    %dma_wait3A_144 = arith.constant 0 : i32
    %dma_wait3A_145 = arith.constant 0 : i32
    %dma_wait3A_146 = tpu.memref_slice %arg9[%dma_wait3A_135, %dma_wait3A_144, %dma_wait3A_145] : memref<5x40x128xf32, #tpu.memory_space<vmem>> -> memref<1x40x128xf32, #tpu.memory_space<vmem>>
    %dma_wait3A_147 = tpu.memref_squeeze %dma_wait3A_146 : memref<1x40x128xf32, #tpu.memory_space<vmem>> -> memref<40x128xf32, #tpu.memory_space<vmem>>
    tpu.wait_dma2 semaphore(%arg13 : memref<!tpu.dma_semaphore, #tpu.memory_space<semaphore_mem>>) src(%dma_wait3A_147 : memref<40x128xf32, #tpu.memory_space<vmem>>) dst(%dma_wait3A_143 : memref<40x128xf32, #tpu.memory_space<hbm>>)
    %add3A_148 = arith.constant 384 : i32
    %add3A_149 = arith.addi %mul3A_2, %add3A_148 : i32
    %dma_wait3A_150 = arith.constant 4 : i32
    %dma_wait3A_151 = arith.constant 0 : i32
    %dma_wait3A_152 = arith.constant 0 : i32
    %dma_wait3A_153 = tpu.memref_slice %arg8[%dma_wait3A_150, %dma_wait3A_151, %dma_wait3A_152] : memref<5x40x128xf32, #tpu.memory_space<vmem>> -> memref<1x40x128xf32, #tpu.memory_space<vmem>>
    %dma_wait3A_154 = tpu.memref_squeeze %dma_wait3A_153 : memref<1x40x128xf32, #tpu.memory_space<vmem>> -> memref<40x128xf32, #tpu.memory_space<vmem>>
    %dma_wait3A_155 = arith.constant 920 : i32
    %dma_wait3A_156 = tpu.memref_slice %arg4[%dma_wait3A_155, %add3A_149] : memref<1000x16384xf32, #tpu.memory_space<hbm>> -> memref<40x128xf32, #tpu.memory_space<hbm>>
    %dma_wait3A_157 = arith.constant 920 : i32
    %dma_wait3A_158 = tpu.memref_slice %arg4[%dma_wait3A_157, %add3A_149] : memref<1000x16384xf32, #tpu.memory_space<hbm>> -> memref<40x128xf32, #tpu.memory_space<hbm>>
    %dma_wait3A_159 = arith.constant 0 : i32
    %dma_wait3A_160 = arith.constant 0 : i32
    %dma_wait3A_161 = tpu.memref_slice %arg8[%dma_wait3A_150, %dma_wait3A_159, %dma_wait3A_160] : memref<5x40x128xf32, #tpu.memory_space<vmem>> -> memref<1x40x128xf32, #tpu.memory_space<vmem>>
    %dma_wait3A_162 = tpu.memref_squeeze %dma_wait3A_161 : memref<1x40x128xf32, #tpu.memory_space<vmem>> -> memref<40x128xf32, #tpu.memory_space<vmem>>
    tpu.wait_dma2 semaphore(%arg12 : memref<!tpu.dma_semaphore, #tpu.memory_space<semaphore_mem>>) src(%dma_wait3A_162 : memref<40x128xf32, #tpu.memory_space<vmem>>) dst(%dma_wait3A_158 : memref<40x128xf32, #tpu.memory_space<hbm>>)
    %add3A_163 = arith.constant 384 : i32
    %add3A_164 = arith.addi %mul3A_2, %add3A_163 : i32
    %dma_wait3A_165 = arith.constant 4 : i32
    %dma_wait3A_166 = arith.constant 0 : i32
    %dma_wait3A_167 = arith.constant 0 : i32
    %dma_wait3A_168 = tpu.memref_slice %arg9[%dma_wait3A_165, %dma_wait3A_166, %dma_wait3A_167] : memref<5x40x128xf32, #tpu.memory_space<vmem>> -> memref<1x40x128xf32, #tpu.memory_space<vmem>>
    %dma_wait3A_169 = tpu.memref_squeeze %dma_wait3A_168 : memref<1x40x128xf32, #tpu.memory_space<vmem>> -> memref<40x128xf32, #tpu.memory_space<vmem>>
    %dma_wait3A_170 = arith.constant 960 : i32
    %dma_wait3A_171 = tpu.memref_slice %arg4[%dma_wait3A_170, %add3A_164] : memref<1000x16384xf32, #tpu.memory_space<hbm>> -> memref<40x128xf32, #tpu.memory_space<hbm>>
    %dma_wait3A_172 = arith.constant 960 : i32
    %dma_wait3A_173 = tpu.memref_slice %arg4[%dma_wait3A_172, %add3A_164] : memref<1000x16384xf32, #tpu.memory_space<hbm>> -> memref<40x128xf32, #tpu.memory_space<hbm>>
    %dma_wait3A_174 = arith.constant 0 : i32
    %dma_wait3A_175 = arith.constant 0 : i32
    %dma_wait3A_176 = tpu.memref_slice %arg9[%dma_wait3A_165, %dma_wait3A_174, %dma_wait3A_175] : memref<5x40x128xf32, #tpu.memory_space<vmem>> -> memref<1x40x128xf32, #tpu.memory_space<vmem>>
    %dma_wait3A_177 = tpu.memref_squeeze %dma_wait3A_176 : memref<1x40x128xf32, #tpu.memory_space<vmem>> -> memref<40x128xf32, #tpu.memory_space<vmem>>
    tpu.wait_dma2 semaphore(%arg13 : memref<!tpu.dma_semaphore, #tpu.memory_space<semaphore_mem>>) src(%dma_wait3A_177 : memref<40x128xf32, #tpu.memory_space<vmem>>) dst(%dma_wait3A_173 : memref<40x128xf32, #tpu.memory_space<hbm>>)
    return
  }
}

</mosaic_0001>

<sc_bundles>
// kernel: kernel.3.cloned.1.call-start
scs
__scs_entry_jumppad:
0x0: {  	(pc) =	sbr.rel $0x88, $3  }
0x1: {  	(tag) =	ssettag $0x0;
	lr =	simm.s32 $0x1  }
0x2: {  	[smem:$0x3F9F] =	sst lr;
	_ =	strace $0xD0000000  }
0x3: {  	_ = 	snop  }
0x4: {  	_ = 	snop  }
0x5: {  	_ = 	snop  }
0x6: {  	_ = 	snop  }
0x7: {  	_ = 	snop  }
__scs_overlays_trampoline_lowered:
0x8: {  	[smem:$0x3FAE] =	sst s0  }
0x9: {  	[smem:$0x3FAF] =	sst s1  }
0xa: {  	[smem:$0x3FB0] =	sst s2  }
0xb: {  	[smem:$0x3FB1] =	sst s3  }
0xc: {  	[smem:$0x3FB2] =	sst s4  }
0xd: {  	[smem:$0x3FB3] =	sst s5  }
0xe: {  	[smem:$0x3FB4] =	sst s6  }
0xf: {  	[smem:$0x3FB5] =	sst s7  }
0x10: {  	[smem:$0x3FB6] =	sst s8  }
0x11: {  	[smem:$0x3FB7] =	sst s9;
	s0 =	simm.s32 @!p0 $0x0  }
0x12: {  	s1 =	sld [smem:$0x3F9D];
	s0 =	simm.s32 @p0 $0x1  }
0x13: {  	[smem:$0x3FB8] =	sst s0;
	s0 =	simm.s32 @!p1 $0x0  }
0x14: {  	s2 =	sld [smem:$0x3F9C];
	s0 =	simm.s32 @p1 $0x1  }
0x15: {  	[smem:$0x3FB9] =	sst s0;
	s0 =	simm.s32 @!p2 $0x0  }
0x16: {  	s3 =	sld [smem:$0x3FDB];
	s0 =	simm.s32 @p2 $0x1  }
0x17: {  	s4 =	simm.s32 $0x1BF5;
	[smem:$0x3FBB] =	sst s0  }
0x18: {  	s0 =	sld [smem:$0x3F9E];
	_ =	swait.ge [sflag:s4], $0x0  }
0x19: {  	s7 =	sld [smem:$0x3F9F]  }
0x1a: {  	s8 =	sadd.s32 $0xFFFFE003, lr  }
0x1b: {  	s9 =	sadd.s32 $0xFFFFFEF7, lr;
	s5 =	simm.s32 $0xFFFFFFFF;
	p2 =	slt.u32 s8, $0xFFFFF086  }
0x1c: {  	p1 =	slt.u32 s9, $0xF7A;
	s5 =	simm.s32 @!p2 $0x0  }
0x1d: {  	s5 =	simm.s32 @p1 $0x1;
	p0 =	seq.s32 s7, s2  }
0x1e: {  	s7 =	smul.u32 @!p0 $0xF7A, s2;
	p2 =	seq.s32 @!p0 s5, $0x0  }
0x1f: {  	s9 =	smul.u32 $0xF7A, s1;
	s8 =	simm.s32 @!p0 $0x1BF5;
	p2 =	por !p2, p0  }
0x20: {  	[sflag:s8] =	ssyncset.s32 @!p0 $0xFFFFF086;
	s6 =	sadd.s32 @!p0 s3, s7;
	s7 =	simm.s32 @!p0 $0x108  }
0x21: {  	s3 =	sadd.s32 s3, s9;
	s6 =	sadd.s32 @!p0 $0x88, s6;
	s7 =	simm.s32 @p2 $0x1082  }
0x22: {  	[simem:s7], [sflag:s8] =	dma.local @!p0 [hbm:s6], $0xF7A  }
0x23: {  	s9 =	sor.u32 $0xD0000000, s2;
	s6 =	simm.s32 $0x108;
	_ =	swait.ge @!p0 [sflag:s8], $0x0  }
0x24: {  	s3 =	sadd.s32 $0x88, s3;
	s6 =	simm.s32 @!p1 $0x1082;
	[sflag:s4] =	ssyncset.s32 $0xFFFFF086  }
0x25: {  	[simem:s6], [sflag:s4] =	dma.local [hbm:s3], $0xF7A  }
0x26: {  	[smem:$0x3F9F] =	sst s1;
	(tag) =	ssettag s2;
	_ =	strace s9  }
0x27: {  	s1 =	sld [smem:$0x3FAF]  }
0x28: {  	s2 =	sld [smem:$0x3FB0]  }
0x29: {  	s4 =	sld [smem:$0x3FB2]  }
0x2a: {  	p0 =	seq.s32 s5, $0x0;
	s5 =	sld [smem:$0x3FB3]  }
0x2b: {  	s6 =	sld [smem:$0x3FB4]  }
0x2c: {  	s7 =	sld [smem:$0x3FB5]  }
0x2d: {  	s3 =	simm.s32 $0x108;
	s8 =	sld [smem:$0x3FB6]  }
0x2e: {  	s3 =	simm.s32 @!p0 $0x1082;
	s9 =	sld [smem:$0x3FB7]  }
0x2f: {  	lr =	sadd.s32 s0, s3;
	s0 =	sld [smem:$0x3FAE]  }
0x30: {  	s3 =	sld [smem:$0x3FB1]  }
0x31: {  	[smem:$0x3FBA] =	sst s10  }
0x32: {  	s10 =	sld [smem:$0x3FB8];
	_ =	sdelay $0x3  }
0x33: {  	p0 =	seq.s32 s10, $0x1;
	s10 =	sld [smem:$0x3FBA];
	_ =	sdelay $0x3  }
0x34: {  	[smem:$0x3FBA] =	sst s10  }
0x35: {  	s10 =	sld [smem:$0x3FB9];
	_ =	sdelay $0x3  }
0x36: {  	p1 =	seq.s32 s10, $0x1;
	s10 =	sld [smem:$0x3FBA];
	_ =	sdelay $0x3  }
0x37: {  	[smem:$0x3FBA] =	sst s10  }
0x38: {  	s10 =	sld [smem:$0x3FBB]  }
0x39: {  	_ = 	snop;
	(pc) =	sbr.ind lr, $3  }
0x3a: {  	_ = 	snop  }
0x3b: {  	_ = 	snop  }
0x3c: {  	p2 =	seq.s32 s10, $0x1;
	s10 =	sld [smem:$0x3FBA]  }
0x3d: {  	_ =	shalt  }
0x3e: {  	_ =	shalt  }
0x3f: {  	_ =	shalt  }
0x40: {  	_ =	shalt  }
0x41: {  	_ =	shalt  }
0x42: {  	_ =	shalt  }
0x43: {  	_ =	shalt  }
0x44: {  	_ =	shalt  }
0x45: {  	_ =	shalt  }
0x46: {  	_ =	shalt  }
0x47: {  	_ =	shalt  }
0x48: {  	_ =	shalt  }
0x49: {  	_ =	shalt  }
0x4a: {  	_ =	shalt  }
0x4b: {  	_ =	shalt  }
0x4c: {  	_ =	shalt  }
0x4d: {  	_ =	shalt  }
0x4e: {  	_ =	shalt  }
0x4f: {  	_ =	shalt  }
0x50: {  	_ =	shalt  }
0x51: {  	_ =	shalt  }
0x52: {  	_ =	shalt  }
0x53: {  	_ =	shalt  }
0x54: {  	_ =	shalt  }
0x55: {  	_ =	shalt  }
0x56: {  	_ =	shalt  }
0x57: {  	_ =	shalt  }
0x58: {  	_ =	shalt  }
0x59: {  	_ =	shalt  }
0x5a: {  	_ =	shalt  }
0x5b: {  	_ =	shalt  }
0x5c: {  	_ =	shalt  }
0x5d: {  	_ =	shalt  }
0x5e: {  	_ =	shalt  }
0x5f: {  	_ =	shalt  }
0x60: {  	_ =	shalt  }
0x61: {  	_ =	shalt  }
0x62: {  	_ =	shalt  }
0x63: {  	_ =	shalt  }
0x64: {  	_ =	shalt  }
0x65: {  	_ =	shalt  }
0x66: {  	_ =	shalt  }
0x67: {  	_ =	shalt  }
0x68: {  	_ =	shalt  }
0x69: {  	_ =	shalt  }
0x6a: {  	_ =	shalt  }
0x6b: {  	_ =	shalt  }
0x6c: {  	_ =	shalt  }
0x6d: {  	_ =	shalt  }
0x6e: {  	_ =	shalt  }
0x6f: {  	_ =	shalt  }
0x70: {  	_ =	shalt  }
0x71: {  	_ =	shalt  }
0x72: {  	_ =	shalt  }
0x73: {  	_ =	shalt  }
0x74: {  	_ =	shalt  }
0x75: {  	_ =	shalt  }
0x76: {  	_ =	shalt  }
0x77: {  	_ =	shalt  }
0x78: {  	_ =	shalt  }
0x79: {  	_ =	shalt  }
0x7a: {  	_ =	shalt  }
0x7b: {  	_ =	shalt  }
0x7c: {  	_ =	shalt  }
0x7d: {  	_ =	shalt  }
0x7e: {  	_ =	shalt  }
0x7f: {  	_ =	shalt  }
0x80: {  	_ =	shalt  }
0x81: {  	_ =	shalt  }
0x82: {  	_ =	shalt  }
0x83: {  	_ =	shalt  }
0x84: {  	_ =	shalt  }
0x85: {  	_ =	shalt  }
0x86: {  	_ =	shalt  }
0x87: {  	_ =	shalt  }
.Lfunc_end0:
.L_simem_size_0:
called_computation_lowered:
.L_overlay_start_0:
0x88: {  	s2 =	sld [smem:$0x3FD9]  }
0x89: {  	s3 =	sld [smem:$0x3FFE];
	_ =	sdelay $0x1  }
0x8a: {  	s1 =	srdreg.scid  }
0x8b: {  	s0 =	sand.u32 $0x1, s1  }
0x8c: {  	s18 =	sshll.u32 s0, $0xA;
	s2 =	sadd.s32 s3, s2  }
0x8d: {  	s2 =	sadd.s32 s2, s18  }
0x8e: {  	[smem:$0x3FC6] =	sst s2  }
0x8f: {  	_ = 	snop  }
0x90: {  	s2 =	sld [smem:$0x3FC9]  }
0x91: {  	s19 =	sld [smem:$0x3FC8]  }
0x92: {  	s4 =	sld [smem:$0x3FD0];
	(tm) =	ssettm $0x1  }
0x93: {  	s5 =	sld [smem:$0x3FFB];
	_ =	sdelay $0x3  }
0x94: {  	_ =	strace s5  }
0x95: {  	s5 =	sld [smem:$0x3FFC];
	_ =	sdelay $0x3  }
0x96: {  	_ =	strace s5  }
0x97: {  	s5 =	sld [smem:$0x3FFD];
	_ =	sdelay $0x3  }
0x98: {  	_ =	strace s5  }
0x99: {  	_ =	strace $0x8FFFFFFF  }
0x9a: {  	s20 =	sld [smem:$0x3FDB];
	_ =	sdelay $0x1  }
0x9b: {  	s6 =	simm.s32 $_scs_section_size  }
0x9c: {  	s7 =	simm.s32 $_size__tile_overlayer_lowered;
	s8 =	simm.s32 $_tile_overlayer_lowered  }
0x9d: {  	s23 =	simm.s32 $0x1BFF;
	s22 =	sshll.u32 s8, $0x1;
	s5 =	sadd.s32 s6, s20  }
0x9e: {  	s9 =	simm.s32 $0x0;
	s21 =	sshll.u32 s7, $0x1;
	s7 =	sadd.s32 s22, s5  }
0x9f: {  	[timem:s9], [sflag:s23] =	dma.local [hbm:s7], s21  }
0xa0: {  	_ =	swait.ge [sflag:s23], s21  }
0xa1: {  	s6 =	ssub.s32 $0x0, s21;
	[sflag:s23] =	ssyncset.done $0x0  }
0xa2: {  	[sflag:s23] =	ssyncadd.s32 s6;
	_ =	sdelay $0x1  }
0xa3: {  	s24 =	simm.s32 $0x1B8B  }
0xa4: {  	_ =	swait.ge [sflag:s24], $0x1  }
0xa5: {  	[sflag:s24] =	ssyncset.done $0x0  }
0xa6: {  	s25 =	simm.s32 $0x1B8E;
	[sflag:s24] =	ssyncadd.s32 $0xFFFFFFFF  }
0xa7: {  	s26 =	simm.s32 $execute0_lowered;
	[smem:$0x3FD2] =	sst s25  }
0xa8: {  	s6 =	sshll.u32 s26, $0x1;
	_ =	strace $0x80000046;
	[dreg:$0x1] =	wrdreg $0xFFFFFFFF  }
0xa9: {  	s28 =	simm.s32 $_size_execute0_lowered;
	s5 =	sadd.s32 s5, s6;
	[dreg:$0x0] =	wrdreg $0x0  }
0xaa: {  	s6 =	sshll.u32 s28, $0x1;
	[dreg:$0x2] =	wrdreg s5  }
0xab: {  	[dreg:$0x3] =	wrdreg s6  }
0xac: {  	[dreg:$0x4] =	wrdreg $0xC0  }
0xad: {  	_ =	task [dreg:s9], $0x5FFFF  }
0xae: {  	[dreg:$0x1] =	wrdreg $0xFFFFFFFF  }
0xaf: {  	[dreg:$0x0] =	wrdreg $0x60  }
0xb0: {  	[dreg:$0x2] =	wrdreg s2  }
0xb1: {  	[dreg:$0x3] =	wrdreg s19  }
0xb2: {  	[dreg:$0x4] =	wrdreg s4  }
0xb3: {  	[dreg:$0x5] =	wrdreg $0x9  }
0xb4: {  	_ =	task.clear_ibuf [dreg:s9], $0x6FFFF;
	_ =	strace $0x90000046  }
0xb5: {  	s29 =	simm.s32 $0x9;
	_ =	strace $0x80000048  }
0xb6: {  	_ =	swait.ge [sflag:s29], $0x1  }
0xb7: {  	[sflag:s29] =	ssyncadd.s32 $0xFFFFFFFF  }
0xb8: {  	_ =	strace $0x90000048  }
0xb9: {  	_ =	sfence  }
0xba: {  	s30 =	sld [smem:$0x0];
	_ =	sdelay $0x2  }
0xbb: {  	s31 =	sshll.u32 s1, $0xD;
	s1 =	sshrl.u32 s1, $0x2  }
0xbc: {  	s3 =	sand.u32 $0x4000, s31;
	s1 =	sadd.s32 s1, s30  }
0xbd: {  	s0 =	sor.u32 s3, s0;
	s1 =	sshll.u32 s1, $0x11  }
0xbe: {  	s0 =	sor.u32 s1, s0  }
0xbf: {  	s0 =	sadd.s32 $0x8F2B, s0  }
0xc0: {  	[sflag:s0] =	ssyncadd.remote.s32 $0x1  }
0xc1: {  	_ =	sfence.sel $0xFFFF  }
0xc2: {  	[dreg:$0x0] =	wrdreg $0xFFFFFFFF;
	(pc) =	sbr.abs _section_cstart, $3  }
0xc3: {  	[dreg:$0x1] =	wrdreg $0xFFFFFFFF  }
0xc4: {  	_ =	task.clear_ibuf [dreg:s9], $0x2FFFF;
	_ =	strace $0x9FFFFFFF  }
0xc5: {  	(tm) =	ssettm $0x7FFFFFFF  }
tec
execute0_lowered:
.L_overlay_start_1:
0x0: {  	(tag) =	ssettag $0x1  }
0x1: {  	s1 =	rddreg [dreg:$0x0]  }
0x2: {  	s4 =	rddreg [dreg:$0x2];
	s0 =	srdreg.scid  }
0x3: {  	s2 =	stileid.u32;
	s5 =	simm.s32 $0x0;
	s10 =	simm.s32 $0x400  }
0x4: {  	s11 =	simm.s32 $0x20000;
	s12 =	simm.s32 $0x1400;
	s13 =	simm.s32 $0x2800  }
0x5: {  	s15 =	simm.s32 $0x1;
	s16 =	simm.s32 $0x2C00;
	s17 =	simm.s32 $0x4000  }
0x6: {  	s18 =	simm.s32 $0x5400;
	s19 =	simm.s32 $0x6800;
	s20 =	simm.s32 $0x7C00  }
0x7: {  	s21 =	simm.s32 $0x2;
	s22 =	simm.s32 $0x9000;
	s23 =	simm.s32 $0xA400  }
0x8: {  	s24 =	simm.s32 $0xB800;
	s25 =	simm.s32 $0xCC00;
	s0 =	sand.u32 $0x1, s0  }
0x9: {  	s2 =	sshll.u32 s2, $0xA;
	[smem:$0x7FF] =	sst s5;
	s3 =	sshll.u32 s0, $0x9  }
.Ltmp0:
0xa: {  	s0 =	ssub.s32 $0x2, s0;
	s2 =	sor.u32 s3, s2;
	(pc) =	sbr.rel .LBB2_1-.Ltmp0, $4  }
0xb: {  	_ =	strace $0x80000047;
	s29 =	sshrl.u32 s0, $0x1;
	s30 =	sadd.s32 s1, s2  }
0xc: {  	s0 =	ssub.s32 s0, s29;
	[dreg:$0x4] =	wrdreg s30;
	s31 =	sadd.s32 $0x14000, s30  }
0xd: {  	s26 =	simm.s32 $0xE000;
	s0 =	smax.u32 s0, $0x1;
	[dreg:$0x5] =	wrdreg s31  }
0xe: {  	s3 =	simm.s32 $0x0;
	s8 =	sshrl.u32 s2, $0x7;
	[dreg:$0x6] =	wrdreg s0  }
.LBB2_8:
0xf: {  	s0 =	simm.s32 $0x3  }
0x10: {  	_ =	swait.ge [sflag:s0], $0x1400  }
0x11: {  	[sflag:s0] =	ssyncset.done $0x0  }
0x12: {  	s2 =	simm.s32 $0x4;
	[sflag:s0] =	ssyncadd.s32 $0xFFFFEC00  }
0x13: {  	_ =	swait.ge [sflag:s2], $0x1400  }
0x14: {  	[sflag:s2] =	ssyncset.done $0x0  }
0x15: {  	[sflag:s2] =	ssyncadd.s32 $0xFFFFEC00  }
0x16: {  	_ =	swait.ge [sflag:s0], $0x1400  }
0x17: {  	[sflag:s0] =	ssyncset.done $0x0  }
0x18: {  	[sflag:s0] =	ssyncadd.s32 $0xFFFFEC00  }
0x19: {  	_ =	swait.ge [sflag:s2], $0x1400  }
0x1a: {  	[sflag:s2] =	ssyncset.done $0x0  }
0x1b: {  	[sflag:s2] =	ssyncadd.s32 $0xFFFFEC00  }
0x1c: {  	_ =	swait.ge [sflag:s0], $0x1400  }
0x1d: {  	[sflag:s0] =	ssyncset.done $0x0  }
0x1e: {  	[sflag:s0] =	ssyncadd.s32 $0xFFFFEC00  }
0x1f: {  	_ =	swait.ge [sflag:s2], $0x1400  }
0x20: {  	[sflag:s2] =	ssyncset.done $0x0  }
0x21: {  	[sflag:s2] =	ssyncadd.s32 $0xFFFFEC00  }
0x22: {  	_ =	swait.ge [sflag:s0], $0x1400  }
0x23: {  	[sflag:s0] =	ssyncset.done $0x0  }
0x24: {  	[sflag:s0] =	ssyncadd.s32 $0xFFFFEC00  }
0x25: {  	_ =	swait.ge [sflag:s2], $0x1400  }
0x26: {  	[sflag:s2] =	ssyncset.done $0x0  }
0x27: {  	[sflag:s2] =	ssyncadd.s32 $0xFFFFEC00  }
0x28: {  	_ =	swait.ge [sflag:s0], $0x1400  }
0x29: {  	[sflag:s0] =	ssyncset.done $0x0  }
0x2a: {  	[sflag:s0] =	ssyncadd.s32 $0xFFFFEC00  }
0x2b: {  	_ =	swait.ge [sflag:s2], $0x1400  }
0x2c: {  	s3 =	rddreg [dreg:$0x7]  }
0x2d: {  	s31 =	rddreg [dreg:$0x6];
	s3 =	sadd.s32 $0x1, s3  }
0x2e: {  	p0 =	sne.s32 s3, s31  }
.Ltmp1:
0x2f: {  	_ = 	snop;
	(pc) =	sbr.rel @!p0 .LBB2_9-.Ltmp1, $3  }
0x30: {  	_ =	sdelay $0x1  }
0x31: {  	[sflag:s2] =	ssyncset.done $0x0  }
0x32: {  	[sflag:s2] =	ssyncadd.s32 $0xFFFFEC00  }
.LBB2_1:
0x33: {  	[dreg:$0x7] =	wrdreg s3  }
0x34: {  	s2 =	simm.s32 $0x0;
	s0 =	rddreg [dreg:$0x4]  }
0x35: {  	[tilespmem:s2], [sflag:$0x1] =	stream.strided.gather [hbm4b:s0+s10], $0x1400, s11, s10, $0x38;
	[tilespmem:$0xF400] =	vst v63  }
0x36: {  	s28 =	rddreg [dreg:$0x5]  }
0x37: {  	[tilespmem:s12], [sflag:$0x2] =	stream.strided.gather [hbm4b:s28+s10], $0x1400, s11, s10, $0x38;
	[tilespmem:$0xF400] =	vst v63  }
0x38: {  	s29 =	rddreg [dreg:$0x1];
	s30 =	simm.s32 $0x5  }
0x39: {  	[tilespmem:s13], [sflag:$0x5] =	stream.linear.gather [hbm4b:s29+s2], $0x280, $0x38;
	[tilespmem:$0xF400] =	vst v63  }
0x3a: {  	_ =	swait.ge [sflag:s30], $0x280  }
0x3b: {  	[sflag:s30] =	ssyncset.done $0x0  }
0x3c: {  	s31 =	simm.s32 $0x0;
	[sflag:s30] =	ssyncadd.s32 $0xFFFFFD80  }
.LBB2_2:
0x3d: {  	_ =	swait.ge [sflag:s15], $0x1400  }
0x3e: {  	p0 =	seq.s32 s31, $0x0;
	[sflag:s15] =	ssyncset.done $0x0  }
0x3f: {  	s0 =	simm.s32 @!p0 $0x3;
	[sflag:s15] =	ssyncadd.s32 $0xFFFFEC00  }
0x40: {  	_ =	swait.ge @!p0 [sflag:s0], $0x1400  }
0x41: {  	[sflag:s0] =	ssyncset.done @!p0 $0x0  }
0x42: {  	[sflag:s0] =	ssyncadd.s32 @!p0 $0xFFFFEC00  }
0x43: {  	_ =	swait.ge @!p0 [sflag:s0], $0x1400  }
0x44: {  	[sflag:s0] =	ssyncset.done @!p0 $0x0  }
0x45: {  	[sflag:s0] =	ssyncadd.s32 @!p0 $0xFFFFEC00  }
0x46: {  	_ =	swait.ge @!p0 [sflag:s0], $0x1400  }
0x47: {  	[sflag:s0] =	ssyncset.done @!p0 $0x0  }
0x48: {  	[sflag:s0] =	ssyncadd.s32 @!p0 $0xFFFFEC00  }
0x49: {  	_ =	swait.ge @!p0 [sflag:s0], $0x1400  }
0x4a: {  	[sflag:s0] =	ssyncset.done @!p0 $0x0  }
0x4b: {  	[sflag:s0] =	ssyncadd.s32 @!p0 $0xFFFFEC00  }
0x4c: {  	_ =	swait.ge @!p0 [sflag:s0], $0x1400  }
0x4d: {  	[sflag:s0] =	ssyncset.done @!p0 $0x0  }
0x4e: {  	s2 =	simm.s32 $0x0;
	[sflag:s0] =	ssyncadd.s32 @!p0 $0xFFFFEC00  }
0x4f: {  	v0 =	vld [tilespmem:s2+$0x0];
	_ =	sdelay $0x7  }
0x50: {  	v1 =	vld.idx.msk [tilespmem:v0+s13+$0x0], $0xffff  }
0x51: {  	v2 =	vadd.s32 $0x80, v0;
	_ =	sdelay $0x3  }
0x52: {  	[tilespmem:s2+$0x2C00] =	vst v1  }
0x53: {  	v1 =	vld.idx.msk [tilespmem:v2+s13+$0x0], $0xffff  }
0x54: {  	v2 =	vadd.s32 $0x100, v0;
	_ =	sdelay $0x3  }
0x55: {  	[tilespmem:s2+$0x4000] =	vst v1  }
0x56: {  	v1 =	vld.idx.msk [tilespmem:v2+s13+$0x0], $0xffff  }
0x57: {  	v2 =	vadd.s32 $0x180, v0;
	_ =	sdelay $0x3  }
0x58: {  	[tilespmem:s2+$0x5400] =	vst v1  }
0x59: {  	v1 =	vld.idx.msk [tilespmem:v2+s13+$0x0], $0xffff;
	_ =	sdelay $0x1  }
0x5a: {  	v0 =	vadd.s32 $0x200, v0;
	_ =	sdelay $0x2  }
0x5b: {  	[tilespmem:s2+$0x6800] =	vst v1;
	v1 =	vld [tilespmem:s2+$0x10];
	_ =	sdelay $0x1  }
0x5c: {  	v0 =	vld.idx.msk [tilespmem:v0+s13+$0x0], $0xffff;
	_ =	sdelay $0x4  }
0x5d: {  	[tilespmem:s2+$0x7C00] =	vst v0  }
0x5e: {  	s3 =	simm.s32 $0x80;
	v0 =	vld.idx.msk [tilespmem:v1+s13+$0x0], $0xffff  }
0x5f: {  	v2 =	vld [tilespmem:s3+$0x0];
	v3 =	vadd.s32 $0x80, v1;
	_ =	sdelay $0x3  }
0x60: {  	[tilespmem:s2+$0x2C10] =	vst v0  }
0x61: {  	v0 =	vld.idx.msk [tilespmem:v3+s13+$0x0], $0xffff  }
0x62: {  	v3 =	vadd.s32 $0x100, v1;
	_ =	sdelay $0x1  }
0x63: {  	v4 =	vld.idx.msk [tilespmem:v2+s13+$0x0], $0xffff  }
0x64: {  	v5 =	vadd.s32 $0x80, v2  }
0x65: {  	[tilespmem:s2+$0x4010] =	vst v0  }
0x66: {  	v0 =	vld.idx.msk [tilespmem:v3+s13+$0x0], $0xffff  }
0x67: {  	v3 =	vadd.s32 $0x180, v1  }
0x68: {  	[tilespmem:s3+$0x2C00] =	vst v4  }
0x69: {  	v4 =	vld.idx.msk [tilespmem:v5+s13+$0x0], $0xffff  }
0x6a: {  	v5 =	vadd.s32 $0x100, v2  }
0x6b: {  	[tilespmem:s2+$0x5410] =	vst v0  }
0x6c: {  	v0 =	vld.idx.msk [tilespmem:v3+s13+$0x0], $0xffff  }
0x6d: {  	v1 =	vadd.s32 $0x200, v1  }
0x6e: {  	[tilespmem:s3+$0x4000] =	vst v4  }
0x6f: {  	v3 =	vld.idx.msk [tilespmem:v5+s13+$0x0], $0xffff  }
0x70: {  	v4 =	vadd.s32 $0x180, v2;
	v5 =	vld [tilespmem:s2+$0x20]  }
0x71: {  	[tilespmem:s2+$0x6810] =	vst v0  }
0x72: {  	v0 =	vld.idx.msk [tilespmem:v1+s13+$0x0], $0xffff;
	_ =	sdelay $0x1  }
0x73: {  	[tilespmem:s3+$0x5400] =	vst v3  }
0x74: {  	v1 =	vld.idx.msk [tilespmem:v4+s13+$0x0], $0xffff;
	_ =	sdelay $0x1  }
0x75: {  	[tilespmem:s2+$0x7C10] =	vst v0;
	v0 =	vadd.s32 $0x200, v2  }
0x76: {  	v2 =	vld.idx.msk [tilespmem:v5+s13+$0x0], $0xffff  }
0x77: {  	v3 =	vadd.s32 $0x80, v5  }
0x78: {  	[tilespmem:s3+$0x6800] =	vst v1;
	v1 =	vld [tilespmem:s3+$0x10];
	_ =	sdelay $0x1  }
0x79: {  	v0 =	vld.idx.msk [tilespmem:v0+s13+$0x0], $0xffff  }
0x7a: {  	[tilespmem:s2+$0x2C20] =	vst v2  }
0x7b: {  	v2 =	vld.idx.msk [tilespmem:v3+s13+$0x0], $0xffff  }
0x7c: {  	v3 =	vadd.s32 $0x100, v5;
	_ =	sdelay $0x1  }
0x7d: {  	[tilespmem:s3+$0x7C00] =	vst v0  }
0x7e: {  	s5 =	simm.s32 $0x100;
	v0 =	vld.idx.msk [tilespmem:v1+s13+$0x0], $0xffff  }
0x7f: {  	v4 =	vld [tilespmem:s5+$0x0];
	[tilespmem:s2+$0x4020] =	vst v2;
	v2 =	vadd.s32 $0x80, v1  }
0x80: {  	v3 =	vld.idx.msk [tilespmem:v3+s13+$0x0], $0xffff  }
0x81: {  	v6 =	vadd.s32 $0x180, v5;
	_ =	sdelay $0x1  }
0x82: {  	[tilespmem:s3+$0x2C10] =	vst v0  }
0x83: {  	v0 =	vld.idx.msk [tilespmem:v2+s13+$0x0], $0xffff  }
0x84: {  	v2 =	vadd.s32 $0x100, v1;
	[tilespmem:s2+$0x5420] =	vst v3  }
0x85: {  	v3 =	vld.idx.msk [tilespmem:v6+s13+$0x0], $0xffff  }
0x86: {  	v5 =	vadd.s32 $0x200, v5;
	v6 =	vld.idx.msk [tilespmem:v4+s13+$0x0], $0xffff  }
0x87: {  	v7 =	vadd.s32 $0x80, v4  }
0x88: {  	v8 =	vld [tilespmem:s2+$0x30];
	[tilespmem:s3+$0x4010] =	vst v0  }
0x89: {  	v0 =	vld.idx.msk [tilespmem:v2+s13+$0x0], $0xffff  }
0x8a: {  	v2 =	vadd.s32 $0x180, v1;
	[tilespmem:s2+$0x6820] =	vst v3  }
0x8b: {  	[tilespmem:s5+$0x2C00] =	vst v6;
	v3 =	vld.idx.msk [tilespmem:v5+s13+$0x0], $0xffff  }
0x8c: {  	v5 =	vld.idx.msk [tilespmem:v7+s13+$0x0], $0xffff  }
0x8d: {  	v6 =	vadd.s32 $0x100, v4  }
0x8e: {  	[tilespmem:s3+$0x5410] =	vst v0  }
0x8f: {  	v0 =	vld.idx.msk [tilespmem:v2+s13+$0x0], $0xffff  }
0x90: {  	v1 =	vadd.s32 $0x200, v1;
	[tilespmem:s2+$0x7C20] =	vst v3  }
0x91: {  	[tilespmem:s5+$0x4000] =	vst v5;
	v2 =	vld.idx.msk [tilespmem:v8+s13+$0x0], $0xffff  }
0x92: {  	v3 =	vadd.s32 $0x80, v8;
	v5 =	vld.idx.msk [tilespmem:v6+s13+$0x0], $0xffff  }
0x93: {  	v6 =	vld [tilespmem:s3+$0x20]  }
0x94: {  	v7 =	vadd.s32 $0x180, v4;
	[tilespmem:s3+$0x6810] =	vst v0  }
0x95: {  	v0 =	vld.idx.msk [tilespmem:v1+s13+$0x0], $0xffff  }
0x96: {  	[tilespmem:s2+$0x2C30] =	vst v2  }
0x97: {  	v1 =	vld.idx.msk [tilespmem:v3+s13+$0x0], $0xffff  }
0x98: {  	[tilespmem:s5+$0x5400] =	vst v5;
	v2 =	vadd.s32 $0x100, v8  }
0x99: {  	v3 =	vld.idx.msk [tilespmem:v7+s13+$0x0], $0xffff  }
0x9a: {  	[tilespmem:s3+$0x7C10] =	vst v0  }
0x9b: {  	v4 =	vadd.s32 $0x200, v4;
	v0 =	vld.idx.msk [tilespmem:v6+s13+$0x0], $0xffff  }
0x9c: {  	[tilespmem:s2+$0x4030] =	vst v1;
	v1 =	vadd.s32 $0x80, v6  }
0x9d: {  	v2 =	vld.idx.msk [tilespmem:v2+s13+$0x0], $0xffff  }
0x9e: {  	v5 =	vld [tilespmem:s5+$0x10];
	[tilespmem:s5+$0x6800] =	vst v3;
	v3 =	vadd.s32 $0x180, v8;
	_ =	sdelay $0x1  }
0x9f: {  	v4 =	vld.idx.msk [tilespmem:v4+s13+$0x0], $0xffff;
	[tilespmem:s3+$0x2C20] =	vst v0  }
0xa0: {  	v0 =	vld.idx.msk [tilespmem:v1+s13+$0x0], $0xffff  }
0xa1: {  	v1 =	vadd.s32 $0x100, v6;
	[tilespmem:s2+$0x5430] =	vst v2  }
0xa2: {  	v2 =	vld.idx.msk [tilespmem:v3+s13+$0x0], $0xffff  }
0xa3: {  	v3 =	vadd.s32 $0x200, v8  }
0xa4: {  	[tilespmem:s5+$0x7C00] =	vst v4;
	v4 =	vld [tilespmem:s2+$0x40]  }
0xa5: {  	v7 =	vld.idx.msk [tilespmem:v5+s13+$0x0], $0xffff;
	[tilespmem:s3+$0x4020] =	vst v0  }
0xa6: {  	s7 =	simm.s32 $0x180;
	v0 =	vld.idx.msk [tilespmem:v1+s13+$0x0], $0xffff  }
0xa7: {  	v1 =	vadd.s32 $0x80, v5;
	[tilespmem:s2+$0x6830] =	vst v2;
	v2 =	vld [tilespmem:s7+$0x0]  }
0xa8: {  	v8 =	vadd.s32 $0x180, v6;
	v3 =	vld.idx.msk [tilespmem:v3+s13+$0x0], $0xffff;
	_ =	sdelay $0x2  }
0xa9: {  	[tilespmem:s5+$0x2C10] =	vst v7  }
0xaa: {  	v1 =	vld.idx.msk [tilespmem:v1+s13+$0x0], $0xffff;
	[tilespmem:s3+$0x5420] =	vst v0  }
0xab: {  	v0 =	vld.idx.msk [tilespmem:v8+s13+$0x0], $0xffff;
	[tilespmem:s2+$0x7C30] =	vst v3;
	v3 =	vadd.s32 $0x100, v5  }
0xac: {  	v6 =	vadd.s32 $0x200, v6;
	v7 =	vld.idx.msk [tilespmem:v4+s13+$0x0], $0xffff  }
0xad: {  	v8 =	vadd.s32 $0x80, v4;
	v9 =	vld.idx.msk [tilespmem:v2+s13+$0x0], $0xffff  }
0xae: {  	v10 =	vadd.s32 $0x80, v2  }
0xaf: {  	v11 =	vld [tilespmem:s3+$0x30];
	[tilespmem:s5+$0x4010] =	vst v1  }
0xb0: {  	[tilespmem:s3+$0x6820] =	vst v0;
	v1 =	vld.idx.msk [tilespmem:v3+s13+$0x0], $0xffff  }
0xb1: {  	v0 =	vld.idx.msk [tilespmem:v6+s13+$0x0], $0xffff;
	v3 =	vadd.s32 $0x180, v5;
	[tilespmem:s2+$0x2C40] =	vst v7  }
0xb2: {  	v6 =	vld.idx.msk [tilespmem:v8+s13+$0x0], $0xffff;
	[tilespmem:s7+$0x2C00] =	vst v9  }
0xb3: {  	v7 =	vadd.s32 $0x100, v4;
	v8 =	vld.idx.msk [tilespmem:v10+s13+$0x0], $0xffff  }
0xb4: {  	v9 =	vadd.s32 $0x100, v2  }
0xb5: {  	[tilespmem:s5+$0x5410] =	vst v1  }
0xb6: {  	[tilespmem:s3+$0x7C20] =	vst v0;
	v1 =	vld.idx.msk [tilespmem:v3+s13+$0x0], $0xffff  }
0xb7: {  	v0 =	vld.idx.msk [tilespmem:v11+s13+$0x0], $0xffff;
	v3 =	vadd.s32 $0x200, v5;
	[tilespmem:s2+$0x4040] =	vst v6  }
0xb8: {  	v6 =	vadd.s32 $0x80, v11;
	v5 =	vld.idx.msk [tilespmem:v7+s13+$0x0], $0xffff;
	[tilespmem:s7+$0x4000] =	vst v8  }
0xb9: {  	v7 =	vadd.s32 $0x180, v4;
	v8 =	vld.idx.msk [tilespmem:v9+s13+$0x0], $0xffff  }
0xba: {  	v9 =	vld [tilespmem:s5+$0x20]  }
0xbb: {  	v10 =	vadd.s32 $0x180, v2;
	[tilespmem:s5+$0x6810] =	vst v1  }
0xbc: {  	[tilespmem:s3+$0x2C30] =	vst v0;
	v1 =	vld.idx.msk [tilespmem:v3+s13+$0x0], $0xffff  }
0xbd: {  	v0 =	vld.idx.msk [tilespmem:v6+s13+$0x0], $0xffff;
	[tilespmem:s2+$0x5440] =	vst v5  }
0xbe: {  	v5 =	vadd.s32 $0x100, v11;
	v3 =	vld.idx.msk [tilespmem:v7+s13+$0x0], $0xffff  }
0xbf: {  	v4 =	vadd.s32 $0x200, v4;
	[tilespmem:s7+$0x5400] =	vst v8  }
0xc0: {  	v6 =	vld.idx.msk [tilespmem:v10+s13+$0x0], $0xffff  }
0xc1: {  	v7 =	vld [tilespmem:s2+$0x50];
	[tilespmem:s5+$0x7C10] =	vst v1  }
0xc2: {  	[tilespmem:s3+$0x4030] =	vst v0;
	v0 =	vadd.s32 $0x200, v2;
	v1 =	vld.idx.msk [tilespmem:v9+s13+$0x0], $0xffff  }
0xc3: {  	v2 =	vld.idx.msk [tilespmem:v5+s13+$0x0], $0xffff;
	[tilespmem:s2+$0x6840] =	vst v3;
	v3 =	vadd.s32 $0x80, v9  }
0xc4: {  	v5 =	vadd.s32 $0x180, v11;
	v4 =	vld.idx.msk [tilespmem:v4+s13+$0x0], $0xffff  }
0xc5: {  	[tilespmem:s7+$0x6800] =	vst v6;
	v6 =	vld [tilespmem:s7+$0x10];
	_ =	sdelay $0x1  }
0xc6: {  	v0 =	vld.idx.msk [tilespmem:v0+s13+$0x0], $0xffff;
	[tilespmem:s5+$0x2C20] =	vst v1  }
0xc7: {  	[tilespmem:s3+$0x5430] =	vst v2;
	v1 =	vld.idx.msk [tilespmem:v3+s13+$0x0], $0xffff  }
0xc8: {  	v2 =	vld.idx.msk [tilespmem:v5+s13+$0x0], $0xffff;
	v3 =	vadd.s32 $0x100, v9;
	[tilespmem:s2+$0x7C40] =	vst v4  }
0xc9: {  	v5 =	vadd.s32 $0x200, v11;
	v4 =	vld.idx.msk [tilespmem:v7+s13+$0x0], $0xffff  }
0xca: {  	v8 =	vadd.s32 $0x80, v7  }
0xcb: {  	v10 =	vld [tilespmem:s3+$0x40];
	[tilespmem:s7+$0x7C00] =	vst v0  }
0xcc: {  	v0 =	vld.idx.msk [tilespmem:v6+s13+$0x0], $0xffff;
	[tilespmem:s5+$0x4020] =	vst v1  }
0xcd: {  	[tilespmem:s3+$0x6830] =	vst v2;
	v1 =	vld.idx.msk [tilespmem:v3+s13+$0x0], $0xffff  }
0xce: {  	v2 =	vadd.s32 $0x80, v6;
	v3 =	vld.idx.msk [tilespmem:v5+s13+$0x0], $0xffff;
	[tilespmem:s2+$0x2C50] =	vst v4  }
0xcf: {  	s9 =	simm.s32 $0x200;
	v4 =	vadd.s32 $0x180, v9;
	v5 =	vld.idx.msk [tilespmem:v8+s13+$0x0], $0xffff  }
0xd0: {  	v8 =	vld [tilespmem:s9+$0x0]  }
0xd1: {  	v11 =	vadd.s32 $0x100, v7  }
0xd2: {  	[tilespmem:s7+$0x2C10] =	vst v0  }
0xd3: {  	v0 =	vld.idx.msk [tilespmem:v2+s13+$0x0], $0xffff;
	[tilespmem:s5+$0x5420] =	vst v1  }
0xd4: {  	v2 =	vadd.s32 $0x100, v6;
	[tilespmem:s3+$0x7C30] =	vst v3;
	v1 =	vld.idx.msk [tilespmem:v4+s13+$0x0], $0xffff  }
0xd5: {  	v3 =	vld.idx.msk [tilespmem:v10+s13+$0x0], $0xffff;
	v4 =	vadd.s32 $0x200, v9;
	[tilespmem:s2+$0x4050] =	vst v5  }
0xd6: {  	v5 =	vld.idx.msk [tilespmem:v11+s13+$0x0], $0xffff  }
0xd7: {  	v9 =	vadd.s32 $0x80, v10;
	v11 =	vld [tilespmem:s5+$0x30]  }
0xd8: {  	v12 =	vadd.s32 $0x180, v7;
	[tilespmem:s7+$0x4010] =	vst v0;
	v13 =	vld.idx.msk [tilespmem:v8+s13+$0x0], $0xffff  }
0xd9: {  	v2 =	vld.idx.msk [tilespmem:v2+s13+$0x0], $0xffff;
	[tilespmem:s5+$0x6820] =	vst v1;
	v1 =	vadd.s32 $0x80, v8  }
0xda: {  	[tilespmem:s3+$0x2C40] =	vst v3;
	v3 =	vadd.s32 $0x180, v6;
	v4 =	vld.idx.msk [tilespmem:v4+s13+$0x0], $0xffff  }
0xdb: {  	v0 =	vld [tilespmem:s2+$0x60]  }
0xdc: {  	v9 =	vld.idx.msk [tilespmem:v9+s13+$0x0], $0xffff;
	[tilespmem:s2+$0x5450] =	vst v5  }
0xdd: {  	v57 =	vadd.s32 $0x100, v10;
	v5 =	vld.idx.msk [tilespmem:v12+s13+$0x0], $0xffff;
	[tilespmem:s9+$0x2C00] =	vst v13  }
0xde: {  	v7 =	vadd.s32 $0x200, v7;
	[tilespmem:s7+$0x5410] =	vst v2;
	v1 =	vld.idx.msk [tilespmem:v1+s13+$0x0], $0xffff  }
0xdf: {  	v2 =	vld.idx.msk [tilespmem:v3+s13+$0x0], $0xffff;
	[tilespmem:s5+$0x7C20] =	vst v4;
	v4 =	vadd.s32 $0x100, v8  }
0xe0: {  	v3 =	vld [tilespmem:s7+$0x20]  }
0xe1: {  	v6 =	vadd.s32 $0x200, v6;
	[tilespmem:s3+$0x4040] =	vst v9;
	v58 =	vld.idx.msk [tilespmem:v11+s13+$0x0], $0xffff  }
0xe2: {  	v9 =	vld.idx.msk [tilespmem:v57+s13+$0x0], $0xffff;
	[tilespmem:s2+$0x6850] =	vst v5;
	v5 =	vadd.s32 $0x80, v11  }
0xe3: {  	v59 =	vadd.s32 $0x180, v10;
	v7 =	vld.idx.msk [tilespmem:v7+s13+$0x0], $0xffff;
	[tilespmem:s9+$0x4000] =	vst v1  }
0xe4: {  	v1 =	vld.idx.msk [tilespmem:v4+s13+$0x0], $0xffff  }
0xe5: {  	[tilespmem:s7+$0x6810] =	vst v2;
	v2 =	vadd.s32 $0x180, v8  }
0xe6: {  	v4 =	vld.idx.msk [tilespmem:v6+s13+$0x0], $0xffff;
	[tilespmem:s5+$0x2C30] =	vst v58  }
0xe7: {  	[tilespmem:s3+$0x5440] =	vst v9;
	v5 =	vld.idx.msk [tilespmem:v5+s13+$0x0], $0xffff  }
0xe8: {  	v6 =	vld.idx.msk [tilespmem:v59+s13+$0x0], $0xffff;
	[tilespmem:s2+$0x7C50] =	vst v7;
	v7 =	vadd.s32 $0x100, v11  }
0xe9: {  	v10 =	vadd.s32 $0x200, v10;
	v9 =	vld.idx.msk [tilespmem:v0+s13+$0x0], $0xffff;
	[tilespmem:s9+$0x5400] =	vst v1  }
0xea: {  	v1 =	vadd.s32 $0x80, v0;
	v60 =	vld.idx.msk [tilespmem:v2+s13+$0x0], $0xffff  }
0xeb: {  	[tilespmem:s7+$0x7C10] =	vst v4;
	v2 =	vld [tilespmem:s3+$0x50]  }
0xec: {  	v61 =	vld.idx.msk [tilespmem:v3+s13+$0x0], $0xffff;
	[tilespmem:s5+$0x4030] =	vst v5;
	v5 =	vadd.s32 $0x200, v8  }
0xed: {  	[tilespmem:s3+$0x6840] =	vst v6;
	v6 =	vadd.s32 $0x80, v3;
	v7 =	vld.idx.msk [tilespmem:v7+s13+$0x0], $0xffff  }
0xee: {  	v8 =	vld.idx.msk [tilespmem:v10+s13+$0x0], $0xffff;
	[tilespmem:s2+$0x2C60] =	vst v9;
	v9 =	vadd.s32 $0x180, v11  }
0xef: {  	v1 =	vld.idx.msk [tilespmem:v1+s13+$0x0], $0xffff  }
0xf0: {  	v4 =	vld [tilespmem:s9+$0x10];
	v10 =	vadd.s32 $0x100, v0;
	[tilespmem:s9+$0x6800] =	vst v60  }
0xf1: {  	[tilespmem:s7+$0x2C20] =	vst v61;
	v5 =	vld.idx.msk [tilespmem:v5+s13+$0x0], $0xffff  }
0xf2: {  	v6 =	vld.idx.msk [tilespmem:v6+s13+$0x0], $0xffff;
	[tilespmem:s5+$0x5430] =	vst v7  }
0xf3: {  	[tilespmem:s3+$0x7C40] =	vst v8;
	v7 =	vld.idx.msk [tilespmem:v9+s13+$0x0], $0xffff  }
0xf4: {  	v9 =	vadd.s32 $0x100, v3;
	v62 =	vld.idx.msk [tilespmem:v2+s13+$0x0], $0xffff;
	[tilespmem:s2+$0x4060] =	vst v1  }
0xf5: {  	s29 =	smul.u32 $0x19A, s31;
	v11 =	vadd.s32 $0x200, v11;
	v10 =	vld.idx.msk [tilespmem:v10+s13+$0x0], $0xffff  }
0xf6: {  	v63 =	vadd.s32 $0x80, v2;
	[tilespmem:s9+$0x7C00] =	vst v5  }
0xf7: {  	s0 =	sshrl.u32 s29, $0xA;
	v14 =	vadd.s32 $0x180, v0;
	v1 =	vld [tilespmem:s5+$0x40];
	[tilespmem:s7+$0x4020] =	vst v6  }
0xf8: {  	s6 =	sand.u32 $0x3F, s0;
	v8 =	vld.idx.msk [tilespmem:v4+s13+$0x0], $0xffff;
	[tilespmem:s5+$0x6830] =	vst v7  }
0xf9: {  	s14 =	smul.u32 $0x5, s6;
	v5 =	vld.idx.msk [tilespmem:v9+s13+$0x0], $0xffff;
	[tilespmem:s3+$0x2C50] =	vst v62  }
0xfa: {  	s0 =	sshll.u32 s31, $0x1;
	v6 =	vld.idx.msk [tilespmem:v11+s13+$0x0], $0xffff;
	[tilespmem:s2+$0x5460] =	vst v10;
	v10 =	vadd.s32 $0x80, v4  }
0xfb: {  	s14 =	ssub.s32 s0, s14;
	v7 =	vld.idx.msk [tilespmem:v63+s13+$0x0], $0xffff;
	v11 =	vadd.s32 $0x180, v3  }
0xfc: {  	s30 =	simm.s32 $0x280;
	s28 =	simm.s32 $0xC00;
	s14 =	sand.u32 $0xFF, s14;
	v9 =	vld.idx.msk [tilespmem:v14+s13+$0x0], $0xffff  }
.LBB2_3:
0xfd: {  	p1 =	sne.s32 s28, $0x4E00;
	v12 =	vld [tilespmem:s30+$0x0];
	v13 =	vadd.s32 $0x100, v2;
	s29 =	smov.u32 s3;
	s3 =	smov.u32 s5  }
0xfe: {  	v0 =	vadd.s32 $0x200, v0;
	s5 =	smov.u32 s7;
	s7 =	smov.u32 s9;
	[tilespmem:s9+$0x2C10] =	vst v8;
	v8 =	vld [tilespmem:s2+$0x70];
	s9 =	smov.u32 s30  }
0xff: {  	v10 =	vld.idx.msk [tilespmem:v10+s13+$0x0], $0xffff;
	[tilespmem:s5+$0x5420] =	vst v5  }
0x100: {  	v5 =	vld.idx.msk [tilespmem:v11+s13+$0x0], $0xffff;
	[tilespmem:s3+$0x7C30] =	vst v6  }
0x101: {  	v6 =	vadd.s32 $0x100, v4;
	v11 =	vld.idx.msk [tilespmem:v1+s13+$0x0], $0xffff;
	[tilespmem:s29+$0x4050] =	vst v7  }
0x102: {  	v3 =	vadd.s32 $0x200, v3;
	v7 =	vld.idx.msk [tilespmem:v13+s13+$0x0], $0xffff;
	[tilespmem:s2+$0x6860] =	vst v9  }
0x103: {  	v9 =	vadd.s32 $0x80, v1;
	v0 =	vld.idx.msk [tilespmem:v0+s13+$0x0], $0xffff  }
0x104: {  	v14 =	vadd.s32 $0x180, v2;
	v13 =	vld [tilespmem:s5+$0x30]  }
0x105: {  	v15 =	vld.idx.msk [tilespmem:v12+s13+$0x0], $0xffff;
	[tilespmem:s7+$0x4010] =	vst v10  }
0x106: {  	v6 =	vld.idx.msk [tilespmem:v6+s13+$0x0], $0xffff;
	[tilespmem:s5+$0x6820] =	vst v5  }
0x107: {  	v5 =	vadd.s32 $0x80, v12;
	v3 =	vld.idx.msk [tilespmem:v3+s13+$0x0], $0xffff;
	[tilespmem:s3+$0x2C40] =	vst v11  }
0x108: {  	v10 =	vadd.s32 $0x180, v4;
	v9 =	vld.idx.msk [tilespmem:v9+s13+$0x0], $0xffff;
	[tilespmem:s29+$0x5450] =	vst v7  }
0x109: {  	v7 =	vld.idx.msk [tilespmem:v14+s13+$0x0], $0xffff;
	[tilespmem:s2+$0x7C60] =	vst v0  }
0x10a: {  	v11 =	vadd.s32 $0x100, v1;
	v14 =	vld.idx.msk [tilespmem:v8+s13+$0x0], $0xffff  }
0x10b: {  	v2 =	vadd.s32 $0x200, v2;
	[tilespmem:s9+$0x2C00] =	vst v15;
	v0 =	vld [tilespmem:s29+$0x60]  }
0x10c: {  	v5 =	vld.idx.msk [tilespmem:v5+s13+$0x0], $0xffff;
	[tilespmem:s7+$0x5410] =	vst v6;
	v6 =	vadd.s32 $0x80, v8  }
0x10d: {  	v10 =	vld.idx.msk [tilespmem:v10+s13+$0x0], $0xffff;
	[tilespmem:s5+$0x7C20] =	vst v3  }
0x10e: {  	v15 =	vadd.s32 $0x100, v12;
	v16 =	vld.idx.msk [tilespmem:v13+s13+$0x0], $0xffff;
	[tilespmem:s3+$0x4040] =	vst v9  }
0x10f: {  	v4 =	vadd.s32 $0x200, v4;
	v9 =	vld.idx.msk [tilespmem:v11+s13+$0x0], $0xffff;
	[tilespmem:s29+$0x6850] =	vst v7  }
0x110: {  	v7 =	vadd.s32 $0x80, v13;
	v2 =	vld.idx.msk [tilespmem:v2+s13+$0x0], $0xffff;
	[tilespmem:s2+$0x2C70] =	vst v14  }
0x111: {  	v11 =	vadd.s32 $0x180, v1;
	v6 =	vld.idx.msk [tilespmem:v6+s13+$0x0], $0xffff  }
0x112: {  	[tilespmem:s9+$0x4000] =	vst v5;
	v3 =	vld [tilespmem:s7+$0x20]  }
0x113: {  	v5 =	vld.idx.msk [tilespmem:v15+s13+$0x0], $0xffff;
	[tilespmem:s7+$0x6810] =	vst v10;
	v10 =	vadd.s32 $0x100, v8  }
0x114: {  	v4 =	vld.idx.msk [tilespmem:v4+s13+$0x0], $0xffff;
	[tilespmem:s5+$0x2C30] =	vst v16  }
0x115: {  	v14 =	vadd.s32 $0x180, v12;
	v7 =	vld.idx.msk [tilespmem:v7+s13+$0x0], $0xffff;
	[tilespmem:s3+$0x5440] =	vst v9  }
0x116: {  	v9 =	vld.idx.msk [tilespmem:v11+s13+$0x0], $0xffff;
	[tilespmem:s29+$0x7C50] =	vst v2  }
0x117: {  	v11 =	vadd.s32 $0x100, v13;
	v15 =	vld.idx.msk [tilespmem:v0+s13+$0x0], $0xffff;
	[tilespmem:s2+$0x4070] =	vst v6  }
0x118: {  	v1 =	vadd.s32 $0x200, v1;
	v6 =	vld.idx.msk [tilespmem:v10+s13+$0x0], $0xffff  }
0x119: {  	[tilespmem:s9+$0x5400] =	vst v5;
	v2 =	vld [tilespmem:s3+$0x50];
	v5 =	vadd.s32 $0x80, v0  }
0x11a: {  	v10 =	vld.idx.msk [tilespmem:v14+s13+$0x0], $0xffff;
	[tilespmem:s7+$0x7C10] =	vst v4;
	v4 =	vadd.s32 $0x180, v8  }
0x11b: {  	v14 =	vld.idx.msk [tilespmem:v3+s13+$0x0], $0xffff;
	[tilespmem:s5+$0x4030] =	vst v7  }
0x11c: {  	v7 =	vadd.s32 $0x200, v12;
	v11 =	vld.idx.msk [tilespmem:v11+s13+$0x0], $0xffff;
	[tilespmem:s3+$0x6840] =	vst v9  }
0x11d: {  	v9 =	vadd.s32 $0x80, v3;
	v1 =	vld.idx.msk [tilespmem:v1+s13+$0x0], $0xffff;
	[tilespmem:s29+$0x2C60] =	vst v15  }
0x11e: {  	v12 =	vadd.s32 $0x180, v13;
	v5 =	vld.idx.msk [tilespmem:v5+s13+$0x0], $0xffff;
	[tilespmem:s2+$0x5470] =	vst v6  }
0x11f: {  	v6 =	vld.idx.msk [tilespmem:v4+s13+$0x0], $0xffff  }
0x120: {  	[tilespmem:s9+$0x6800] =	vst v10;
	v4 =	vld [tilespmem:s9+$0x10];
	v10 =	vadd.s32 $0x100, v0  }
0x121: {  	v8 =	vadd.s32 $0x200, v8;
	v7 =	vld.idx.msk [tilespmem:v7+s13+$0x0], $0xffff;
	[tilespmem:s7+$0x2C20] =	vst v14  }
0x122: {  	v9 =	vld.idx.msk [tilespmem:v9+s13+$0x0], $0xffff;
	[tilespmem:s5+$0x5430] =	vst v11  }
0x123: {  	v11 =	vld.idx.msk [tilespmem:v12+s13+$0x0], $0xffff;
	[tilespmem:s3+$0x7C40] =	vst v1  }
0x124: {  	v12 =	vadd.s32 $0x100, v3;
	v14 =	vld.idx.msk [tilespmem:v2+s13+$0x0], $0xffff;
	[tilespmem:s29+$0x4060] =	vst v5  }
0x125: {  	v13 =	vadd.s32 $0x200, v13;
	v15 =	vld.idx.msk [tilespmem:v10+s13+$0x0], $0xffff;
	[tilespmem:s2+$0x6870] =	vst v6  }
0x126: {  	v16 =	vadd.s32 $0x80, v2;
	v17 =	vld.idx.msk [tilespmem:v8+s13+$0x0], $0xffff  }
0x127: {  	v18 =	vadd.s32 $0x180, v0;
	[tilespmem:s9+$0x7C00] =	vst v7;
	v1 =	vld [tilespmem:s5+$0x40]  }
.Ltmp2:
0x128: {  	v8 =	vld.idx.msk [tilespmem:v4+s13+$0x0], $0xffff;
	[tilespmem:s7+$0x4020] =	vst v9;
	(pc) =	sbr.rel @p1 .LBB2_3-.Ltmp2, $4  }
0x129: {  	v5 =	vld.idx.msk [tilespmem:v12+s13+$0x0], $0xffff;
	[tilespmem:s5+$0x6830] =	vst v11  }
0x12a: {  	v10 =	vadd.s32 $0x80, v4;
	v6 =	vld.idx.msk [tilespmem:v13+s13+$0x0], $0xffff;
	[tilespmem:s3+$0x2C50] =	vst v14  }
0x12b: {  	v11 =	vadd.s32 $0x180, v3;
	v7 =	vld.idx.msk [tilespmem:v16+s13+$0x0], $0xffff;
	[tilespmem:s29+$0x5460] =	vst v15  }
0x12c: {  	s30 =	sshra.s32 s28, $0x2;
	s28 =	sadd.s32 $0x200, s28;
	v9 =	vld.idx.msk [tilespmem:v18+s13+$0x0], $0xffff;
	[tilespmem:s2+$0x7C70] =	vst v17;
	s2 =	smov.u32 s29  }
0x12d: {  	_ =	sdelay $0x1  }
0x12e: {  	v12 =	vld [tilespmem:s30+$0x0]  }
0x12f: {  	v13 =	vadd.s32 $0x100, v2;
	[tilespmem:s9+$0x2C10] =	vst v8;
	v8 =	vadd.s32 $0x200, v0;
	v0 =	vld [tilespmem:s2+$0x70]  }
0x130: {  	v10 =	vld.idx.msk [tilespmem:v10+s13+$0x0], $0xffff;
	[tilespmem:s7+$0x5420] =	vst v5  }
0x131: {  	v26 =	vld [tilespmem:s7+$0x30];
	[tilespmem:s5+$0x7C30] =	vst v6;
	v6 =	vadd.s32 $0x100, v4  }
0x132: {  	v5 =	vld.idx.msk [tilespmem:v11+s13+$0x0], $0xffff  }
0x133: {  	v3 =	vadd.s32 $0x200, v3;
	v11 =	vld.idx.msk [tilespmem:v1+s13+$0x0], $0xffff;
	[tilespmem:s3+$0x4050] =	vst v7  }
0x134: {  	[tilespmem:s2+$0x6860] =	vst v9;
	v7 =	vld.idx.msk [tilespmem:v13+s13+$0x0], $0xffff  }
0x135: {  	v9 =	vadd.s32 $0x80, v1;
	v8 =	vld.idx.msk [tilespmem:v8+s13+$0x0], $0xffff;
	[tilespmem:s9+$0x4010] =	vst v10  }
0x136: {  	v14 =	vadd.s32 $0x180, v2;
	v6 =	vld.idx.msk [tilespmem:v6+s13+$0x0], $0xffff  }
0x137: {  	[tilespmem:s7+$0x6820] =	vst v5;
	v15 =	vld.idx.msk [tilespmem:v12+s13+$0x0], $0xffff  }
0x138: {  	v5 =	vadd.s32 $0x80, v12;
	v10 =	vld.idx.msk [tilespmem:v3+s13+$0x0], $0xffff  }
0x139: {  	[tilespmem:s5+$0x2C40] =	vst v11;
	v11 =	vadd.s32 $0x180, v4;
	v3 =	vld [tilespmem:s3+$0x60]  }
0x13a: {  	v9 =	vld.idx.msk [tilespmem:v9+s13+$0x0], $0xffff;
	[tilespmem:s3+$0x5450] =	vst v7  }
0x13b: {  	[tilespmem:s2+$0x7C60] =	vst v8;
	v8 =	vadd.s32 $0x100, v1;
	v7 =	vld.idx.msk [tilespmem:v14+s13+$0x0], $0xffff  }
0x13c: {  	v2 =	vadd.s32 $0x200, v2;
	v27 =	vld.idx.msk [tilespmem:v0+s13+$0x0], $0xffff;
	[tilespmem:s30+$0x2C00] =	vst v15  }
0x13d: {  	[tilespmem:s9+$0x5410] =	vst v6;
	v6 =	vadd.s32 $0x80, v0;
	v5 =	vld.idx.msk [tilespmem:v5+s13+$0x0], $0xffff  }
0x13e: {  	v11 =	vld.idx.msk [tilespmem:v11+s13+$0x0], $0xffff;
	[tilespmem:s7+$0x7C20] =	vst v10;
	v10 =	vadd.s32 $0x100, v12  }
0x13f: {  	v28 =	vld.idx.msk [tilespmem:v26+s13+$0x0], $0xffff;
	[tilespmem:s5+$0x4040] =	vst v9  }
0x140: {  	v4 =	vadd.s32 $0x200, v4;
	v8 =	vld.idx.msk [tilespmem:v8+s13+$0x0], $0xffff;
	[tilespmem:s3+$0x6850] =	vst v7  }
0x141: {  	v7 =	vadd.s32 $0x80, v26;
	[tilespmem:s2+$0x2C70] =	vst v27;
	v9 =	vld.idx.msk [tilespmem:v2+s13+$0x0], $0xffff  }
0x142: {  	v29 =	vadd.s32 $0x180, v1;
	v2 =	vld.idx.msk [tilespmem:v6+s13+$0x0], $0xffff;
	[tilespmem:s30+$0x4000] =	vst v5  }
0x143: {  	v6 =	vld.idx.msk [tilespmem:v10+s13+$0x0], $0xffff  }
0x144: {  	[tilespmem:s9+$0x6810] =	vst v11;
	v11 =	vadd.s32 $0x180, v12;
	v5 =	vld [tilespmem:s9+$0x20]  }
0x145: {  	[tilespmem:s7+$0x2C30] =	vst v28;
	v10 =	vld.idx.msk [tilespmem:v4+s13+$0x0], $0xffff  }
0x146: {  	[tilespmem:s5+$0x5440] =	vst v8;
	v7 =	vld.idx.msk [tilespmem:v7+s13+$0x0], $0xffff  }
0x147: {  	v4 =	vld.idx.msk [tilespmem:v29+s13+$0x0], $0xffff;
	[tilespmem:s3+$0x7C50] =	vst v9  }
0x148: {  	[tilespmem:s30+$0x5400] =	vst v6  }
0x149: {  	v6 =	vld.idx.msk [tilespmem:v11+s13+$0x0], $0xffff;
	_ =	sdelay $0x1  }
0x14a: {  	v8 =	vadd.s32 $0x200, v12;
	_ =	sdelay $0x2  }
0x14b: {  	[tilespmem:s30+$0x6800] =	vst v6;
	v6 =	vld [tilespmem:s30+$0x10];
	_ =	sdelay $0x1  }
0x14c: {  	v8 =	vld.idx.msk [tilespmem:v8+s13+$0x0], $0xffff;
	_ =	sdelay $0x4  }
0x14d: {  	[tilespmem:s30+$0x7C00] =	vst v8  }
0x14e: {  	v8 =	vld.idx.msk [tilespmem:v6+s13+$0x0], $0xffff  }
0x14f: {  	v9 =	vadd.s32 $0x80, v6;
	_ =	sdelay $0x3  }
0x150: {  	[tilespmem:s30+$0x2C10] =	vst v8  }
0x151: {  	v8 =	vld.idx.msk [tilespmem:v9+s13+$0x0], $0xffff  }
0x152: {  	v9 =	vadd.s32 $0x100, v6;
	_ =	sdelay $0x3  }
0x153: {  	[tilespmem:s30+$0x4010] =	vst v8  }
0x154: {  	v8 =	vld.idx.msk [tilespmem:v9+s13+$0x0], $0xffff  }
0x155: {  	v9 =	vadd.s32 $0x180, v6;
	_ =	sdelay $0x3  }
0x156: {  	[tilespmem:s30+$0x5410] =	vst v8  }
0x157: {  	v8 =	vld.idx.msk [tilespmem:v9+s13+$0x0], $0xffff  }
0x158: {  	v6 =	vadd.s32 $0x200, v6;
	_ =	sdelay $0x2  }
0x159: {  	v9 =	vld [tilespmem:s30+$0x20]  }
0x15a: {  	[tilespmem:s30+$0x6810] =	vst v8  }
0x15b: {  	v6 =	vld.idx.msk [tilespmem:v6+s13+$0x0], $0xffff;
	_ =	sdelay $0x3  }
0x15c: {  	[tilespmem:s9+$0x7C10] =	vst v10  }
0x15d: {  	v8 =	vld.idx.msk [tilespmem:v5+s13+$0x0], $0xffff;
	[tilespmem:s30+$0x7C10] =	vst v6  }
0x15e: {  	v6 =	vadd.s32 $0x80, v5;
	v10 =	vld.idx.msk [tilespmem:v9+s13+$0x0], $0xffff  }
0x15f: {  	v11 =	vadd.s32 $0x80, v9;
	_ =	sdelay $0x2  }
0x160: {  	[tilespmem:s9+$0x2C20] =	vst v8  }
0x161: {  	v6 =	vld.idx.msk [tilespmem:v6+s13+$0x0], $0xffff;
	[tilespmem:s30+$0x2C20] =	vst v10  }
0x162: {  	v8 =	vadd.s32 $0x100, v5;
	v10 =	vld.idx.msk [tilespmem:v11+s13+$0x0], $0xffff  }
0x163: {  	v11 =	vadd.s32 $0x100, v9;
	_ =	sdelay $0x2  }
0x164: {  	[tilespmem:s9+$0x4020] =	vst v6  }
0x165: {  	v6 =	vld.idx.msk [tilespmem:v8+s13+$0x0], $0xffff;
	[tilespmem:s30+$0x4020] =	vst v10  }
0x166: {  	v8 =	vadd.s32 $0x180, v5;
	v10 =	vld.idx.msk [tilespmem:v11+s13+$0x0], $0xffff  }
0x167: {  	v11 =	vadd.s32 $0x180, v9;
	_ =	sdelay $0x2  }
0x168: {  	[tilespmem:s9+$0x5420] =	vst v6  }
0x169: {  	v6 =	vld.idx.msk [tilespmem:v8+s13+$0x0], $0xffff;
	[tilespmem:s30+$0x5420] =	vst v10  }
0x16a: {  	v5 =	vadd.s32 $0x200, v5;
	v8 =	vld.idx.msk [tilespmem:v11+s13+$0x0], $0xffff  }
0x16b: {  	v9 =	vadd.s32 $0x200, v9;
	_ =	sdelay $0x1  }
0x16c: {  	v10 =	vld [tilespmem:s9+$0x30]  }
0x16d: {  	[tilespmem:s9+$0x6820] =	vst v6;
	v6 =	vld [tilespmem:s30+$0x30]  }
0x16e: {  	v5 =	vld.idx.msk [tilespmem:v5+s13+$0x0], $0xffff;
	[tilespmem:s30+$0x6820] =	vst v8  }
0x16f: {  	v8 =	vld.idx.msk [tilespmem:v9+s13+$0x0], $0xffff;
	_ =	sdelay $0x3  }
0x170: {  	[tilespmem:s9+$0x7C20] =	vst v5  }
0x171: {  	v5 =	vld.idx.msk [tilespmem:v10+s13+$0x0], $0xffff;
	[tilespmem:s30+$0x7C20] =	vst v8  }
0x172: {  	v8 =	vadd.s32 $0x80, v10;
	v9 =	vld.idx.msk [tilespmem:v6+s13+$0x0], $0xffff  }
0x173: {  	v11 =	vadd.s32 $0x80, v6;
	_ =	sdelay $0x1  }
0x174: {  	v30 =	vadd.s32 $0x100, v26  }
0x175: {  	[tilespmem:s9+$0x2C30] =	vst v5  }
0x176: {  	v5 =	vld.idx.msk [tilespmem:v8+s13+$0x0], $0xffff;
	[tilespmem:s30+$0x2C30] =	vst v9  }
0x177: {  	v8 =	vadd.s32 $0x100, v10;
	v9 =	vld.idx.msk [tilespmem:v11+s13+$0x0], $0xffff  }
0x178: {  	[tilespmem:s7+$0x4030] =	vst v7;
	v7 =	vadd.s32 $0x100, v6  }
0x179: {  	v11 =	vld.idx.msk [tilespmem:v30+s13+$0x0], $0xffff  }
0x17a: {  	v31 =	vadd.s32 $0x180, v26  }
0x17b: {  	[tilespmem:s9+$0x4030] =	vst v5  }
0x17c: {  	v5 =	vld.idx.msk [tilespmem:v8+s13+$0x0], $0xffff;
	[tilespmem:s30+$0x4030] =	vst v9  }
0x17d: {  	v8 =	vadd.s32 $0x180, v10;
	v7 =	vld.idx.msk [tilespmem:v7+s13+$0x0], $0xffff  }
0x17e: {  	[tilespmem:s7+$0x5430] =	vst v11;
	v9 =	vadd.s32 $0x180, v6  }
0x17f: {  	v11 =	vld.idx.msk [tilespmem:v31+s13+$0x0], $0xffff  }
0x180: {  	v32 =	vadd.s32 $0x200, v26  }
0x181: {  	v33 =	vld [tilespmem:s7+$0x40];
	[tilespmem:s9+$0x5430] =	vst v5  }
0x182: {  	v5 =	vld.idx.msk [tilespmem:v8+s13+$0x0], $0xffff;
	[tilespmem:s30+$0x5430] =	vst v7  }
0x183: {  	v7 =	vadd.s32 $0x200, v10;
	v8 =	vld.idx.msk [tilespmem:v9+s13+$0x0], $0xffff  }
0x184: {  	v6 =	vadd.s32 $0x200, v6;
	[tilespmem:s7+$0x6830] =	vst v11  }
0x185: {  	v9 =	vld.idx.msk [tilespmem:v32+s13+$0x0], $0xffff  }
0x186: {  	v10 =	vld [tilespmem:s9+$0x40]  }
0x187: {  	[tilespmem:s9+$0x6830] =	vst v5;
	v5 =	vld [tilespmem:s30+$0x40]  }
0x188: {  	v7 =	vld.idx.msk [tilespmem:v7+s13+$0x0], $0xffff;
	[tilespmem:s30+$0x6830] =	vst v8  }
0x189: {  	v6 =	vld.idx.msk [tilespmem:v6+s13+$0x0], $0xffff  }
0x18a: {  	[tilespmem:s7+$0x7C30] =	vst v9  }
0x18b: {  	v8 =	vld.idx.msk [tilespmem:v33+s13+$0x0], $0xffff  }
0x18c: {  	v9 =	vadd.s32 $0x80, v33  }
0x18d: {  	[tilespmem:s9+$0x7C30] =	vst v7  }
0x18e: {  	v7 =	vld.idx.msk [tilespmem:v10+s13+$0x0], $0xffff;
	[tilespmem:s30+$0x7C30] =	vst v6  }
0x18f: {  	v6 =	vadd.s32 $0x80, v10;
	v11 =	vld.idx.msk [tilespmem:v5+s13+$0x0], $0xffff  }
0x190: {  	[tilespmem:s7+$0x2C40] =	vst v8;
	v8 =	vadd.s32 $0x80, v5  }
0x191: {  	v9 =	vld.idx.msk [tilespmem:v9+s13+$0x0], $0xffff  }
0x192: {  	v34 =	vadd.s32 $0x100, v33  }
0x193: {  	[tilespmem:s9+$0x2C40] =	vst v7  }
0x194: {  	v6 =	vld.idx.msk [tilespmem:v6+s13+$0x0], $0xffff;
	[tilespmem:s30+$0x2C40] =	vst v11  }
0x195: {  	v7 =	vadd.s32 $0x100, v10;
	v8 =	vld.idx.msk [tilespmem:v8+s13+$0x0], $0xffff  }
0x196: {  	[tilespmem:s7+$0x4040] =	vst v9;
	v9 =	vadd.s32 $0x100, v5  }
0x197: {  	v11 =	vld.idx.msk [tilespmem:v34+s13+$0x0], $0xffff  }
0x198: {  	v35 =	vadd.s32 $0x180, v33  }
0x199: {  	[tilespmem:s9+$0x4040] =	vst v6  }
0x19a: {  	v6 =	vld.idx.msk [tilespmem:v7+s13+$0x0], $0xffff;
	[tilespmem:s30+$0x4040] =	vst v8  }
0x19b: {  	v7 =	vadd.s32 $0x180, v10;
	v8 =	vld.idx.msk [tilespmem:v9+s13+$0x0], $0xffff  }
0x19c: {  	[tilespmem:s7+$0x5440] =	vst v11;
	v9 =	vadd.s32 $0x180, v5  }
0x19d: {  	v1 =	vadd.s32 $0x200, v1;
	v11 =	vld.idx.msk [tilespmem:v35+s13+$0x0], $0xffff  }
0x19e: {  	v36 =	vld [tilespmem:s5+$0x50];
	v13 =	vadd.s32 $0x200, v33  }
0x19f: {  	v37 =	vld [tilespmem:s7+$0x50];
	[tilespmem:s9+$0x5440] =	vst v6  }
0x1a0: {  	v6 =	vld.idx.msk [tilespmem:v7+s13+$0x0], $0xffff;
	[tilespmem:s30+$0x5440] =	vst v8  }
0x1a1: {  	[tilespmem:s5+$0x6840] =	vst v4;
	v4 =	vadd.s32 $0x200, v10;
	v7 =	vld.idx.msk [tilespmem:v9+s13+$0x0], $0xffff  }
0x1a2: {  	v1 =	vld.idx.msk [tilespmem:v1+s13+$0x0], $0xffff;
	v5 =	vadd.s32 $0x200, v5;
	[tilespmem:s7+$0x6840] =	vst v11  }
0x1a3: {  	v8 =	vld.idx.msk [tilespmem:v13+s13+$0x0], $0xffff  }
0x1a4: {  	v9 =	vld [tilespmem:s9+$0x50]  }
0x1a5: {  	[tilespmem:s9+$0x6840] =	vst v6;
	v6 =	vld [tilespmem:s30+$0x50]  }
0x1a6: {  	v4 =	vld.idx.msk [tilespmem:v4+s13+$0x0], $0xffff;
	[tilespmem:s30+$0x6840] =	vst v7  }
0x1a7: {  	[tilespmem:s5+$0x7C40] =	vst v1;
	v1 =	vld.idx.msk [tilespmem:v5+s13+$0x0], $0xffff  }
0x1a8: {  	[tilespmem:s7+$0x7C40] =	vst v8;
	v5 =	vld.idx.msk [tilespmem:v36+s13+$0x0], $0xffff  }
0x1a9: {  	v7 =	vadd.s32 $0x80, v36;
	v8 =	vld.idx.msk [tilespmem:v37+s13+$0x0], $0xffff  }
0x1aa: {  	v10 =	vadd.s32 $0x80, v37  }
0x1ab: {  	[tilespmem:s9+$0x7C40] =	vst v4  }
0x1ac: {  	v4 =	vld.idx.msk [tilespmem:v9+s13+$0x0], $0xffff;
	[tilespmem:s30+$0x7C40] =	vst v1  }
0x1ad: {  	[tilespmem:s5+$0x2C50] =	vst v5;
	v1 =	vadd.s32 $0x80, v9;
	v5 =	vld.idx.msk [tilespmem:v6+s13+$0x0], $0xffff  }
0x1ae: {  	[tilespmem:s7+$0x2C50] =	vst v8;
	v8 =	vadd.s32 $0x80, v6;
	v7 =	vld.idx.msk [tilespmem:v7+s13+$0x0], $0xffff  }
0x1af: {  	v11 =	vadd.s32 $0x100, v36;
	v10 =	vld.idx.msk [tilespmem:v10+s13+$0x0], $0xffff  }
0x1b0: {  	v38 =	vadd.s32 $0x100, v37  }
0x1b1: {  	[tilespmem:s9+$0x2C50] =	vst v4  }
0x1b2: {  	v1 =	vld.idx.msk [tilespmem:v1+s13+$0x0], $0xffff;
	[tilespmem:s30+$0x2C50] =	vst v5  }
0x1b3: {  	[tilespmem:s5+$0x4050] =	vst v7;
	v5 =	vadd.s32 $0x100, v9;
	v7 =	vld.idx.msk [tilespmem:v8+s13+$0x0], $0xffff  }
0x1b4: {  	[tilespmem:s7+$0x4050] =	vst v10;
	v10 =	vadd.s32 $0x100, v6;
	v8 =	vld.idx.msk [tilespmem:v11+s13+$0x0], $0xffff  }
0x1b5: {  	v11 =	vadd.s32 $0x180, v36;
	v13 =	vld.idx.msk [tilespmem:v38+s13+$0x0], $0xffff  }
0x1b6: {  	v39 =	vld.idx.msk [tilespmem:v3+s13+$0x0], $0xffff;
	v40 =	vadd.s32 $0x180, v37  }
0x1b7: {  	v42 =	vld [tilespmem:s5+$0x60];
	[tilespmem:s9+$0x4050] =	vst v1  }
0x1b8: {  	v4 =	vadd.s32 $0x80, v3;
	v1 =	vld.idx.msk [tilespmem:v5+s13+$0x0], $0xffff;
	[tilespmem:s30+$0x4050] =	vst v7  }
0x1b9: {  	v5 =	vadd.s32 $0x180, v9;
	[tilespmem:s5+$0x5450] =	vst v8;
	v7 =	vld.idx.msk [tilespmem:v10+s13+$0x0], $0xffff  }
0x1ba: {  	[tilespmem:s7+$0x5450] =	vst v13;
	v8 =	vld.idx.msk [tilespmem:v11+s13+$0x0], $0xffff;
	v10 =	vadd.s32 $0x180, v6  }
0x1bb: {  	v11 =	vadd.s32 $0x200, v36;
	v41 =	vld.idx.msk [tilespmem:v40+s13+$0x0], $0xffff  }
0x1bc: {  	v43 =	vld [tilespmem:s7+$0x60];
	[tilespmem:s3+$0x2C60] =	vst v39;
	v14 =	vadd.s32 $0x200, v37  }
0x1bd: {  	v4 =	vld.idx.msk [tilespmem:v4+s13+$0x0], $0xffff;
	[tilespmem:s9+$0x5450] =	vst v1  }
0x1be: {  	v1 =	vld.idx.msk [tilespmem:v5+s13+$0x0], $0xffff;
	[tilespmem:s30+$0x5450] =	vst v7  }
0x1bf: {  	v5 =	vadd.s32 $0x200, v9;
	[tilespmem:s5+$0x6850] =	vst v8;
	v7 =	vld.idx.msk [tilespmem:v10+s13+$0x0], $0xffff  }
0x1c0: {  	v6 =	vadd.s32 $0x200, v6;
	[tilespmem:s7+$0x6850] =	vst v41;
	v8 =	vld.idx.msk [tilespmem:v11+s13+$0x0], $0xffff  }
0x1c1: {  	v9 =	vld.idx.msk [tilespmem:v14+s13+$0x0], $0xffff  }
0x1c2: {  	v10 =	vld [tilespmem:s9+$0x60]  }
0x1c3: {  	v11 =	vadd.s32 $0x100, v3;
	[tilespmem:s9+$0x6850] =	vst v1;
	v1 =	vld [tilespmem:s30+$0x60]  }
0x1c4: {  	v5 =	vld.idx.msk [tilespmem:v5+s13+$0x0], $0xffff;
	[tilespmem:s30+$0x6850] =	vst v7  }
0x1c5: {  	[tilespmem:s5+$0x7C50] =	vst v8;
	v6 =	vld.idx.msk [tilespmem:v6+s13+$0x0], $0xffff  }
0x1c6: {  	[tilespmem:s7+$0x7C50] =	vst v9;
	v7 =	vld.idx.msk [tilespmem:v42+s13+$0x0], $0xffff  }
0x1c7: {  	[tilespmem:s3+$0x4060] =	vst v4;
	v4 =	vadd.s32 $0x80, v42;
	v8 =	vld.idx.msk [tilespmem:v43+s13+$0x0], $0xffff  }
0x1c8: {  	v9 =	vld.idx.msk [tilespmem:v11+s13+$0x0], $0xffff  }
0x1c9: {  	v11 =	vadd.s32 $0x80, v43;
	[tilespmem:s9+$0x7C50] =	vst v5  }
0x1ca: {  	v5 =	vld.idx.msk [tilespmem:v10+s13+$0x0], $0xffff;
	[tilespmem:s30+$0x7C50] =	vst v6  }
0x1cb: {  	[tilespmem:s5+$0x2C60] =	vst v7;
	v6 =	vadd.s32 $0x80, v10;
	v7 =	vld.idx.msk [tilespmem:v1+s13+$0x0], $0xffff  }
0x1cc: {  	[tilespmem:s7+$0x2C60] =	vst v8;
	v8 =	vadd.s32 $0x80, v1;
	v4 =	vld.idx.msk [tilespmem:v4+s13+$0x0], $0xffff  }
0x1cd: {  	[tilespmem:s3+$0x5460] =	vst v9;
	v9 =	vadd.s32 $0x100, v42  }
0x1ce: {  	v11 =	vld.idx.msk [tilespmem:v11+s13+$0x0], $0xffff  }
0x1cf: {  	v47 =	vld [tilespmem:s5+$0x70];
	v45 =	vadd.s32 $0x100, v43;
	[tilespmem:s9+$0x2C60] =	vst v5  }
0x1d0: {  	v44 =	vadd.s32 $0x180, v3;
	v6 =	vld.idx.msk [tilespmem:v6+s13+$0x0], $0xffff;
	[tilespmem:s30+$0x2C60] =	vst v7  }
0x1d1: {  	[tilespmem:s5+$0x4060] =	vst v4;
	v4 =	vadd.s32 $0x100, v10;
	v7 =	vld.idx.msk [tilespmem:v8+s13+$0x0], $0xffff  }
0x1d2: {  	v8 =	vld.idx.msk [tilespmem:v9+s13+$0x0], $0xffff;
	v9 =	vadd.s32 $0x100, v1  }
0x1d3: {  	v49 =	vld [tilespmem:s7+$0x70];
	[tilespmem:s7+$0x4060] =	vst v11  }
0x1d4: {  	v11 =	vadd.s32 $0x180, v42;
	v14 =	vld.idx.msk [tilespmem:v45+s13+$0x0], $0xffff  }
0x1d5: {  	v46 =	vadd.s32 $0x180, v43;
	v12 =	vld.idx.msk [tilespmem:v44+s13+$0x0], $0xffff;
	[tilespmem:s9+$0x4060] =	vst v6  }
0x1d6: {  	v3 =	vadd.s32 $0x200, v3;
	v4 =	vld.idx.msk [tilespmem:v4+s13+$0x0], $0xffff;
	[tilespmem:s30+$0x4060] =	vst v7  }
0x1d7: {  	v6 =	vadd.s32 $0x180, v10;
	v7 =	vld.idx.msk [tilespmem:v9+s13+$0x0], $0xffff  }
0x1d8: {  	v5 =	vld [tilespmem:s3+$0x70];
	[tilespmem:s5+$0x5460] =	vst v8;
	v9 =	vadd.s32 $0x180, v1  }
0x1d9: {  	[tilespmem:s7+$0x5460] =	vst v14;
	v8 =	vld.idx.msk [tilespmem:v11+s13+$0x0], $0xffff  }
0x1da: {  	[tilespmem:s3+$0x6860] =	vst v12;
	v11 =	vadd.s32 $0x200, v42;
	v12 =	vld.idx.msk [tilespmem:v46+s13+$0x0], $0xffff  }
0x1db: {  	v48 =	vadd.s32 $0x200, v43;
	v3 =	vld.idx.msk [tilespmem:v3+s13+$0x0], $0xffff;
	[tilespmem:s9+$0x5460] =	vst v4  }
0x1dc: {  	v4 =	vld.idx.msk [tilespmem:v6+s13+$0x0], $0xffff;
	[tilespmem:s30+$0x5460] =	vst v7  }
0x1dd: {  	v6 =	vadd.s32 $0x200, v10;
	v7 =	vld.idx.msk [tilespmem:v9+s13+$0x0], $0xffff  }
0x1de: {  	v1 =	vadd.s32 $0x200, v1;
	v10 =	vld [tilespmem:s9+$0x70];
	[tilespmem:s5+$0x6860] =	vst v8  }
0x1df: {  	[tilespmem:s7+$0x6860] =	vst v12;
	v8 =	vld.idx.msk [tilespmem:v11+s13+$0x0], $0xffff  }
0x1e0: {  	v9 =	vld.idx.msk [tilespmem:v48+s13+$0x0], $0xffff  }
0x1e1: {  	[tilespmem:s9+$0x6860] =	vst v4;
	v4 =	vld [tilespmem:s30+$0x70]  }
0x1e2: {  	v6 =	vld.idx.msk [tilespmem:v6+s13+$0x0], $0xffff;
	[tilespmem:s30+$0x6860] =	vst v7  }
0x1e3: {  	v1 =	vld.idx.msk [tilespmem:v1+s13+$0x0], $0xffff  }
0x1e4: {  	[tilespmem:s3+$0x7C60] =	vst v3  }
0x1e5: {  	v3 =	vld.idx.msk [tilespmem:v5+s13+$0x0], $0xffff;
	[tilespmem:s5+$0x7C60] =	vst v8  }
0x1e6: {  	v7 =	vadd.s32 $0x80, v5;
	[tilespmem:s7+$0x7C60] =	vst v9;
	v8 =	vld.idx.msk [tilespmem:v47+s13+$0x0], $0xffff  }
0x1e7: {  	v9 =	vadd.s32 $0x80, v47;
	v11 =	vld.idx.msk [tilespmem:v49+s13+$0x0], $0xffff;
	[tilespmem:s9+$0x7C60] =	vst v6  }
0x1e8: {  	v6 =	vadd.s32 $0x80, v49;
	v50 =	vld.idx.msk [tilespmem:v10+s13+$0x0], $0xffff;
	[tilespmem:s30+$0x7C60] =	vst v1  }
0x1e9: {  	v1 =	vadd.s32 $0x80, v10;
	v51 =	vld.idx.msk [tilespmem:v4+s13+$0x0], $0xffff  }
0x1ea: {  	[tilespmem:s3+$0x2C70] =	vst v3;
	v3 =	vadd.s32 $0x80, v4  }
0x1eb: {  	v7 =	vld.idx.msk [tilespmem:v7+s13+$0x0], $0xffff;
	[tilespmem:s5+$0x2C70] =	vst v8;
	v8 =	vadd.s32 $0x100, v0  }
0x1ec: {  	[tilespmem:s7+$0x2C70] =	vst v11;
	v11 =	vadd.s32 $0x100, v5;
	v9 =	vld.idx.msk [tilespmem:v9+s13+$0x0], $0xffff  }
0x1ed: {  	v52 =	vadd.s32 $0x100, v47;
	v6 =	vld.idx.msk [tilespmem:v6+s13+$0x0], $0xffff;
	[tilespmem:s9+$0x2C70] =	vst v50  }
0x1ee: {  	v53 =	vadd.s32 $0x100, v49;
	v1 =	vld.idx.msk [tilespmem:v1+s13+$0x0], $0xffff;
	[tilespmem:s30+$0x2C70] =	vst v51  }
0x1ef: {  	[tilespmem:s2+$0x4070] =	vst v2;
	v2 =	vadd.s32 $0x100, v10;
	v3 =	vld.idx.msk [tilespmem:v3+s13+$0x0], $0xffff  }
0x1f0: {  	[tilespmem:s3+$0x4070] =	vst v7;
	v7 =	vadd.s32 $0x100, v4;
	v8 =	vld.idx.msk [tilespmem:v8+s13+$0x0], $0xffff  }
0x1f1: {  	v11 =	vld.idx.msk [tilespmem:v11+s13+$0x0], $0xffff;
	[tilespmem:s5+$0x4070] =	vst v9;
	v9 =	vadd.s32 $0x180, v0  }
0x1f2: {  	v12 =	vld.idx.msk [tilespmem:v52+s13+$0x0], $0xffff;
	[tilespmem:s7+$0x4070] =	vst v6;
	v6 =	vadd.s32 $0x180, v5  }
0x1f3: {  	v14 =	vld.idx.msk [tilespmem:v53+s13+$0x0], $0xffff;
	[tilespmem:s9+$0x4070] =	vst v1;
	v1 =	vadd.s32 $0x180, v47  }
0x1f4: {  	v2 =	vld.idx.msk [tilespmem:v2+s13+$0x0], $0xffff;
	[tilespmem:s30+$0x4070] =	vst v3;
	v3 =	vadd.s32 $0x180, v49  }
0x1f5: {  	[tilespmem:s2+$0x5470] =	vst v8;
	v8 =	vadd.s32 $0x180, v10;
	v7 =	vld.idx.msk [tilespmem:v7+s13+$0x0], $0xffff  }
0x1f6: {  	[tilespmem:s3+$0x5470] =	vst v11;
	v11 =	vadd.s32 $0x180, v4;
	v9 =	vld.idx.msk [tilespmem:v9+s13+$0x0], $0xffff  }
0x1f7: {  	v0 =	vadd.s32 $0x200, v0;
	[tilespmem:s5+$0x5470] =	vst v12;
	v6 =	vld.idx.msk [tilespmem:v6+s13+$0x0], $0xffff  }
0x1f8: {  	v5 =	vadd.s32 $0x200, v5;
	[tilespmem:s7+$0x5470] =	vst v14;
	v1 =	vld.idx.msk [tilespmem:v1+s13+$0x0], $0xffff  }
0x1f9: {  	v54 =	vadd.s32 $0x200, v47;
	[tilespmem:s9+$0x5470] =	vst v2;
	v3 =	vld.idx.msk [tilespmem:v3+s13+$0x0], $0xffff  }
0x1fa: {  	v2 =	vadd.s32 $0x200, v49;
	v8 =	vld.idx.msk [tilespmem:v8+s13+$0x0], $0xffff;
	[tilespmem:s30+$0x5470] =	vst v7  }
0x1fb: {  	[tilespmem:s2+$0x6870] =	vst v9;
	v7 =	vadd.s32 $0x200, v10;
	v9 =	vld.idx.msk [tilespmem:v11+s13+$0x0], $0xffff  }
0x1fc: {  	v4 =	vadd.s32 $0x200, v4;
	v0 =	vld.idx.msk [tilespmem:v0+s13+$0x0], $0xffff;
	[tilespmem:s3+$0x6870] =	vst v6  }
0x1fd: {  	v5 =	vld.idx.msk [tilespmem:v5+s13+$0x0], $0xffff;
	[tilespmem:s5+$0x6870] =	vst v1  }
0x1fe: {  	v1 =	vld.idx.msk [tilespmem:v54+s13+$0x0], $0xffff;
	[tilespmem:s7+$0x6870] =	vst v3  }
0x1ff: {  	[tilespmem:s9+$0x6870] =	vst v8;
	v2 =	vld.idx.msk [tilespmem:v2+s13+$0x0], $0xffff  }
0x200: {  	v3 =	vld.idx.msk [tilespmem:v7+s13+$0x0], $0xffff;
	[tilespmem:s30+$0x6870] =	vst v9  }
0x201: {  	[tilespmem:s2+$0x7C70] =	vst v0;
	v0 =	vld.idx.msk [tilespmem:v4+s13+$0x0], $0xffff  }
0x202: {  	[tilespmem:s3+$0x7C70] =	vst v5;
	s3 =	sadd.s32 s6, s8;
	s6 =	smul.u32 $0xA0000, s14  }
0x203: {  	s2 =	sshll.u32 s3, $0xA;
	[tilespmem:s5+$0x7C70] =	vst v1  }
0x204: {  	s2 =	sadd.s32 s6, s2;
	[tilespmem:s7+$0x7C70] =	vst v2  }
0x205: {  	s2 =	sshrl.u32 s2, $0x3;
	[tilespmem:s9+$0x7C70] =	vst v3  }
0x206: {  	p1 =	seq.s32 s31, $0x9;
	s2 =	sadd.s32 s4, s2;
	[tilespmem:s30+$0x7C70] =	vst v0  }
0x207: {  	[hbm4b:s2+s10] =	stream.strided.scatter [tilespmem:s16], [sflag:$0x3], $0x1400, s11, s10, $0x38;
	[tilespmem:$0xF400] =	vst v63  }
0x208: {  	s3 =	sadd.s32 @!p1 $0x2, s0;
	s7 =	sadd.s32 $0x64000, s2  }
0x209: {  	[hbm4b:s7+s10] =	stream.strided.scatter [tilespmem:s17], [sflag:$0x3], $0x1400, s11, s10, $0x38;
	[tilespmem:$0xF400] =	vst v63  }
0x20a: {  	s6 =	smulhi.u32 @!p1 $0x66666667, s3;
	s9 =	sadd.s32 $0xC8000, s2  }
0x20b: {  	[hbm4b:s9+s10] =	stream.strided.scatter [tilespmem:s18], [sflag:$0x3], $0x1400, s11, s10, $0x38;
	[tilespmem:$0xF400] =	vst v63  }
0x20c: {  	s5 =	sshrl.u32 @!p1 s6, $0x1;
	s14 =	sadd.s32 $0x12C000, s2  }
0x20d: {  	[hbm4b:s14+s10] =	stream.strided.scatter [tilespmem:s19], [sflag:$0x3], $0x1400, s11, s10, $0x38;
	[tilespmem:$0xF400] =	vst v63  }
0x20e: {  	s6 =	smul.u32 @!p1 $0x5, s5;
	s2 =	sadd.s32 $0x190000, s2  }
0x20f: {  	[hbm4b:s2+s10] =	stream.strided.scatter [tilespmem:s20], [sflag:$0x3], $0x1400, s11, s10, $0x38;
	[tilespmem:$0xF400] =	vst v63  }
0x210: {  	s2 =	ssub.s32 @!p1 s3, s6  }
0x211: {  	s3 =	sadd.s32 @!p1 s8, s5;
	s2 =	smul.u32 @!p1 $0xA0000, s2  }
0x212: {  	s3 =	sshll.u32 @!p1 s3, $0xA  }
0x213: {  	s2 =	sadd.s32 @!p1 s2, s3  }
0x214: {  	s5 =	simm.s32 @!p1 $0x20000;
	s2 =	sshrl.u32 @!p1 s2, $0x3  }
0x215: {  	s6 =	simm.s32 @!p1 $0x0;
	s3 =	simm.s32 @!p1 $0x400;
	s2 =	sadd.s32 @!p1 s1, s2  }
0x216: {  	[tilespmem:s6], [sflag:$0x1] =	stream.strided.gather @!p1 [hbm4b:s2+s3], $0x1400, s5, s3, $0x38;
	[tilespmem:$0xF400] =	vst v63  }
0x217: {  	_ =	swait.ge [sflag:s21], $0x1400  }
0x218: {  	[sflag:s21] =	ssyncset.done $0x0  }
0x219: {  	s2 =	simm.s32 @!p0 $0x4;
	[sflag:s21] =	ssyncadd.s32 $0xFFFFEC00  }
0x21a: {  	_ =	swait.ge @!p0 [sflag:s2], $0x1400  }
0x21b: {  	[sflag:s2] =	ssyncset.done @!p0 $0x0  }
0x21c: {  	[sflag:s2] =	ssyncadd.s32 @!p0 $0xFFFFEC00  }
0x21d: {  	_ =	swait.ge @!p0 [sflag:s2], $0x1400  }
0x21e: {  	[sflag:s2] =	ssyncset.done @!p0 $0x0  }
0x21f: {  	[sflag:s2] =	ssyncadd.s32 @!p0 $0xFFFFEC00  }
0x220: {  	_ =	swait.ge @!p0 [sflag:s2], $0x1400  }
0x221: {  	[sflag:s2] =	ssyncset.done @!p0 $0x0  }
0x222: {  	[sflag:s2] =	ssyncadd.s32 @!p0 $0xFFFFEC00  }
0x223: {  	_ =	swait.ge @!p0 [sflag:s2], $0x1400  }
0x224: {  	[sflag:s2] =	ssyncset.done @!p0 $0x0  }
0x225: {  	[sflag:s2] =	ssyncadd.s32 @!p0 $0xFFFFEC00  }
0x226: {  	_ =	swait.ge @!p0 [sflag:s2], $0x1400  }
0x227: {  	[sflag:s2] =	ssyncset.done @!p0 $0x0  }
0x228: {  	[sflag:s2] =	ssyncadd.s32 @!p0 $0xFFFFEC00;
	s2 =	simm.s32 $0x0  }
0x229: {  	v0 =	vld [tilespmem:s2+$0x1400];
	_ =	sdelay $0x7  }
0x22a: {  	v1 =	vld.idx.msk [tilespmem:v0+s13+$0x0], $0xffff  }
0x22b: {  	v2 =	vadd.s32 $0x80, v0;
	_ =	sdelay $0x3  }
0x22c: {  	[tilespmem:s2+$0x9000] =	vst v1  }
0x22d: {  	v1 =	vld.idx.msk [tilespmem:v2+s13+$0x0], $0xffff  }
0x22e: {  	v2 =	vadd.s32 $0x100, v0;
	_ =	sdelay $0x3  }
0x22f: {  	[tilespmem:s2+$0xA400] =	vst v1  }
0x230: {  	v1 =	vld.idx.msk [tilespmem:v2+s13+$0x0], $0xffff  }
0x231: {  	v2 =	vadd.s32 $0x180, v0;
	_ =	sdelay $0x3  }
0x232: {  	[tilespmem:s2+$0xB800] =	vst v1  }
0x233: {  	v1 =	vld.idx.msk [tilespmem:v2+s13+$0x0], $0xffff;
	_ =	sdelay $0x1  }
0x234: {  	v0 =	vadd.s32 $0x200, v0;
	_ =	sdelay $0x2  }
0x235: {  	[tilespmem:s2+$0xCC00] =	vst v1;
	v1 =	vld [tilespmem:s2+$0x1410];
	_ =	sdelay $0x1  }
0x236: {  	v0 =	vld.idx.msk [tilespmem:v0+s13+$0x0], $0xffff;
	_ =	sdelay $0x4  }
0x237: {  	[tilespmem:s2+$0xE000] =	vst v0  }
0x238: {  	s3 =	simm.s32 $0x80;
	v0 =	vld.idx.msk [tilespmem:v1+s13+$0x0], $0xffff  }
0x239: {  	v2 =	vld [tilespmem:s3+$0x1400];
	v3 =	vadd.s32 $0x80, v1;
	_ =	sdelay $0x3  }
0x23a: {  	[tilespmem:s2+$0x9010] =	vst v0  }
0x23b: {  	v0 =	vld.idx.msk [tilespmem:v3+s13+$0x0], $0xffff  }
0x23c: {  	v3 =	vadd.s32 $0x100, v1;
	_ =	sdelay $0x1  }
0x23d: {  	v4 =	vld.idx.msk [tilespmem:v2+s13+$0x0], $0xffff  }
0x23e: {  	v5 =	vadd.s32 $0x80, v2  }
0x23f: {  	[tilespmem:s2+$0xA410] =	vst v0  }
0x240: {  	v0 =	vld.idx.msk [tilespmem:v3+s13+$0x0], $0xffff  }
0x241: {  	v3 =	vadd.s32 $0x180, v1  }
0x242: {  	[tilespmem:s3+$0x9000] =	vst v4  }
0x243: {  	v4 =	vld.idx.msk [tilespmem:v5+s13+$0x0], $0xffff  }
0x244: {  	v5 =	vadd.s32 $0x100, v2  }
0x245: {  	[tilespmem:s2+$0xB810] =	vst v0  }
0x246: {  	v0 =	vld.idx.msk [tilespmem:v3+s13+$0x0], $0xffff  }
0x247: {  	v1 =	vadd.s32 $0x200, v1  }
0x248: {  	[tilespmem:s3+$0xA400] =	vst v4  }
0x249: {  	v3 =	vld.idx.msk [tilespmem:v5+s13+$0x0], $0xffff  }
0x24a: {  	v4 =	vadd.s32 $0x180, v2;
	v5 =	vld [tilespmem:s2+$0x1420]  }
0x24b: {  	[tilespmem:s2+$0xCC10] =	vst v0  }
0x24c: {  	v0 =	vld.idx.msk [tilespmem:v1+s13+$0x0], $0xffff;
	_ =	sdelay $0x1  }
0x24d: {  	[tilespmem:s3+$0xB800] =	vst v3  }
0x24e: {  	v1 =	vld.idx.msk [tilespmem:v4+s13+$0x0], $0xffff;
	_ =	sdelay $0x1  }
0x24f: {  	[tilespmem:s2+$0xE010] =	vst v0;
	v0 =	vadd.s32 $0x200, v2  }
0x250: {  	v2 =	vld.idx.msk [tilespmem:v5+s13+$0x0], $0xffff  }
0x251: {  	v3 =	vadd.s32 $0x80, v5  }
0x252: {  	[tilespmem:s3+$0xCC00] =	vst v1;
	v1 =	vld [tilespmem:s3+$0x1410];
	_ =	sdelay $0x1  }
0x253: {  	v0 =	vld.idx.msk [tilespmem:v0+s13+$0x0], $0xffff  }
0x254: {  	[tilespmem:s2+$0x9020] =	vst v2  }
0x255: {  	v2 =	vld.idx.msk [tilespmem:v3+s13+$0x0], $0xffff  }
0x256: {  	v3 =	vadd.s32 $0x100, v5;
	_ =	sdelay $0x1  }
0x257: {  	[tilespmem:s3+$0xE000] =	vst v0  }
0x258: {  	s5 =	simm.s32 $0x100;
	v0 =	vld.idx.msk [tilespmem:v1+s13+$0x0], $0xffff  }
0x259: {  	v4 =	vld [tilespmem:s5+$0x1400];
	[tilespmem:s2+$0xA420] =	vst v2;
	v2 =	vadd.s32 $0x80, v1  }
0x25a: {  	v3 =	vld.idx.msk [tilespmem:v3+s13+$0x0], $0xffff  }
0x25b: {  	v6 =	vadd.s32 $0x180, v5;
	_ =	sdelay $0x1  }
0x25c: {  	[tilespmem:s3+$0x9010] =	vst v0  }
0x25d: {  	v0 =	vld.idx.msk [tilespmem:v2+s13+$0x0], $0xffff  }
0x25e: {  	v2 =	vadd.s32 $0x100, v1;
	[tilespmem:s2+$0xB820] =	vst v3  }
0x25f: {  	v3 =	vld.idx.msk [tilespmem:v6+s13+$0x0], $0xffff  }
0x260: {  	v5 =	vadd.s32 $0x200, v5;
	v6 =	vld.idx.msk [tilespmem:v4+s13+$0x0], $0xffff  }
0x261: {  	v7 =	vadd.s32 $0x80, v4  }
0x262: {  	v8 =	vld [tilespmem:s2+$0x1430];
	[tilespmem:s3+$0xA410] =	vst v0  }
0x263: {  	v0 =	vld.idx.msk [tilespmem:v2+s13+$0x0], $0xffff  }
0x264: {  	v2 =	vadd.s32 $0x180, v1;
	[tilespmem:s2+$0xCC20] =	vst v3  }
0x265: {  	[tilespmem:s5+$0x9000] =	vst v6;
	v3 =	vld.idx.msk [tilespmem:v5+s13+$0x0], $0xffff  }
0x266: {  	v5 =	vld.idx.msk [tilespmem:v7+s13+$0x0], $0xffff  }
0x267: {  	v6 =	vadd.s32 $0x100, v4  }
0x268: {  	[tilespmem:s3+$0xB810] =	vst v0  }
0x269: {  	v0 =	vld.idx.msk [tilespmem:v2+s13+$0x0], $0xffff  }
0x26a: {  	v1 =	vadd.s32 $0x200, v1;
	[tilespmem:s2+$0xE020] =	vst v3  }
0x26b: {  	[tilespmem:s5+$0xA400] =	vst v5;
	v2 =	vld.idx.msk [tilespmem:v8+s13+$0x0], $0xffff  }
0x26c: {  	v3 =	vadd.s32 $0x80, v8;
	v5 =	vld.idx.msk [tilespmem:v6+s13+$0x0], $0xffff  }
0x26d: {  	v6 =	vld [tilespmem:s3+$0x1420]  }
0x26e: {  	v7 =	vadd.s32 $0x180, v4;
	[tilespmem:s3+$0xCC10] =	vst v0  }
0x26f: {  	v0 =	vld.idx.msk [tilespmem:v1+s13+$0x0], $0xffff  }
0x270: {  	[tilespmem:s2+$0x9030] =	vst v2  }
0x271: {  	v1 =	vld.idx.msk [tilespmem:v3+s13+$0x0], $0xffff  }
0x272: {  	[tilespmem:s5+$0xB800] =	vst v5;
	v2 =	vadd.s32 $0x100, v8  }
0x273: {  	v3 =	vld.idx.msk [tilespmem:v7+s13+$0x0], $0xffff  }
0x274: {  	[tilespmem:s3+$0xE010] =	vst v0  }
0x275: {  	v4 =	vadd.s32 $0x200, v4;
	v0 =	vld.idx.msk [tilespmem:v6+s13+$0x0], $0xffff  }
0x276: {  	[tilespmem:s2+$0xA430] =	vst v1;
	v1 =	vadd.s32 $0x80, v6  }
0x277: {  	v2 =	vld.idx.msk [tilespmem:v2+s13+$0x0], $0xffff  }
0x278: {  	v5 =	vld [tilespmem:s5+$0x1410];
	[tilespmem:s5+$0xCC00] =	vst v3;
	v3 =	vadd.s32 $0x180, v8;
	_ =	sdelay $0x1  }
0x279: {  	v4 =	vld.idx.msk [tilespmem:v4+s13+$0x0], $0xffff;
	[tilespmem:s3+$0x9020] =	vst v0  }
0x27a: {  	v0 =	vld.idx.msk [tilespmem:v1+s13+$0x0], $0xffff  }
0x27b: {  	v1 =	vadd.s32 $0x100, v6;
	[tilespmem:s2+$0xB830] =	vst v2  }
0x27c: {  	v2 =	vld.idx.msk [tilespmem:v3+s13+$0x0], $0xffff  }
0x27d: {  	v3 =	vadd.s32 $0x200, v8  }
0x27e: {  	[tilespmem:s5+$0xE000] =	vst v4;
	v4 =	vld [tilespmem:s2+$0x1440]  }
0x27f: {  	v7 =	vld.idx.msk [tilespmem:v5+s13+$0x0], $0xffff;
	[tilespmem:s3+$0xA420] =	vst v0  }
0x280: {  	s7 =	simm.s32 $0x180;
	v0 =	vld.idx.msk [tilespmem:v1+s13+$0x0], $0xffff  }
0x281: {  	v1 =	vadd.s32 $0x80, v5;
	[tilespmem:s2+$0xCC30] =	vst v2;
	v2 =	vld [tilespmem:s7+$0x1400]  }
0x282: {  	v8 =	vadd.s32 $0x180, v6;
	v3 =	vld.idx.msk [tilespmem:v3+s13+$0x0], $0xffff;
	_ =	sdelay $0x2  }
0x283: {  	[tilespmem:s5+$0x9010] =	vst v7  }
0x284: {  	v1 =	vld.idx.msk [tilespmem:v1+s13+$0x0], $0xffff;
	[tilespmem:s3+$0xB820] =	vst v0  }
0x285: {  	v0 =	vld.idx.msk [tilespmem:v8+s13+$0x0], $0xffff;
	[tilespmem:s2+$0xE030] =	vst v3;
	v3 =	vadd.s32 $0x100, v5  }
0x286: {  	v6 =	vadd.s32 $0x200, v6;
	v7 =	vld.idx.msk [tilespmem:v4+s13+$0x0], $0xffff  }
0x287: {  	v8 =	vadd.s32 $0x80, v4;
	v9 =	vld.idx.msk [tilespmem:v2+s13+$0x0], $0xffff  }
0x288: {  	v10 =	vadd.s32 $0x80, v2  }
0x289: {  	v11 =	vld [tilespmem:s3+$0x1430];
	[tilespmem:s5+$0xA410] =	vst v1  }
0x28a: {  	[tilespmem:s3+$0xCC20] =	vst v0;
	v1 =	vld.idx.msk [tilespmem:v3+s13+$0x0], $0xffff  }
0x28b: {  	v0 =	vld.idx.msk [tilespmem:v6+s13+$0x0], $0xffff;
	v3 =	vadd.s32 $0x180, v5;
	[tilespmem:s2+$0x9040] =	vst v7  }
0x28c: {  	v6 =	vld.idx.msk [tilespmem:v8+s13+$0x0], $0xffff;
	[tilespmem:s7+$0x9000] =	vst v9  }
0x28d: {  	v7 =	vadd.s32 $0x100, v4;
	v8 =	vld.idx.msk [tilespmem:v10+s13+$0x0], $0xffff  }
0x28e: {  	v9 =	vadd.s32 $0x100, v2  }
0x28f: {  	[tilespmem:s5+$0xB810] =	vst v1  }
0x290: {  	[tilespmem:s3+$0xE020] =	vst v0;
	v1 =	vld.idx.msk [tilespmem:v3+s13+$0x0], $0xffff  }
0x291: {  	v0 =	vld.idx.msk [tilespmem:v11+s13+$0x0], $0xffff;
	v3 =	vadd.s32 $0x200, v5;
	[tilespmem:s2+$0xA440] =	vst v6  }
0x292: {  	v6 =	vadd.s32 $0x80, v11;
	v5 =	vld.idx.msk [tilespmem:v7+s13+$0x0], $0xffff;
	[tilespmem:s7+$0xA400] =	vst v8  }
0x293: {  	v7 =	vadd.s32 $0x180, v4;
	v8 =	vld.idx.msk [tilespmem:v9+s13+$0x0], $0xffff  }
0x294: {  	v9 =	vld [tilespmem:s5+$0x1420]  }
0x295: {  	v10 =	vadd.s32 $0x180, v2;
	[tilespmem:s5+$0xCC10] =	vst v1  }
0x296: {  	[tilespmem:s3+$0x9030] =	vst v0;
	v1 =	vld.idx.msk [tilespmem:v3+s13+$0x0], $0xffff  }
0x297: {  	v0 =	vld.idx.msk [tilespmem:v6+s13+$0x0], $0xffff;
	[tilespmem:s2+$0xB840] =	vst v5  }
0x298: {  	v5 =	vadd.s32 $0x100, v11;
	v3 =	vld.idx.msk [tilespmem:v7+s13+$0x0], $0xffff  }
0x299: {  	v4 =	vadd.s32 $0x200, v4;
	[tilespmem:s7+$0xB800] =	vst v8  }
0x29a: {  	v6 =	vld.idx.msk [tilespmem:v10+s13+$0x0], $0xffff  }
0x29b: {  	v7 =	vld [tilespmem:s2+$0x1450];
	[tilespmem:s5+$0xE010] =	vst v1  }
0x29c: {  	[tilespmem:s3+$0xA430] =	vst v0;
	v0 =	vadd.s32 $0x200, v2;
	v1 =	vld.idx.msk [tilespmem:v9+s13+$0x0], $0xffff  }
0x29d: {  	v2 =	vld.idx.msk [tilespmem:v5+s13+$0x0], $0xffff;
	[tilespmem:s2+$0xCC40] =	vst v3;
	v3 =	vadd.s32 $0x80, v9  }
0x29e: {  	v5 =	vadd.s32 $0x180, v11;
	v4 =	vld.idx.msk [tilespmem:v4+s13+$0x0], $0xffff  }
0x29f: {  	[tilespmem:s7+$0xCC00] =	vst v6;
	v6 =	vld [tilespmem:s7+$0x1410];
	_ =	sdelay $0x1  }
0x2a0: {  	v0 =	vld.idx.msk [tilespmem:v0+s13+$0x0], $0xffff;
	[tilespmem:s5+$0x9020] =	vst v1  }
0x2a1: {  	[tilespmem:s3+$0xB830] =	vst v2;
	v1 =	vld.idx.msk [tilespmem:v3+s13+$0x0], $0xffff  }
0x2a2: {  	v2 =	vld.idx.msk [tilespmem:v5+s13+$0x0], $0xffff;
	v3 =	vadd.s32 $0x100, v9;
	[tilespmem:s2+$0xE040] =	vst v4  }
0x2a3: {  	v5 =	vadd.s32 $0x200, v11;
	v4 =	vld.idx.msk [tilespmem:v7+s13+$0x0], $0xffff  }
0x2a4: {  	v8 =	vadd.s32 $0x80, v7  }
0x2a5: {  	v10 =	vld [tilespmem:s3+$0x1440];
	[tilespmem:s7+$0xE000] =	vst v0  }
0x2a6: {  	v0 =	vld.idx.msk [tilespmem:v6+s13+$0x0], $0xffff;
	[tilespmem:s5+$0xA420] =	vst v1  }
0x2a7: {  	[tilespmem:s3+$0xCC30] =	vst v2;
	v1 =	vld.idx.msk [tilespmem:v3+s13+$0x0], $0xffff  }
0x2a8: {  	v2 =	vadd.s32 $0x80, v6;
	v3 =	vld.idx.msk [tilespmem:v5+s13+$0x0], $0xffff;
	[tilespmem:s2+$0x9050] =	vst v4  }
0x2a9: {  	s9 =	simm.s32 $0x200;
	v4 =	vadd.s32 $0x180, v9;
	v5 =	vld.idx.msk [tilespmem:v8+s13+$0x0], $0xffff  }
0x2aa: {  	v8 =	vld [tilespmem:s9+$0x1400]  }
0x2ab: {  	v11 =	vadd.s32 $0x100, v7  }
0x2ac: {  	[tilespmem:s7+$0x9010] =	vst v0  }
0x2ad: {  	v0 =	vld.idx.msk [tilespmem:v2+s13+$0x0], $0xffff;
	[tilespmem:s5+$0xB820] =	vst v1  }
0x2ae: {  	v2 =	vadd.s32 $0x100, v6;
	[tilespmem:s3+$0xE030] =	vst v3;
	v1 =	vld.idx.msk [tilespmem:v4+s13+$0x0], $0xffff  }
0x2af: {  	v3 =	vld.idx.msk [tilespmem:v10+s13+$0x0], $0xffff;
	v4 =	vadd.s32 $0x200, v9;
	[tilespmem:s2+$0xA450] =	vst v5  }
0x2b0: {  	v9 =	vadd.s32 $0x80, v10;
	v5 =	vld.idx.msk [tilespmem:v11+s13+$0x0], $0xffff  }
0x2b1: {  	v55 =	vadd.s32 $0x180, v7;
	v11 =	vld [tilespmem:s5+$0x1430]  }
0x2b2: {  	[tilespmem:s7+$0xA410] =	vst v0;
	v56 =	vld.idx.msk [tilespmem:v8+s13+$0x0], $0xffff  }
0x2b3: {  	v2 =	vld.idx.msk [tilespmem:v2+s13+$0x0], $0xffff;
	[tilespmem:s5+$0xCC20] =	vst v1;
	v1 =	vadd.s32 $0x80, v8  }
0x2b4: {  	[tilespmem:s3+$0x9040] =	vst v3;
	v3 =	vadd.s32 $0x180, v6;
	v4 =	vld.idx.msk [tilespmem:v4+s13+$0x0], $0xffff  }
0x2b5: {  	v9 =	vld.idx.msk [tilespmem:v9+s13+$0x0], $0xffff;
	[tilespmem:s2+$0xB850] =	vst v5  }
0x2b6: {  	v57 =	vadd.s32 $0x100, v10;
	v5 =	vld.idx.msk [tilespmem:v55+s13+$0x0], $0xffff  }
0x2b7: {  	v7 =	vadd.s32 $0x200, v7;
	v0 =	vld [tilespmem:s2+$0x1460];
	[tilespmem:s9+$0x9000] =	vst v56  }
0x2b8: {  	[tilespmem:s7+$0xB810] =	vst v2;
	v1 =	vld.idx.msk [tilespmem:v1+s13+$0x0], $0xffff  }
0x2b9: {  	v2 =	vld.idx.msk [tilespmem:v3+s13+$0x0], $0xffff;
	v3 =	vadd.s32 $0x100, v8;
	[tilespmem:s5+$0xE020] =	vst v4  }
0x2ba: {  	v6 =	vadd.s32 $0x200, v6;
	[tilespmem:s3+$0xA440] =	vst v9;
	v58 =	vld.idx.msk [tilespmem:v11+s13+$0x0], $0xffff  }
0x2bb: {  	v9 =	vld.idx.msk [tilespmem:v57+s13+$0x0], $0xffff;
	[tilespmem:s2+$0xCC50] =	vst v5;
	v5 =	vadd.s32 $0x80, v11  }
0x2bc: {  	v59 =	vadd.s32 $0x180, v10;
	v7 =	vld.idx.msk [tilespmem:v7+s13+$0x0], $0xffff  }
0x2bd: {  	v4 =	vld [tilespmem:s7+$0x1420];
	[tilespmem:s9+$0xA400] =	vst v1  }
0x2be: {  	[tilespmem:s7+$0xCC10] =	vst v2;
	v1 =	vld.idx.msk [tilespmem:v3+s13+$0x0], $0xffff  }
0x2bf: {  	v2 =	vadd.s32 $0x180, v8;
	v3 =	vld.idx.msk [tilespmem:v6+s13+$0x0], $0xffff;
	[tilespmem:s5+$0x9030] =	vst v58  }
0x2c0: {  	[tilespmem:s3+$0xB840] =	vst v9;
	v5 =	vld.idx.msk [tilespmem:v5+s13+$0x0], $0xffff  }
0x2c1: {  	v6 =	vld.idx.msk [tilespmem:v59+s13+$0x0], $0xffff;
	[tilespmem:s2+$0xE050] =	vst v7  }
0x2c2: {  	v7 =	vadd.s32 $0x100, v11;
	v9 =	vld.idx.msk [tilespmem:v0+s13+$0x0], $0xffff  }
0x2c3: {  	v10 =	vadd.s32 $0x200, v10;
	[tilespmem:s9+$0xB800] =	vst v1;
	v1 =	vld [tilespmem:s3+$0x1450]  }
0x2c4: {  	v60 =	vadd.s32 $0x80, v0;
	[tilespmem:s7+$0xE010] =	vst v3;
	v2 =	vld.idx.msk [tilespmem:v2+s13+$0x0], $0xffff  }
0x2c5: {  	v3 =	vld.idx.msk [tilespmem:v4+s13+$0x0], $0xffff  }
0x2c6: {  	v8 =	vadd.s32 $0x200, v8;
	[tilespmem:s5+$0xA430] =	vst v5;
	v5 =	vld [tilespmem:s9+$0x1410]  }
0x2c7: {  	[tilespmem:s3+$0xCC40] =	vst v6;
	v6 =	vadd.s32 $0x80, v4;
	v7 =	vld.idx.msk [tilespmem:v7+s13+$0x0], $0xffff  }
0x2c8: {  	v10 =	vld.idx.msk [tilespmem:v10+s13+$0x0], $0xffff;
	[tilespmem:s2+$0x9060] =	vst v9;
	v9 =	vadd.s32 $0x180, v11  }
0x2c9: {  	v12 =	vld.idx.msk [tilespmem:v60+s13+$0x0], $0xffff  }
0x2ca: {  	[tilespmem:s9+$0xCC00] =	vst v2;
	v2 =	vadd.s32 $0x100, v0  }
0x2cb: {  	[tilespmem:s7+$0x9020] =	vst v3;
	v8 =	vld.idx.msk [tilespmem:v8+s13+$0x0], $0xffff  }
0x2cc: {  	v6 =	vld.idx.msk [tilespmem:v6+s13+$0x0], $0xffff;
	[tilespmem:s5+$0xB830] =	vst v7  }
0x2cd: {  	[tilespmem:s3+$0xE040] =	vst v10;
	v7 =	vld.idx.msk [tilespmem:v9+s13+$0x0], $0xffff;
	v9 =	vadd.s32 $0x100, v4  }
0x2ce: {  	v11 =	vadd.s32 $0x200, v11;
	v61 =	vld.idx.msk [tilespmem:v1+s13+$0x0], $0xffff;
	[tilespmem:s2+$0xA460] =	vst v12  }
0x2cf: {  	s14 =	sor.u32 $0x1, s0;
	v62 =	vadd.s32 $0x80, v1;
	v2 =	vld.idx.msk [tilespmem:v2+s13+$0x0], $0xffff  }
0x2d0: {  	s29 =	smulhi.u32 $0x66666667, s14;
	v63 =	vadd.s32 $0x180, v0;
	v3 =	vld [tilespmem:s5+$0x1440];
	[tilespmem:s9+$0xE000] =	vst v8  }
0x2d1: {  	[tilespmem:s7+$0xA420] =	vst v6;
	v10 =	vld.idx.msk [tilespmem:v5+s13+$0x0], $0xffff  }
0x2d2: {  	s6 =	sshrl.u32 s29, $0x1;
	v8 =	vld.idx.msk [tilespmem:v9+s13+$0x0], $0xffff;
	[tilespmem:s5+$0xCC30] =	vst v7  }
0x2d3: {  	s28 =	smul.u32 $0x5, s6;
	[tilespmem:s3+$0x9050] =	vst v61;
	v7 =	vld.idx.msk [tilespmem:v11+s13+$0x0], $0xffff;
	v11 =	vadd.s32 $0x80, v5  }
0x2d4: {  	v9 =	vadd.s32 $0x180, v4;
	v6 =	vld.idx.msk [tilespmem:v62+s13+$0x0], $0xffff;
	[tilespmem:s2+$0xB860] =	vst v2  }
0x2d5: {  	s30 =	simm.s32 $0x280;
	s14 =	ssub.s32 s14, s28;
	s28 =	simm.s32 $0xC00;
	v2 =	vld.idx.msk [tilespmem:v63+s13+$0x0], $0xffff  }
.LBB2_5:
0x2d6: {  	p0 =	sne.s32 s28, $0x4E00;
	v12 =	vld [tilespmem:s30+$0x1400];
	v13 =	vadd.s32 $0x100, v1;
	s29 =	smov.u32 s3;
	s3 =	smov.u32 s5  }
0x2d7: {  	v0 =	vadd.s32 $0x200, v0;
	s5 =	smov.u32 s7;
	s7 =	smov.u32 s9;
	[tilespmem:s9+$0x9010] =	vst v10;
	v10 =	vld [tilespmem:s2+$0x1470];
	s9 =	smov.u32 s30  }
0x2d8: {  	v11 =	vld.idx.msk [tilespmem:v11+s13+$0x0], $0xffff;
	[tilespmem:s5+$0xB820] =	vst v8  }
0x2d9: {  	v8 =	vld.idx.msk [tilespmem:v9+s13+$0x0], $0xffff;
	[tilespmem:s3+$0xE030] =	vst v7  }
0x2da: {  	v7 =	vadd.s32 $0x100, v5;
	v9 =	vld.idx.msk [tilespmem:v3+s13+$0x0], $0xffff;
	[tilespmem:s29+$0xA450] =	vst v6  }
0x2db: {  	v4 =	vadd.s32 $0x200, v4;
	v6 =	vld.idx.msk [tilespmem:v13+s13+$0x0], $0xffff;
	[tilespmem:s2+$0xCC60] =	vst v2  }
0x2dc: {  	v2 =	vadd.s32 $0x80, v3;
	v0 =	vld.idx.msk [tilespmem:v0+s13+$0x0], $0xffff  }
0x2dd: {  	v14 =	vadd.s32 $0x180, v1;
	v13 =	vld [tilespmem:s5+$0x1430]  }
0x2de: {  	v15 =	vld.idx.msk [tilespmem:v12+s13+$0x0], $0xffff;
	[tilespmem:s7+$0xA410] =	vst v11  }
0x2df: {  	v7 =	vld.idx.msk [tilespmem:v7+s13+$0x0], $0xffff;
	[tilespmem:s5+$0xCC20] =	vst v8  }
0x2e0: {  	v8 =	vadd.s32 $0x80, v12;
	v4 =	vld.idx.msk [tilespmem:v4+s13+$0x0], $0xffff;
	[tilespmem:s3+$0x9040] =	vst v9  }
0x2e1: {  	v9 =	vadd.s32 $0x180, v5;
	v2 =	vld.idx.msk [tilespmem:v2+s13+$0x0], $0xffff;
	[tilespmem:s29+$0xB850] =	vst v6  }
0x2e2: {  	v6 =	vld.idx.msk [tilespmem:v14+s13+$0x0], $0xffff;
	[tilespmem:s2+$0xE060] =	vst v0  }
0x2e3: {  	v11 =	vadd.s32 $0x100, v3;
	v14 =	vld.idx.msk [tilespmem:v10+s13+$0x0], $0xffff  }
0x2e4: {  	v1 =	vadd.s32 $0x200, v1;
	[tilespmem:s9+$0x9000] =	vst v15;
	v0 =	vld [tilespmem:s29+$0x1460]  }
0x2e5: {  	v8 =	vld.idx.msk [tilespmem:v8+s13+$0x0], $0xffff;
	[tilespmem:s7+$0xB810] =	vst v7;
	v7 =	vadd.s32 $0x80, v10  }
0x2e6: {  	v9 =	vld.idx.msk [tilespmem:v9+s13+$0x0], $0xffff;
	[tilespmem:s5+$0xE020] =	vst v4  }
0x2e7: {  	v15 =	vadd.s32 $0x100, v12;
	v16 =	vld.idx.msk [tilespmem:v13+s13+$0x0], $0xffff;
	[tilespmem:s3+$0xA440] =	vst v2  }
0x2e8: {  	v2 =	vadd.s32 $0x200, v5;
	v5 =	vld.idx.msk [tilespmem:v11+s13+$0x0], $0xffff;
	[tilespmem:s29+$0xCC50] =	vst v6  }
0x2e9: {  	v6 =	vadd.s32 $0x80, v13;
	v1 =	vld.idx.msk [tilespmem:v1+s13+$0x0], $0xffff;
	[tilespmem:s2+$0x9070] =	vst v14  }
0x2ea: {  	v11 =	vadd.s32 $0x180, v3;
	v7 =	vld.idx.msk [tilespmem:v7+s13+$0x0], $0xffff  }
0x2eb: {  	[tilespmem:s9+$0xA400] =	vst v8;
	v4 =	vld [tilespmem:s7+$0x1420]  }
0x2ec: {  	v8 =	vld.idx.msk [tilespmem:v15+s13+$0x0], $0xffff;
	[tilespmem:s7+$0xCC10] =	vst v9;
	v9 =	vadd.s32 $0x100, v10  }
0x2ed: {  	v2 =	vld.idx.msk [tilespmem:v2+s13+$0x0], $0xffff;
	[tilespmem:s5+$0x9030] =	vst v16  }
0x2ee: {  	v14 =	vadd.s32 $0x180, v12;
	v6 =	vld.idx.msk [tilespmem:v6+s13+$0x0], $0xffff;
	[tilespmem:s3+$0xB840] =	vst v5  }
0x2ef: {  	v5 =	vld.idx.msk [tilespmem:v11+s13+$0x0], $0xffff;
	[tilespmem:s29+$0xE050] =	vst v1  }
0x2f0: {  	v11 =	vadd.s32 $0x100, v13;
	v15 =	vld.idx.msk [tilespmem:v0+s13+$0x0], $0xffff;
	[tilespmem:s2+$0xA470] =	vst v7  }
0x2f1: {  	v3 =	vadd.s32 $0x200, v3;
	v7 =	vld.idx.msk [tilespmem:v9+s13+$0x0], $0xffff  }
0x2f2: {  	[tilespmem:s9+$0xB800] =	vst v8;
	v1 =	vld [tilespmem:s3+$0x1450];
	v8 =	vadd.s32 $0x80, v0  }
0x2f3: {  	v9 =	vld.idx.msk [tilespmem:v14+s13+$0x0], $0xffff;
	[tilespmem:s7+$0xE010] =	vst v2;
	v2 =	vadd.s32 $0x180, v10  }
0x2f4: {  	v14 =	vld.idx.msk [tilespmem:v4+s13+$0x0], $0xffff;
	[tilespmem:s5+$0xA430] =	vst v6  }
0x2f5: {  	v6 =	vadd.s32 $0x200, v12;
	v11 =	vld.idx.msk [tilespmem:v11+s13+$0x0], $0xffff;
	[tilespmem:s3+$0xCC40] =	vst v5  }
0x2f6: {  	v12 =	vadd.s32 $0x80, v4;
	v3 =	vld.idx.msk [tilespmem:v3+s13+$0x0], $0xffff;
	[tilespmem:s29+$0x9060] =	vst v15  }
0x2f7: {  	v15 =	vadd.s32 $0x180, v13;
	v8 =	vld.idx.msk [tilespmem:v8+s13+$0x0], $0xffff;
	[tilespmem:s2+$0xB870] =	vst v7  }
0x2f8: {  	v2 =	vld.idx.msk [tilespmem:v2+s13+$0x0], $0xffff  }
0x2f9: {  	v7 =	vadd.s32 $0x100, v0;
	[tilespmem:s9+$0xCC00] =	vst v9;
	v5 =	vld [tilespmem:s9+$0x1410]  }
0x2fa: {  	v9 =	vadd.s32 $0x200, v10;
	v6 =	vld.idx.msk [tilespmem:v6+s13+$0x0], $0xffff;
	[tilespmem:s7+$0x9020] =	vst v14  }
0x2fb: {  	v12 =	vld.idx.msk [tilespmem:v12+s13+$0x0], $0xffff;
	[tilespmem:s5+$0xB830] =	vst v11  }
0x2fc: {  	v11 =	vld.idx.msk [tilespmem:v15+s13+$0x0], $0xffff;
	[tilespmem:s3+$0xE040] =	vst v3  }
0x2fd: {  	v14 =	vadd.s32 $0x100, v4;
	v15 =	vld.idx.msk [tilespmem:v1+s13+$0x0], $0xffff;
	[tilespmem:s29+$0xA460] =	vst v8  }
0x2fe: {  	v13 =	vadd.s32 $0x200, v13;
	v16 =	vld.idx.msk [tilespmem:v7+s13+$0x0], $0xffff;
	[tilespmem:s2+$0xCC70] =	vst v2  }
0x2ff: {  	v2 =	vadd.s32 $0x80, v1;
	v17 =	vld.idx.msk [tilespmem:v9+s13+$0x0], $0xffff  }
0x300: {  	v18 =	vadd.s32 $0x180, v0;
	[tilespmem:s9+$0xE000] =	vst v6;
	v3 =	vld [tilespmem:s5+$0x1440]  }
.Ltmp3:
0x301: {  	v10 =	vld.idx.msk [tilespmem:v5+s13+$0x0], $0xffff;
	[tilespmem:s7+$0xA420] =	vst v12;
	(pc) =	sbr.rel @p0 .LBB2_5-.Ltmp3, $4  }
0x302: {  	v8 =	vld.idx.msk [tilespmem:v14+s13+$0x0], $0xffff;
	[tilespmem:s5+$0xCC30] =	vst v11  }
0x303: {  	v11 =	vadd.s32 $0x80, v5;
	v7 =	vld.idx.msk [tilespmem:v13+s13+$0x0], $0xffff;
	[tilespmem:s3+$0x9050] =	vst v15  }
0x304: {  	v9 =	vadd.s32 $0x180, v4;
	v6 =	vld.idx.msk [tilespmem:v2+s13+$0x0], $0xffff;
	[tilespmem:s29+$0xB860] =	vst v16  }
0x305: {  	s30 =	sshra.s32 s28, $0x2;
	s28 =	sadd.s32 $0x200, s28;
	v2 =	vld.idx.msk [tilespmem:v18+s13+$0x0], $0xffff;
	[tilespmem:s2+$0xE070] =	vst v17;
	s2 =	smov.u32 s29  }
0x306: {  	v12 =	vld [tilespmem:s30+$0x1400];
	_ =	sdelay $0x7  }
0x307: {  	v13 =	vld.idx.msk [tilespmem:v12+s13+$0x0], $0xffff  }
0x308: {  	v14 =	vadd.s32 $0x80, v12;
	_ =	sdelay $0x3  }
0x309: {  	[tilespmem:s30+$0x9000] =	vst v13  }
0x30a: {  	v13 =	vld.idx.msk [tilespmem:v14+s13+$0x0], $0xffff  }
0x30b: {  	v50 =	vadd.s32 $0x100, v12;
	_ =	sdelay $0x3  }
0x30c: {  	[tilespmem:s30+$0xA400] =	vst v13  }
0x30d: {  	v13 =	vld.idx.msk [tilespmem:v50+s13+$0x0], $0xffff  }
0x30e: {  	v51 =	vadd.s32 $0x180, v12;
	_ =	sdelay $0x3  }
0x30f: {  	[tilespmem:s30+$0xB800] =	vst v13  }
0x310: {  	v13 =	vld.idx.msk [tilespmem:v51+s13+$0x0], $0xffff  }
0x311: {  	v12 =	vadd.s32 $0x200, v12;
	_ =	sdelay $0x2  }
0x312: {  	v52 =	vld [tilespmem:s30+$0x1410]  }
0x313: {  	[tilespmem:s30+$0xCC00] =	vst v13  }
0x314: {  	v12 =	vld.idx.msk [tilespmem:v12+s13+$0x0], $0xffff;
	_ =	sdelay $0x4  }
0x315: {  	[tilespmem:s30+$0xE000] =	vst v12  }
0x316: {  	v12 =	vld.idx.msk [tilespmem:v52+s13+$0x0], $0xffff  }
0x317: {  	v53 =	vadd.s32 $0x80, v52;
	_ =	sdelay $0x2  }
0x318: {  	[tilespmem:s9+$0x9010] =	vst v10  }
0x319: {  	v10 =	vld.idx.msk [tilespmem:v11+s13+$0x0], $0xffff;
	[tilespmem:s30+$0x9010] =	vst v12  }
0x31a: {  	v54 =	vadd.s32 $0x100, v5;
	v12 =	vld.idx.msk [tilespmem:v53+s13+$0x0], $0xffff  }
0x31b: {  	v55 =	vadd.s32 $0x100, v52;
	_ =	sdelay $0x2  }
0x31c: {  	[tilespmem:s9+$0xA410] =	vst v10  }
0x31d: {  	v10 =	vld.idx.msk [tilespmem:v54+s13+$0x0], $0xffff;
	[tilespmem:s30+$0xA410] =	vst v12  }
0x31e: {  	v56 =	vadd.s32 $0x180, v5;
	v12 =	vld.idx.msk [tilespmem:v55+s13+$0x0], $0xffff  }
0x31f: {  	v57 =	vadd.s32 $0x180, v52;
	_ =	sdelay $0x2  }
0x320: {  	[tilespmem:s9+$0xB810] =	vst v10  }
0x321: {  	v10 =	vld.idx.msk [tilespmem:v56+s13+$0x0], $0xffff;
	[tilespmem:s30+$0xB810] =	vst v12  }
0x322: {  	v58 =	vadd.s32 $0x200, v5;
	v59 =	vld.idx.msk [tilespmem:v57+s13+$0x0], $0xffff  }
0x323: {  	v60 =	vadd.s32 $0x200, v52;
	_ =	sdelay $0x1  }
0x324: {  	v61 =	vld [tilespmem:s9+$0x1420]  }
0x325: {  	v62 =	vld [tilespmem:s30+$0x1420];
	[tilespmem:s9+$0xCC10] =	vst v10  }
0x326: {  	v5 =	vld.idx.msk [tilespmem:v58+s13+$0x0], $0xffff;
	[tilespmem:s30+$0xCC10] =	vst v59  }
0x327: {  	v11 =	vld.idx.msk [tilespmem:v60+s13+$0x0], $0xffff;
	_ =	sdelay $0x3  }
0x328: {  	[tilespmem:s9+$0xE010] =	vst v5  }
0x329: {  	v5 =	vld.idx.msk [tilespmem:v61+s13+$0x0], $0xffff;
	[tilespmem:s30+$0xE010] =	vst v11  }
0x32a: {  	v63 =	vadd.s32 $0x80, v61;
	v16 =	vld.idx.msk [tilespmem:v62+s13+$0x0], $0xffff  }
0x32b: {  	v17 =	vadd.s32 $0x80, v62;
	_ =	sdelay $0x2  }
0x32c: {  	[tilespmem:s9+$0x9020] =	vst v5  }
0x32d: {  	v5 =	vld.idx.msk [tilespmem:v63+s13+$0x0], $0xffff;
	[tilespmem:s30+$0x9020] =	vst v16  }
0x32e: {  	v18 =	vadd.s32 $0x100, v61;
	v12 =	vld.idx.msk [tilespmem:v17+s13+$0x0], $0xffff  }
0x32f: {  	v19 =	vadd.s32 $0x100, v62;
	_ =	sdelay $0x2  }
0x330: {  	[tilespmem:s9+$0xA420] =	vst v5  }
0x331: {  	v5 =	vld.idx.msk [tilespmem:v18+s13+$0x0], $0xffff;
	[tilespmem:s30+$0xA420] =	vst v12  }
0x332: {  	v20 =	vadd.s32 $0x180, v61;
	v12 =	vld.idx.msk [tilespmem:v19+s13+$0x0], $0xffff  }
0x333: {  	v21 =	vadd.s32 $0x180, v62;
	_ =	sdelay $0x1  }
0x334: {  	[tilespmem:s7+$0xB820] =	vst v8  }
0x335: {  	v9 =	vld.idx.msk [tilespmem:v9+s13+$0x0], $0xffff;
	[tilespmem:s9+$0xB820] =	vst v5  }
0x336: {  	v4 =	vadd.s32 $0x200, v4;
	v5 =	vld.idx.msk [tilespmem:v20+s13+$0x0], $0xffff;
	[tilespmem:s30+$0xB820] =	vst v12  }
0x337: {  	v23 =	vadd.s32 $0x200, v61;
	v8 =	vld.idx.msk [tilespmem:v21+s13+$0x0], $0xffff  }
0x338: {  	v22 =	vld [tilespmem:s7+$0x1430];
	v24 =	vadd.s32 $0x200, v62  }
0x339: {  	v25 =	vld [tilespmem:s9+$0x1430]  }
0x33a: {  	v26 =	vld [tilespmem:s30+$0x1430];
	[tilespmem:s7+$0xCC20] =	vst v9  }
0x33b: {  	v4 =	vld.idx.msk [tilespmem:v4+s13+$0x0], $0xffff;
	[tilespmem:s9+$0xCC20] =	vst v5  }
0x33c: {  	v11 =	vld.idx.msk [tilespmem:v23+s13+$0x0], $0xffff;
	[tilespmem:s30+$0xCC20] =	vst v8  }
0x33d: {  	v8 =	vld.idx.msk [tilespmem:v24+s13+$0x0], $0xffff;
	_ =	sdelay $0x2  }
0x33e: {  	[tilespmem:s7+$0xE020] =	vst v4  }
0x33f: {  	v4 =	vld.idx.msk [tilespmem:v22+s13+$0x0], $0xffff;
	[tilespmem:s9+$0xE020] =	vst v11  }
0x340: {  	v27 =	vadd.s32 $0x80, v22;
	v11 =	vld.idx.msk [tilespmem:v25+s13+$0x0], $0xffff;
	[tilespmem:s30+$0xE020] =	vst v8  }
0x341: {  	v28 =	vadd.s32 $0x80, v25;
	v12 =	vld.idx.msk [tilespmem:v26+s13+$0x0], $0xffff  }
0x342: {  	v29 =	vadd.s32 $0x80, v26;
	_ =	sdelay $0x1  }
0x343: {  	[tilespmem:s7+$0x9030] =	vst v4  }
0x344: {  	v9 =	vld.idx.msk [tilespmem:v27+s13+$0x0], $0xffff;
	[tilespmem:s9+$0x9030] =	vst v11  }
0x345: {  	v30 =	vadd.s32 $0x100, v22;
	v8 =	vld.idx.msk [tilespmem:v28+s13+$0x0], $0xffff;
	[tilespmem:s30+$0x9030] =	vst v12  }
0x346: {  	v31 =	vadd.s32 $0x100, v25;
	v4 =	vld.idx.msk [tilespmem:v29+s13+$0x0], $0xffff  }
0x347: {  	v32 =	vadd.s32 $0x100, v26;
	_ =	sdelay $0x1  }
0x348: {  	[tilespmem:s7+$0xA430] =	vst v9  }
0x349: {  	v33 =	vld.idx.msk [tilespmem:v30+s13+$0x0], $0xffff;
	[tilespmem:s9+$0xA430] =	vst v8  }
0x34a: {  	v34 =	vadd.s32 $0x180, v22;
	v8 =	vld.idx.msk [tilespmem:v31+s13+$0x0], $0xffff;
	[tilespmem:s30+$0xA430] =	vst v4  }
0x34b: {  	v35 =	vadd.s32 $0x180, v25;
	v9 =	vld.idx.msk [tilespmem:v32+s13+$0x0], $0xffff  }
0x34c: {  	v36 =	vadd.s32 $0x180, v26;
	_ =	sdelay $0x1  }
0x34d: {  	[tilespmem:s7+$0xB830] =	vst v33  }
0x34e: {  	v12 =	vld.idx.msk [tilespmem:v34+s13+$0x0], $0xffff;
	[tilespmem:s9+$0xB830] =	vst v8  }
0x34f: {  	v37 =	vadd.s32 $0x200, v22;
	v4 =	vld.idx.msk [tilespmem:v35+s13+$0x0], $0xffff;
	[tilespmem:s30+$0xB830] =	vst v9  }
0x350: {  	v39 =	vadd.s32 $0x200, v25;
	v9 =	vld.idx.msk [tilespmem:v36+s13+$0x0], $0xffff  }
0x351: {  	v38 =	vld [tilespmem:s7+$0x1440];
	v5 =	vadd.s32 $0x200, v26  }
0x352: {  	v41 =	vld [tilespmem:s9+$0x1440]  }
0x353: {  	v42 =	vld [tilespmem:s30+$0x1440];
	[tilespmem:s7+$0xCC30] =	vst v12  }
0x354: {  	v40 =	vld.idx.msk [tilespmem:v37+s13+$0x0], $0xffff;
	[tilespmem:s9+$0xCC30] =	vst v4  }
0x355: {  	v8 =	vld.idx.msk [tilespmem:v39+s13+$0x0], $0xffff;
	[tilespmem:s30+$0xCC30] =	vst v9  }
0x356: {  	v5 =	vld.idx.msk [tilespmem:v5+s13+$0x0], $0xffff;
	_ =	sdelay $0x1  }
0x357: {  	[tilespmem:s5+$0xE030] =	vst v7  }
0x358: {  	v7 =	vld.idx.msk [tilespmem:v3+s13+$0x0], $0xffff;
	[tilespmem:s7+$0xE030] =	vst v40  }
0x359: {  	v43 =	vadd.s32 $0x80, v3;
	v10 =	vld.idx.msk [tilespmem:v38+s13+$0x0], $0xffff;
	[tilespmem:s9+$0xE030] =	vst v8  }
0x35a: {  	v44 =	vadd.s32 $0x80, v38;
	v8 =	vld.idx.msk [tilespmem:v41+s13+$0x0], $0xffff;
	[tilespmem:s30+$0xE030] =	vst v5  }
0x35b: {  	v46 =	vadd.s32 $0x80, v41;
	v47 =	vld.idx.msk [tilespmem:v42+s13+$0x0], $0xffff  }
0x35c: {  	v48 =	vadd.s32 $0x80, v42  }
0x35d: {  	[tilespmem:s5+$0x9040] =	vst v7  }
0x35e: {  	[tilespmem:s7+$0x9040] =	vst v10;
	v9 =	vld.idx.msk [tilespmem:v43+s13+$0x0], $0xffff  }
0x35f: {  	v49 =	vadd.s32 $0x100, v3;
	v12 =	vld.idx.msk [tilespmem:v44+s13+$0x0], $0xffff;
	[tilespmem:s9+$0x9040] =	vst v8  }
0x360: {  	v15 =	vadd.s32 $0x100, v38;
	v5 =	vld.idx.msk [tilespmem:v46+s13+$0x0], $0xffff;
	[tilespmem:s30+$0x9040] =	vst v47  }
0x361: {  	v50 =	vadd.s32 $0x100, v41;
	v51 =	vld.idx.msk [tilespmem:v48+s13+$0x0], $0xffff  }
0x362: {  	[tilespmem:s3+$0xA450] =	vst v6;
	v52 =	vadd.s32 $0x100, v42  }
0x363: {  	v45 =	vadd.s32 $0x100, v1;
	v61 =	vld [tilespmem:s5+$0x1450];
	[tilespmem:s5+$0xA440] =	vst v9  }
0x364: {  	[tilespmem:s7+$0xA440] =	vst v12;
	v6 =	vld.idx.msk [tilespmem:v49+s13+$0x0], $0xffff  }
0x365: {  	v53 =	vadd.s32 $0x180, v3;
	v12 =	vld.idx.msk [tilespmem:v15+s13+$0x0], $0xffff;
	[tilespmem:s9+$0xA440] =	vst v5  }
0x366: {  	v54 =	vadd.s32 $0x180, v38;
	v5 =	vld.idx.msk [tilespmem:v50+s13+$0x0], $0xffff;
	[tilespmem:s30+$0xA440] =	vst v51  }
0x367: {  	v55 =	vadd.s32 $0x180, v41;
	v56 =	vld.idx.msk [tilespmem:v52+s13+$0x0], $0xffff  }
0x368: {  	v58 =	vadd.s32 $0x180, v42;
	v13 =	vld.idx.msk [tilespmem:v45+s13+$0x0], $0xffff  }
0x369: {  	v18 =	vld [tilespmem:s9+$0x1450];
	[tilespmem:s5+$0xB840] =	vst v6  }
0x36a: {  	[tilespmem:s7+$0xB840] =	vst v12;
	v57 =	vld.idx.msk [tilespmem:v53+s13+$0x0], $0xffff  }
0x36b: {  	v59 =	vadd.s32 $0x200, v3;
	v60 =	vld.idx.msk [tilespmem:v54+s13+$0x0], $0xffff;
	[tilespmem:s9+$0xB840] =	vst v5  }
0x36c: {  	v14 =	vadd.s32 $0x200, v38;
	v5 =	vld.idx.msk [tilespmem:v55+s13+$0x0], $0xffff;
	[tilespmem:s30+$0xB840] =	vst v56  }
0x36d: {  	v63 =	vadd.s32 $0x200, v41;
	v7 =	vld.idx.msk [tilespmem:v58+s13+$0x0], $0xffff  }
0x36e: {  	v62 =	vld [tilespmem:s7+$0x1450];
	v4 =	vadd.s32 $0x200, v42  }
0x36f: {  	v16 =	vadd.s32 $0x180, v1;
	v19 =	vld [tilespmem:s30+$0x1450];
	[tilespmem:s5+$0xCC40] =	vst v57  }
0x370: {  	[tilespmem:s7+$0xCC40] =	vst v60;
	v3 =	vld.idx.msk [tilespmem:v59+s13+$0x0], $0xffff  }
0x371: {  	v17 =	vld.idx.msk [tilespmem:v14+s13+$0x0], $0xffff;
	[tilespmem:s9+$0xCC40] =	vst v5  }
0x372: {  	v6 =	vld.idx.msk [tilespmem:v63+s13+$0x0], $0xffff;
	[tilespmem:s30+$0xCC40] =	vst v7  }
0x373: {  	[tilespmem:s3+$0xB850] =	vst v13;
	v21 =	vld.idx.msk [tilespmem:v4+s13+$0x0], $0xffff  }
0x374: {  	v13 =	vld.idx.msk [tilespmem:v16+s13+$0x0], $0xffff  }
0x375: {  	v16 =	vld [tilespmem:s3+$0x1460];
	[tilespmem:s5+$0xE040] =	vst v3  }
0x376: {  	v20 =	vadd.s32 $0x200, v1;
	[tilespmem:s7+$0xE040] =	vst v17;
	v22 =	vld.idx.msk [tilespmem:v61+s13+$0x0], $0xffff  }
0x377: {  	v23 =	vadd.s32 $0x80, v61;
	v8 =	vld.idx.msk [tilespmem:v62+s13+$0x0], $0xffff;
	[tilespmem:s9+$0xE040] =	vst v6  }
0x378: {  	v24 =	vadd.s32 $0x80, v62;
	v6 =	vld.idx.msk [tilespmem:v18+s13+$0x0], $0xffff;
	[tilespmem:s30+$0xE040] =	vst v21  }
0x379: {  	v25 =	vadd.s32 $0x80, v18;
	v26 =	vld.idx.msk [tilespmem:v19+s13+$0x0], $0xffff  }
0x37a: {  	[tilespmem:s3+$0xCC50] =	vst v13;
	v27 =	vadd.s32 $0x80, v19  }
0x37b: {  	v0 =	vadd.s32 $0x200, v0;
	v1 =	vld.idx.msk [tilespmem:v20+s13+$0x0], $0xffff;
	[tilespmem:s5+$0x9050] =	vst v22  }
0x37c: {  	[tilespmem:s7+$0x9050] =	vst v8;
	v7 =	vld.idx.msk [tilespmem:v23+s13+$0x0], $0xffff  }
0x37d: {  	v28 =	vadd.s32 $0x100, v61;
	v10 =	vld.idx.msk [tilespmem:v24+s13+$0x0], $0xffff;
	[tilespmem:s9+$0x9050] =	vst v6  }
0x37e: {  	v29 =	vadd.s32 $0x100, v62;
	v3 =	vld.idx.msk [tilespmem:v25+s13+$0x0], $0xffff;
	[tilespmem:s30+$0x9050] =	vst v26  }
0x37f: {  	[tilespmem:s2+$0xCC60] =	vst v2;
	v31 =	vadd.s32 $0x100, v18;
	v32 =	vld.idx.msk [tilespmem:v27+s13+$0x0], $0xffff  }
0x380: {  	v0 =	vld.idx.msk [tilespmem:v0+s13+$0x0], $0xffff;
	[tilespmem:s3+$0xE050] =	vst v1;
	v34 =	vadd.s32 $0x100, v19  }
0x381: {  	v13 =	vld.idx.msk [tilespmem:v16+s13+$0x0], $0xffff;
	[tilespmem:s5+$0xA450] =	vst v7  }
0x382: {  	[tilespmem:s7+$0xA450] =	vst v10;
	v33 =	vld.idx.msk [tilespmem:v28+s13+$0x0], $0xffff  }
0x383: {  	v35 =	vadd.s32 $0x180, v61;
	v1 =	vld.idx.msk [tilespmem:v29+s13+$0x0], $0xffff;
	[tilespmem:s9+$0xA450] =	vst v3  }
0x384: {  	v36 =	vadd.s32 $0x180, v62;
	v3 =	vld.idx.msk [tilespmem:v31+s13+$0x0], $0xffff;
	[tilespmem:s30+$0xA450] =	vst v32  }
0x385: {  	v37 =	vadd.s32 $0x180, v18;
	v7 =	vld.idx.msk [tilespmem:v34+s13+$0x0], $0xffff  }
0x386: {  	v38 =	vadd.s32 $0x180, v19;
	v41 =	vld [tilespmem:s5+$0x1460]  }
0x387: {  	v43 =	vld [tilespmem:s7+$0x1460];
	[tilespmem:s5+$0xB850] =	vst v33  }
0x388: {  	[tilespmem:s7+$0xB850] =	vst v1;
	v8 =	vld.idx.msk [tilespmem:v35+s13+$0x0], $0xffff  }
0x389: {  	v39 =	vadd.s32 $0x200, v61;
	v40 =	vld.idx.msk [tilespmem:v36+s13+$0x0], $0xffff;
	[tilespmem:s9+$0xB850] =	vst v3  }
0x38a: {  	v42 =	vadd.s32 $0x200, v62;
	v3 =	vld.idx.msk [tilespmem:v37+s13+$0x0], $0xffff;
	[tilespmem:s30+$0xB850] =	vst v7  }
0x38b: {  	v44 =	vadd.s32 $0x200, v18;
	v1 =	vld.idx.msk [tilespmem:v38+s13+$0x0], $0xffff  }
0x38c: {  	v49 =	vld [tilespmem:s30+$0x1460];
	v5 =	vadd.s32 $0x200, v19  }
0x38d: {  	v47 =	vld [tilespmem:s9+$0x1460];
	[tilespmem:s5+$0xCC50] =	vst v8  }
0x38e: {  	v30 =	vadd.s32 $0x80, v16;
	[tilespmem:s7+$0xCC50] =	vst v40;
	v45 =	vld.idx.msk [tilespmem:v39+s13+$0x0], $0xffff  }
0x38f: {  	v46 =	vld.idx.msk [tilespmem:v42+s13+$0x0], $0xffff;
	[tilespmem:s9+$0xCC50] =	vst v3  }
0x390: {  	v4 =	vld.idx.msk [tilespmem:v44+s13+$0x0], $0xffff;
	[tilespmem:s30+$0xCC50] =	vst v1  }
0x391: {  	v1 =	vld.idx.msk [tilespmem:v5+s13+$0x0], $0xffff  }
0x392: {  	v11 =	vld [tilespmem:s2+$0x1470];
	[tilespmem:s3+$0x9060] =	vst v13  }
0x393: {  	v6 =	vld.idx.msk [tilespmem:v30+s13+$0x0], $0xffff;
	[tilespmem:s5+$0xE050] =	vst v45  }
0x394: {  	[tilespmem:s7+$0xE050] =	vst v46;
	v50 =	vld.idx.msk [tilespmem:v41+s13+$0x0], $0xffff  }
0x395: {  	v51 =	vadd.s32 $0x80, v41;
	v52 =	vld.idx.msk [tilespmem:v43+s13+$0x0], $0xffff;
	[tilespmem:s9+$0xE050] =	vst v4  }
0x396: {  	v54 =	vadd.s32 $0x80, v43;
	v4 =	vld.idx.msk [tilespmem:v47+s13+$0x0], $0xffff;
	[tilespmem:s30+$0xE050] =	vst v1  }
0x397: {  	v56 =	vadd.s32 $0x80, v47;
	v57 =	vld.idx.msk [tilespmem:v49+s13+$0x0], $0xffff  }
0x398: {  	v61 =	vld [tilespmem:s3+$0x1470];
	v58 =	vadd.s32 $0x80, v49;
	[tilespmem:s3+$0xA460] =	vst v6  }
0x399: {  	v48 =	vadd.s32 $0x100, v16;
	v25 =	vld [tilespmem:s5+$0x1470];
	[tilespmem:s5+$0x9060] =	vst v50  }
0x39a: {  	[tilespmem:s7+$0x9060] =	vst v52;
	v6 =	vld.idx.msk [tilespmem:v51+s13+$0x0], $0xffff  }
0x39b: {  	v59 =	vadd.s32 $0x100, v41;
	v10 =	vld.idx.msk [tilespmem:v54+s13+$0x0], $0xffff;
	[tilespmem:s9+$0x9060] =	vst v4  }
0x39c: {  	v60 =	vadd.s32 $0x100, v43;
	v1 =	vld.idx.msk [tilespmem:v56+s13+$0x0], $0xffff;
	[tilespmem:s30+$0x9060] =	vst v57  }
0x39d: {  	v63 =	vadd.s32 $0x100, v47;
	v7 =	vld.idx.msk [tilespmem:v58+s13+$0x0], $0xffff  }
0x39e: {  	v18 =	vadd.s32 $0x100, v49;
	v53 =	vld.idx.msk [tilespmem:v48+s13+$0x0], $0xffff  }
0x39f: {  	v26 =	vld [tilespmem:s7+$0x1470];
	[tilespmem:s5+$0xA460] =	vst v6  }
0x3a0: {  	v55 =	vadd.s32 $0x180, v16;
	[tilespmem:s7+$0xA460] =	vst v10;
	v8 =	vld.idx.msk [tilespmem:v59+s13+$0x0], $0xffff  }
0x3a1: {  	v19 =	vadd.s32 $0x180, v41;
	v15 =	vld.idx.msk [tilespmem:v60+s13+$0x0], $0xffff;
	[tilespmem:s9+$0xA460] =	vst v1  }
0x3a2: {  	v20 =	vadd.s32 $0x180, v43;
	v1 =	vld.idx.msk [tilespmem:v63+s13+$0x0], $0xffff;
	[tilespmem:s30+$0xA460] =	vst v7  }
0x3a3: {  	v21 =	vadd.s32 $0x180, v47;
	v7 =	vld.idx.msk [tilespmem:v18+s13+$0x0], $0xffff  }
0x3a4: {  	v22 =	vadd.s32 $0x180, v49;
	v31 =	vld [tilespmem:s9+$0x1470];
	[tilespmem:s3+$0xB860] =	vst v53  }
0x3a5: {  	v13 =	vld.idx.msk [tilespmem:v55+s13+$0x0], $0xffff;
	[tilespmem:s5+$0xB860] =	vst v8  }
0x3a6: {  	v62 =	vadd.s32 $0x200, v16;
	[tilespmem:s7+$0xB860] =	vst v15;
	v2 =	vld.idx.msk [tilespmem:v19+s13+$0x0], $0xffff  }
0x3a7: {  	v23 =	vadd.s32 $0x200, v41;
	v24 =	vld.idx.msk [tilespmem:v20+s13+$0x0], $0xffff;
	[tilespmem:s9+$0xB860] =	vst v1  }
0x3a8: {  	v14 =	vadd.s32 $0x200, v43;
	v1 =	vld.idx.msk [tilespmem:v21+s13+$0x0], $0xffff;
	[tilespmem:s30+$0xB860] =	vst v7  }
0x3a9: {  	v27 =	vadd.s32 $0x200, v47;
	v28 =	vld.idx.msk [tilespmem:v22+s13+$0x0], $0xffff  }
0x3aa: {  	v32 =	vld [tilespmem:s30+$0x1470];
	[tilespmem:s3+$0xCC60] =	vst v13;
	v3 =	vadd.s32 $0x200, v49  }
0x3ab: {  	v5 =	vld.idx.msk [tilespmem:v62+s13+$0x0], $0xffff;
	[tilespmem:s5+$0xCC60] =	vst v2  }
0x3ac: {  	[tilespmem:s7+$0xCC60] =	vst v24;
	v29 =	vld.idx.msk [tilespmem:v23+s13+$0x0], $0xffff  }
0x3ad: {  	v30 =	vld.idx.msk [tilespmem:v14+s13+$0x0], $0xffff;
	[tilespmem:s9+$0xCC60] =	vst v1  }
0x3ae: {  	v2 =	vld.idx.msk [tilespmem:v27+s13+$0x0], $0xffff;
	[tilespmem:s30+$0xCC60] =	vst v28  }
0x3af: {  	[tilespmem:s2+$0xE060] =	vst v0;
	v33 =	vld.idx.msk [tilespmem:v3+s13+$0x0], $0xffff  }
0x3b0: {  	v34 =	vld.idx.msk [tilespmem:v11+s13+$0x0], $0xffff;
	[tilespmem:s3+$0xE060] =	vst v5  }
0x3b1: {  	v35 =	vadd.s32 $0x80, v11;
	v36 =	vld.idx.msk [tilespmem:v61+s13+$0x0], $0xffff;
	[tilespmem:s5+$0xE060] =	vst v29  }
0x3b2: {  	v37 =	vadd.s32 $0x80, v61;
	[tilespmem:s7+$0xE060] =	vst v30;
	v38 =	vld.idx.msk [tilespmem:v25+s13+$0x0], $0xffff  }
0x3b3: {  	v39 =	vadd.s32 $0x80, v25;
	v12 =	vld.idx.msk [tilespmem:v26+s13+$0x0], $0xffff;
	[tilespmem:s9+$0xE060] =	vst v2  }
0x3b4: {  	v40 =	vadd.s32 $0x80, v26;
	v41 =	vld.idx.msk [tilespmem:v31+s13+$0x0], $0xffff;
	[tilespmem:s30+$0xE060] =	vst v33  }
0x3b5: {  	v42 =	vadd.s32 $0x80, v31;
	[tilespmem:s2+$0x9070] =	vst v34;
	v43 =	vld.idx.msk [tilespmem:v32+s13+$0x0], $0xffff  }
0x3b6: {  	v44 =	vadd.s32 $0x80, v32;
	v5 =	vld.idx.msk [tilespmem:v35+s13+$0x0], $0xffff;
	[tilespmem:s3+$0x9070] =	vst v36  }
0x3b7: {  	v45 =	vadd.s32 $0x100, v11;
	v7 =	vld.idx.msk [tilespmem:v37+s13+$0x0], $0xffff;
	[tilespmem:s5+$0x9070] =	vst v38  }
0x3b8: {  	v46 =	vadd.s32 $0x100, v61;
	[tilespmem:s7+$0x9070] =	vst v12;
	v8 =	vld.idx.msk [tilespmem:v39+s13+$0x0], $0xffff  }
0x3b9: {  	v47 =	vadd.s32 $0x100, v25;
	v2 =	vld.idx.msk [tilespmem:v40+s13+$0x0], $0xffff;
	[tilespmem:s9+$0x9070] =	vst v41  }
0x3ba: {  	v48 =	vadd.s32 $0x100, v26;
	v0 =	vld.idx.msk [tilespmem:v42+s13+$0x0], $0xffff;
	[tilespmem:s30+$0x9070] =	vst v43  }
0x3bb: {  	v49 =	vadd.s32 $0x100, v31;
	[tilespmem:s2+$0xA470] =	vst v5;
	v6 =	vld.idx.msk [tilespmem:v44+s13+$0x0], $0xffff  }
0x3bc: {  	v50 =	vadd.s32 $0x100, v32;
	v10 =	vld.idx.msk [tilespmem:v45+s13+$0x0], $0xffff;
	[tilespmem:s3+$0xA470] =	vst v7  }
0x3bd: {  	v51 =	vadd.s32 $0x180, v11;
	v12 =	vld.idx.msk [tilespmem:v46+s13+$0x0], $0xffff;
	[tilespmem:s5+$0xA470] =	vst v8  }
0x3be: {  	v52 =	vadd.s32 $0x180, v61;
	[tilespmem:s7+$0xA470] =	vst v2;
	v14 =	vld.idx.msk [tilespmem:v47+s13+$0x0], $0xffff  }
0x3bf: {  	v53 =	vadd.s32 $0x180, v25;
	v3 =	vld.idx.msk [tilespmem:v48+s13+$0x0], $0xffff;
	[tilespmem:s9+$0xA470] =	vst v0  }
0x3c0: {  	v54 =	vadd.s32 $0x180, v26;
	v5 =	vld.idx.msk [tilespmem:v49+s13+$0x0], $0xffff;
	[tilespmem:s30+$0xA470] =	vst v6  }
0x3c1: {  	v55 =	vadd.s32 $0x180, v31;
	[tilespmem:s2+$0xB870] =	vst v10;
	v7 =	vld.idx.msk [tilespmem:v50+s13+$0x0], $0xffff  }
0x3c2: {  	v56 =	vadd.s32 $0x180, v32;
	v8 =	vld.idx.msk [tilespmem:v51+s13+$0x0], $0xffff;
	[tilespmem:s3+$0xB870] =	vst v12  }
0x3c3: {  	v11 =	vadd.s32 $0x200, v11;
	v2 =	vld.idx.msk [tilespmem:v52+s13+$0x0], $0xffff;
	[tilespmem:s5+$0xB870] =	vst v14  }
0x3c4: {  	v4 =	vadd.s32 $0x200, v61;
	[tilespmem:s7+$0xB870] =	vst v3;
	v0 =	vld.idx.msk [tilespmem:v53+s13+$0x0], $0xffff  }
0x3c5: {  	v57 =	vadd.s32 $0x200, v25;
	[tilespmem:s9+$0xB870] =	vst v5;
	v6 =	vld.idx.msk [tilespmem:v54+s13+$0x0], $0xffff  }
0x3c6: {  	v58 =	vadd.s32 $0x200, v26;
	v10 =	vld.idx.msk [tilespmem:v55+s13+$0x0], $0xffff;
	[tilespmem:s30+$0xB870] =	vst v7  }
0x3c7: {  	v59 =	vadd.s32 $0x200, v31;
	[tilespmem:s2+$0xCC70] =	vst v8;
	v60 =	vld.idx.msk [tilespmem:v56+s13+$0x0], $0xffff  }
0x3c8: {  	v1 =	vadd.s32 $0x200, v32;
	v61 =	vld.idx.msk [tilespmem:v11+s13+$0x0], $0xffff;
	[tilespmem:s3+$0xCC70] =	vst v2  }
0x3c9: {  	v2 =	vld.idx.msk [tilespmem:v4+s13+$0x0], $0xffff;
	[tilespmem:s5+$0xCC70] =	vst v0  }
0x3ca: {  	v0 =	vld.idx.msk [tilespmem:v57+s13+$0x0], $0xffff;
	[tilespmem:s7+$0xCC70] =	vst v6  }
0x3cb: {  	[tilespmem:s9+$0xCC70] =	vst v10;
	v62 =	vld.idx.msk [tilespmem:v58+s13+$0x0], $0xffff  }
0x3cc: {  	v63 =	vld.idx.msk [tilespmem:v59+s13+$0x0], $0xffff;
	[tilespmem:s30+$0xCC70] =	vst v60  }
0x3cd: {  	[tilespmem:s2+$0xE070] =	vst v61;
	v1 =	vld.idx.msk [tilespmem:v1+s13+$0x0], $0xffff  }
0x3ce: {  	s6 =	sadd.s32 s8, s6;
	s14 =	smul.u32 $0xA0000, s14;
	[tilespmem:s3+$0xE070] =	vst v2  }
0x3cf: {  	s2 =	sshll.u32 s6, $0xA;
	[tilespmem:s5+$0xE070] =	vst v0  }
0x3d0: {  	s2 =	sadd.s32 s14, s2;
	[tilespmem:s7+$0xE070] =	vst v62  }
0x3d1: {  	s2 =	sshrl.u32 s2, $0x3;
	[tilespmem:s9+$0xE070] =	vst v63  }
0x3d2: {  	s2 =	sadd.s32 s4, s2;
	[tilespmem:s30+$0xE070] =	vst v1  }
0x3d3: {  	[hbm4b:s2+s10] =	stream.strided.scatter [tilespmem:s22], [sflag:$0x4], $0x1400, s11, s10, $0x38;
	[tilespmem:$0xF400] =	vst v63  }
0x3d4: {  	s28 =	sadd.s32 $0x64000, s2  }
0x3d5: {  	[hbm4b:s28+s10] =	stream.strided.scatter [tilespmem:s23], [sflag:$0x4], $0x1400, s11, s10, $0x38;
	[tilespmem:$0xF400] =	vst v63  }
0x3d6: {  	s29 =	sadd.s32 $0xC8000, s2  }
0x3d7: {  	[hbm4b:s29+s10] =	stream.strided.scatter [tilespmem:s24], [sflag:$0x4], $0x1400, s11, s10, $0x38;
	[tilespmem:$0xF400] =	vst v63  }
.Ltmp4:
0x3d8: {  	_ = 	snop;
	(pc) =	sbr.rel @p1 .LBB2_8-.Ltmp4, $4  }
0x3d9: {  	s30 =	sadd.s32 $0x12C000, s2  }
0x3da: {  	[hbm4b:s30+s10] =	stream.strided.scatter [tilespmem:s25], [sflag:$0x4], $0x1400, s11, s10, $0x38;
	[tilespmem:$0xF400] =	vst v63  }
0x3db: {  	s2 =	sadd.s32 $0x190000, s2  }
0x3dc: {  	[hbm4b:s2+s10] =	stream.strided.scatter [tilespmem:s26], [sflag:$0x4], $0x1400, s11, s10, $0x38;
	[tilespmem:$0xF400] =	vst v63  }
0x3dd: {  	s0 =	sadd.s32 $0x3, s0  }
0x3de: {  	s2 =	smulhi.u32 $0x66666667, s0;
	_ =	sdelay $0x1  }
0x3df: {  	s2 =	sshrl.u32 s2, $0x1  }
0x3e0: {  	s3 =	smul.u32 $0x5, s2;
	_ =	sdelay $0x1  }
0x3e1: {  	s0 =	ssub.s32 s0, s3  }
0x3e2: {  	s2 =	sadd.s32 s8, s2;
	s0 =	smul.u32 $0xA0000, s0  }
.Ltmp5:
0x3e3: {  	s2 =	sshll.u32 s2, $0xA;
	(pc) =	sbr.rel .LBB2_2-.Ltmp5, $4  }
0x3e4: {  	s0 =	sadd.s32 s0, s2  }
0x3e5: {  	s0 =	sshrl.u32 s0, $0x3  }
0x3e6: {  	s31 =	sadd.s32 $0x1, s31;
	s0 =	sadd.s32 s1, s0  }
0x3e7: {  	[tilespmem:s12], [sflag:$0x2] =	stream.strided.gather [hbm4b:s0+s10], $0x1400, s11, s10, $0x38;
	[tilespmem:$0xF400] =	vst v63  }
.LBB2_9:
0x3e8: {  	_ =	sfence.sel $0x180000  }
0x3e9: {  	[bflag:$0x0] =	sbarrier.arrive $0xFFFF  }
0x3ea: {  	_ =	strace $0x90000047  }
0x3eb: {  	s0 =	stileid.u32;
	[bflag:$0x2] =	sbarrier.arrive $0xFFFF  }
0x3ec: {  	p0 =	sne.s32 s0, $0x0;
	s0 =	rddreg [dreg:$0x3]  }
0x3ed: {  	s0 =	sadd.s32 @!p0 $0x100000, s0  }
0x3ee: {  	[sflag:s0] =	ssyncadd.tile.s32 @!p0 $0x1;
	_ =	shalt  }
.Lfunc_end2:
_tile_overlayer_lowered:
.L_overlay_start_2:
0x3ef: {  	(tag) =	ssettag $0x2  }
0x3f0: {  	s0 =	rddreg [dreg:$0x0];
	s2 =	stileid.u32  }
0x3f1: {  	s1 =	rddreg [dreg:$0x1];
	p0 =	sne.s32 s2, $0x0  }
0x3f2: {  	s3 =	rddreg [dreg:$0x2];
	[bflag:$0x3] =	sbarrier.arrive $0xFFFF;
	s2 =	simm.s32 @!p0 $0x1C05  }
0x3f3: {  	[timem:s3], [sflag:s2] =	dma.local @!p0 [hbm:s0], s1  }
0x3f4: {  	s0 =	simm.s32 @!p0 $0x5  }
0x3f5: {  	_ =	swait.ge @!p0 [sflag:s0], s1  }
0x3f6: {  	s1 =	ssub.s32 @!p0 $0x0, s1;
	[sflag:s0] =	ssyncset.done @!p0 $0x0  }
0x3f7: {  	[sflag:s0] =	ssyncadd.s32 @!p0 s1  }
0x3f8: {  	[bflag:$0x3] =	sbarrier.arrive $0xFFFF  }
0x3f9: {  	_ =	shalt  }

</sc_bundles>
